<compile_context>
chip_gen: v7x
topology: tpu7x:2x2x1
jax: 0.10.2.dev20260603
libtpu: 0.0.44.dev20260713+nightly
codegen_flags: <defaults>
</compile_context>

<pallas_src>
import jax
import jax.numpy as jnp
from jax import lax
from jax.experimental import pallas as pl
from jax.experimental.pallas import tpu as pltpu
from jax.experimental.pallas import tpu_sc as plsc

N_NODES = 10000
IN_DIM = 128
HID_DIM = 256
OUT_DIM = 128

NPAD = 10240
N_EDGES2 = 640000
N_TILES = 32
CHUNK = 32
BLK_CH = 40
E2_PAD = 655360
N_BLKS_A = 32
N_BLKS_D = 16
ROWS_PER_TILE = NPAD // 16

HALF = 5000
ACC_ROWS = 5120
ACC_RPT = ACC_ROWS // 16
TBL_RPT = 632

_MESH = dict(core_axis_name="c", subcore_axis_name="s", num_cores=2,
             num_subcores=16)


def _sc_agg_body(table, srcr, dstrc, zrows,
                 s_out,
                 sidx, didx, r0, tbl_sh, acc_sh, g0):
    c = lax.axis_index("c")
    s = lax.axis_index("s")

    @pl.when(s < 15)
    def _():
        pltpu.sync_copy(table.at[pl.ds(s * TBL_RPT, TBL_RPT)],
                        tbl_sh.at[pl.ds(s * TBL_RPT, TBL_RPT)])

    @pl.when(s == 15)
    def _():
        pltpu.sync_copy(table.at[pl.ds(15 * TBL_RPT, N_NODES - 15 * TBL_RPT)],
                        tbl_sh.at[pl.ds(15 * TBL_RPT, N_NODES - 15 * TBL_RPT)])

    pltpu.sync_copy(zrows.at[pl.ds(0, ACC_RPT)],
                    acc_sh.at[pl.ds(s * ACC_RPT, ACC_RPT)])
    plsc.subcore_barrier()

    def step(ch, inner):
        pltpu.sync_copy(srcr.at[s].at[ch], sidx)
        pltpu.sync_copy(dstrc.at[c].at[s].at[ch], didx)
        pltpu.async_copy(tbl_sh.at[sidx], r0, g0).wait()
        pltpu.sync_copy(r0, acc_sh.at[didx], add=True)
        return inner

    lax.fori_loop(0, N_BLKS_A * BLK_CH, step, 0)
    plsc.subcore_barrier()

    rs = pl.ds(s * ACC_RPT, ACC_RPT)
    pltpu.sync_copy(acc_sh.at[rs], s_out.at[c].at[rs])


def _sc_deg_body(dstr, zrows, ones128,
                 deg_out,
                 didx, ones_v, deg_sh, sem):
    c = lax.axis_index("c")
    s = lax.axis_index("s")
    wid = s * 2 + c
    k = 8

    pltpu.sync_copy(zrows, deg_sh.at[pl.ds(s * ROWS_PER_TILE, ROWS_PER_TILE)])
    pltpu.sync_copy(ones128, ones_v)
    plsc.subcore_barrier()

    def block(b, carry):
        pltpu.sync_copy(dstr.at[wid].at[b], didx)

        def grp(g, inner):
            for i in range(k):
                pltpu.async_copy(ones_v, deg_sh.at[didx.at[g * k + i]], sem,
                                 add=True)
            for i in range(k):
                pltpu.make_async_copy(ones_v, deg_sh.at[didx.at[g * k + i]],
                                      sem).wait()
            return inner

        lax.fori_loop(0, BLK_CH // k, grp, carry)
        return carry

    lax.fori_loop(0, N_BLKS_D, block, 0)
    plsc.subcore_barrier()

    rs = pl.ds(s * ROWS_PER_TILE, ROWS_PER_TILE)
    pltpu.sync_copy(deg_sh.at[rs], deg_out.at[c].at[rs])


_sc_agg = pl.kernel(
    _sc_agg_body,
    out_type=(jax.ShapeDtypeStruct((2, ACC_ROWS, 128), jnp.float32),),
    mesh=plsc.VectorSubcoreMesh(**_MESH),
    scratch_types=(
        pltpu.VMEM((CHUNK,), jnp.int32),
        pltpu.VMEM((CHUNK,), jnp.int32),
        pltpu.VMEM((CHUNK, 128), jnp.float32),
        pltpu.VMEM_SHARED((N_NODES, 128), jnp.float32),
        pltpu.VMEM_SHARED((ACC_ROWS, 128), jnp.float32),
        pltpu.SemaphoreType.DMA,
    ),
)

_sc_deg = pl.kernel(
    _sc_deg_body,
    out_type=(jax.ShapeDtypeStruct((2, NPAD, 128), jnp.float32),),
    mesh=plsc.VectorSubcoreMesh(**_MESH),
    scratch_types=(
        pltpu.VMEM((BLK_CH, CHUNK), jnp.int32),
        pltpu.VMEM((CHUNK, 128), jnp.float32),
        pltpu.VMEM_SHARED((NPAD, 128), jnp.float32),
        pltpu.SemaphoreType.DMA,
    ),
)



_R = 1000


def _clamp_body(dref, o):
    d = dref[...]
    for cc in range(2):
        base = cc * HALF
        inr = (d >= base) & (d < base + HALF)
        o[cc] = jnp.where(inr, d - base, HALF)


def _clamp(dflat):
    return pl.pallas_call(
        _clamp_body,
        out_shape=jax.ShapeDtypeStruct((2,) + dflat.shape, jnp.int32),
    )(dflat)


def _sget(s0, s1):
    side = pl.program_id(0) >= (HALF // _R)
    return jnp.where(side, s1[0], s0[0])


def _deg_factors(dref):
    d = dref[0][:, 0:1] + dref[1][:, 0:1]
    invd = 1.0 / jnp.maximum(d, 1.0)
    sself = 0.5 * d * invd
    hinv = 0.5 * invd
    hasdeg = (d > 0.0).astype(jnp.float32)
    return sself, hinv, hasdeg


def _t1_body(f, s0, s1, dref, w, b, o):
    sself, hinv, hasdeg = _deg_factors(dref)
    p = sself * f[...] + hinv * _sget(s0, s1)
    o[...] = jax.nn.relu(
        jnp.dot(p, w[...], preferred_element_type=jnp.float32) + hasdeg * b[...])


def _t2_body(h, w, b, o):
    o[...] = jnp.dot(h[...], w[...], preferred_element_type=jnp.float32) + b[...]


def _t3_body(z, s0, s1, dref, w, b, h2, z3):
    sself, hinv, _ = _deg_factors(dref)
    h = jax.nn.relu(sself * z[...] + hinv * _sget(s0, s1))
    h2[...] = h
    z3[...] = jnp.dot(h, w[...], preferred_element_type=jnp.float32) + b[...]


def _t4_body(z, s0, s1, dref, o):
    sself, hinv, _ = _deg_factors(dref)
    o[...] = jax.nn.relu(sself * z[...] + hinv * _sget(s0, s1))


def _row_spec(cols):
    return pl.BlockSpec((_R, cols), lambda i: (i, 0))


def _part_spec(cols):
    return pl.BlockSpec((2, _R, cols), lambda i: (0, i, 0))


def _full_spec(r, c):
    return pl.BlockSpec((r, c), lambda i: (0, 0))


_NB0 = HALF // _R


def _acc0_spec():
    return pl.BlockSpec((1, _R, 128), lambda i: (0, jnp.minimum(i, _NB0 - 1), 0))


def _acc1_spec():
    return pl.BlockSpec((1, _R, 128), lambda i: (1, jnp.maximum(i - _NB0, 0), 0))


def _t1(f, sa, degp, w1, b1):
    return pl.pallas_call(
        _t1_body,
        grid=(N_NODES // _R,),
        in_specs=[_row_spec(IN_DIM), _acc0_spec(), _acc1_spec(),
                  _part_spec(128),
                  _full_spec(IN_DIM, HID_DIM), _full_spec(1, HID_DIM)],
        out_specs=_row_spec(HID_DIM),
        out_shape=jax.ShapeDtypeStruct((N_NODES, HID_DIM), jnp.float32),
    )(f, sa, sa, degp, w1, b1)


def _t2(h, w2, b2):
    return pl.pallas_call(
        _t2_body,
        grid=(N_NODES // _R,),
        in_specs=[_row_spec(HID_DIM), _full_spec(HID_DIM, OUT_DIM),
                  _full_spec(1, OUT_DIM)],
        out_specs=_row_spec(OUT_DIM),
        out_shape=jax.ShapeDtypeStruct((N_NODES, OUT_DIM), jnp.float32),
    )(h, w2, b2)


def _t3(z2, sb, degp, w3, b3):
    return pl.pallas_call(
        _t3_body,
        grid=(N_NODES // _R,),
        in_specs=[_row_spec(OUT_DIM), _acc0_spec(), _acc1_spec(),
                  _part_spec(128),
                  _full_spec(OUT_DIM, OUT_DIM), _full_spec(1, OUT_DIM)],
        out_specs=[_row_spec(OUT_DIM), _row_spec(OUT_DIM)],
        out_shape=[jax.ShapeDtypeStruct((N_NODES, OUT_DIM), jnp.float32),
                   jax.ShapeDtypeStruct((N_NODES, OUT_DIM), jnp.float32)],
    )(z2, sb, sb, degp, w3, b3)


def _t4(z3, sc, degp):
    return pl.pallas_call(
        _t4_body,
        grid=(N_NODES // _R,),
        in_specs=[_row_spec(OUT_DIM), _acc0_spec(), _acc1_spec(),
                  _part_spec(128)],
        out_specs=_row_spec(OUT_DIM),
        out_shape=jax.ShapeDtypeStruct((N_NODES, OUT_DIM), jnp.float32),
    )(z3, sc, sc, degp)


def kernel(features, edge_index, W1, b1, W2, b2, W3, b3):
    src = edge_index[0].astype(jnp.int32)
    dst = edge_index[1].astype(jnp.int32)
    src2 = jnp.concatenate([src, dst])
    dst2 = jnp.concatenate([dst, src])
    pad = E2_PAD - N_EDGES2
    src2p = jnp.pad(src2, (0, pad))
    dst2p = jnp.pad(dst2, (0, pad), constant_values=NPAD - 1)
    srcr = src2p.reshape(16, N_BLKS_A * BLK_CH, CHUNK)
    dstrc = _clamp(dst2p.reshape(E2_PAD // 128, 128)) \
        .reshape(2, 16, N_BLKS_A * BLK_CH, CHUNK)
    dstr = dst2p.reshape(N_TILES, N_BLKS_D, BLK_CH, CHUNK)

    zrows = jnp.zeros((ROWS_PER_TILE, 128), jnp.float32)
    ones128 = jnp.ones((CHUNK, 128), jnp.float32)

    b1r = b1.reshape(1, HID_DIM)
    b2r = b2.reshape(1, OUT_DIM)
    b3r = b3.reshape(1, OUT_DIM)

    (degp,) = _sc_deg(dstr, zrows, ones128)
    (sa,) = _sc_agg(features, srcr, dstrc, zrows)
    h1 = _t1(features, sa, degp, W1, b1r)
    z2 = _t2(h1, W2, b2r)
    (sb,) = _sc_agg(z2, srcr, dstrc, zrows)
    h2, z3 = _t3(z2, sb, degp, W3, b3r)
    (sc,) = _sc_agg(z3, srcr, dstrc, zrows)
    logits = _t4(z3, sc, degp)
    return (h2, logits)

# --- scband reference (transcript-rebuilt; emitter-appended) ---
"""Pipeline reference for scband-gnnmodel-dgl-31147102831218 (READ-ONLY COPY).

The authoritative reference and input builder live on the scoring server;
editing this copy changes nothing except your own understanding.
"""

import jax, jax.numpy as jnp
import numpy as np

N_NODES = 10000
N_EDGES = 320000
IN_DIM = 128
HID_DIM = 256
OUT_DIM = 128


def setup_inputs(seed: int = 0) -> dict:
    key = jax.random.key(seed)
    ks = jax.random.split(key, 8)
    features = jax.random.normal(ks[0], (N_NODES, IN_DIM), dtype=jnp.float32)
    edge_index = jax.random.randint(ks[1], (2, N_EDGES), 0, N_NODES, dtype=jnp.int64) if jax.config.jax_enable_x64 else jax.random.randint(ks[1], (2, N_EDGES), 0, N_NODES).astype(jnp.int32)
    def lin_init(k, fan_in, fan_out):
        bound = 1.0 / np.sqrt(fan_in)
        kw, kb = jax.random.split(k)
        W = jax.random.uniform(kw, (fan_in, fan_out), minval=-bound, maxval=bound, dtype=jnp.float32)
        b = jax.random.uniform(kb, (fan_out,), minval=-bound, maxval=bound, dtype=jnp.float32)
        return W, b
    W1, b1 = lin_init(ks[2], IN_DIM, HID_DIM)
    W2, b2 = lin_init(ks[3], HID_DIM, OUT_DIM)
    W3, b3 = lin_init(ks[4], OUT_DIM, OUT_DIM)
    return {"features": features, "edge_index": edge_index, "W1": W1, "b1": b1, "W2": W2, "b2": b2, "W3": W3, "b3": b3}


def _hgnnp_conv(X, W, b, src, dst, inv_deg, num_nodes):
    # theta: linear projection
    X = X @ W + b
    # v2e with aggr='mean': each graph edge (u,v) is a hyperedge of size 2
    Y = (X[src] + X[dst]) * 0.5
    # e2v with aggr='mean': average hyperedge messages per incident vertex
    agg = jax.ops.segment_sum(Y, src, num_segments=num_nodes) \
        + jax.ops.segment_sum(Y, dst, num_segments=num_nodes)
    X_ = agg * inv_deg[:, None]
    # act (ReLU); dropout is identity in eval mode
    return jax.nn.relu(X_)


def reference(features, edge_index, W1, b1, W2, b2, W3, b3):
    src = edge_index[0]
    dst = edge_index[1]
    deg = jnp.bincount(src, length=N_NODES) + jnp.bincount(dst, length=N_NODES)
    inv_deg = 1.0 / jnp.maximum(deg.astype(jnp.float32), 1.0)
    # l1: HGNNPConv(in_dim -> hidden_dim)
    h = _hgnnp_conv(features, W1, b1, src, dst, inv_deg, N_NODES)
    # l2: HGNNPConv(hidden_dim -> out_dim)
    h = _hgnnp_conv(h, W2, b2, src, dst, inv_deg, N_NODES)
    # lin2: HGNNP_Sequential(out_dim -> out_dim)
    logits = _hgnnp_conv(h, W3, b3, src, dst, inv_deg, N_NODES)
    return (h, logits)

if __name__ == "__main__":
    import jax
    _d = setup_inputs()
    print(jax.jit(kernel)(*tuple(_d.values())))

</pallas_src>

<mosaic_0001>
#map = affine_map<(d0, d1) -> (0, 0)>
#map1 = affine_map<(d0, d1) -> (0, 0, 0)>
#map2 = affine_map<(d0, d1) -> (0, 0, 0, 0)>
module attributes {stable_mosaic.version = 14 : i64} {
  func.func @_sc_agg_body(%arg0: i32, %arg1: i32, %arg2: memref<10000x128xf32, #tpu.memory_space<hbm>>, %arg3: memref<16x1280x32xi32, #tpu.memory_space<hbm>>, %arg4: memref<2x16x1280x32xi32, #tpu.memory_space<hbm>>, %arg5: memref<640x128xf32, #tpu.memory_space<hbm>>, %arg6: memref<2x5120x128xf32, #tpu.memory_space<hbm>>, %arg7: memref<32xi32, #tpu.memory_space<vmem>>, %arg8: memref<32xi32, #tpu.memory_space<vmem>>, %arg9: memref<32x128xf32, #tpu.memory_space<vmem>>, %arg10: memref<10000x128xf32, #tpu.memory_space<vmem_shared>>, %arg11: memref<5120x128xf32, #tpu.memory_space<vmem_shared>>, %arg12: memref<!tpu.dma_semaphore, #tpu.memory_space<semaphore_mem>>) attributes {dimension_semantics = [#tpu.dimension_semantics<core_parallel>, #tpu.dimension_semantics<subcore_parallel>], iteration_bounds = array<i64: 2, 16>, scalar_prefetch = 0 : i64, scratch_operands = 6 : i64, tpu.core_type = #tpu.core_type<sc_vector_subcore>, window_params = [{transform_indices = #map}, {transform_indices = #map1}, {transform_indices = #map2}, {transform_indices = #map}, {transform_indices = #map1}]} {
    %lt3A = arith.constant 15 : i32
    %lt3A_0 = arith.cmpi slt, %arg1, %lt3A : i32
    %convert_element_type3A = arith.extui %lt3A_0 : i1 to i32
    %cond3A = arith.constant 0 : i32
    %cond3A_1 = arith.cmpi ne, %convert_element_type3A, %cond3A : i32
    scf.if %cond3A_1 {
      %mul3A_15 = arith.constant 632 : i32
      %mul3A_16 = arith.muli %arg1, %mul3A_15 : i32
      %mul3A_17 = arith.constant 632 : i32
      %mul3A_18 = arith.muli %arg1, %mul3A_17 : i32
      "tpu.region"() ({
        %run_scoped3A = tpu.sem_alloc : memref<!tpu.dma_semaphore, #tpu.memory_space<semaphore_mem>>
        %dma_start3A = arith.constant 0 : i32
        %dma_start3A_19 = tpu.memref_slice %arg10[%mul3A_18, %dma_start3A] : memref<10000x128xf32, #tpu.memory_space<vmem_shared>> -> memref<632x128xf32, #tpu.memory_space<vmem_shared>>
        %dma_start3A_20 = arith.constant 0 : i32
        %dma_start3A_21 = tpu.memref_slice %arg2[%mul3A_16, %dma_start3A_20] : memref<10000x128xf32, #tpu.memory_space<hbm>> -> memref<632x128xf32, #tpu.memory_space<hbm>>
        tpu.enqueue_dma source(%dma_start3A_21 : memref<632x128xf32, #tpu.memory_space<hbm>>) target(%dma_start3A_19 : memref<632x128xf32, #tpu.memory_space<vmem_shared>>) target_semaphore(%run_scoped3A : memref<!tpu.dma_semaphore, #tpu.memory_space<semaphore_mem>>)
        %dma_wait3A = arith.constant 0 : i32
        %dma_wait3A_22 = tpu.memref_slice %arg10[%mul3A_18, %dma_wait3A] : memref<10000x128xf32, #tpu.memory_space<vmem_shared>> -> memref<632x128xf32, #tpu.memory_space<vmem_shared>>
        %dma_wait3A_23 = arith.constant 0 : i32
        %dma_wait3A_24 = tpu.memref_slice %arg2[%mul3A_16, %dma_wait3A_23] : memref<10000x128xf32, #tpu.memory_space<hbm>> -> memref<632x128xf32, #tpu.memory_space<hbm>>
        tpu.wait_dma2 semaphore(%run_scoped3A : memref<!tpu.dma_semaphore, #tpu.memory_space<semaphore_mem>>) src(%dma_wait3A_24 : memref<632x128xf32, #tpu.memory_space<hbm>>) dst(%dma_wait3A_22 : memref<632x128xf32, #tpu.memory_space<vmem_shared>>)
        tpu.yield
      }) : () -> ()
    } else {
    }
    %eq3A = arith.constant 15 : i32
    %eq3A_2 = arith.cmpi eq, %arg1, %eq3A : i32
    %convert_element_type3A_3 = arith.extui %eq3A_2 : i1 to i32
    %cond3A_4 = arith.constant 0 : i32
    %cond3A_5 = arith.cmpi ne, %convert_element_type3A_3, %cond3A_4 : i32
    scf.if %cond3A_5 {
      "tpu.region"() ({
        %run_scoped3A = tpu.sem_alloc : memref<!tpu.dma_semaphore, #tpu.memory_space<semaphore_mem>>
        %dma_start3A = arith.constant 9480 : i32
        %dma_start3A_15 = arith.constant 0 : i32
        %dma_start3A_16 = tpu.memref_slice %arg10[%dma_start3A, %dma_start3A_15] : memref<10000x128xf32, #tpu.memory_space<vmem_shared>> -> memref<520x128xf32, #tpu.memory_space<vmem_shared>>
        %dma_start3A_17 = arith.constant 9480 : i32
        %dma_start3A_18 = arith.constant 0 : i32
        %dma_start3A_19 = tpu.memref_slice %arg2[%dma_start3A_17, %dma_start3A_18] : memref<10000x128xf32, #tpu.memory_space<hbm>> -> memref<520x128xf32, #tpu.memory_space<hbm>>
        tpu.enqueue_dma source(%dma_start3A_19 : memref<520x128xf32, #tpu.memory_space<hbm>>) target(%dma_start3A_16 : memref<520x128xf32, #tpu.memory_space<vmem_shared>>) target_semaphore(%run_scoped3A : memref<!tpu.dma_semaphore, #tpu.memory_space<semaphore_mem>>)
        %dma_wait3A = arith.constant 9480 : i32
        %dma_wait3A_20 = arith.constant 0 : i32
        %dma_wait3A_21 = tpu.memref_slice %arg10[%dma_wait3A, %dma_wait3A_20] : memref<10000x128xf32, #tpu.memory_space<vmem_shared>> -> memref<520x128xf32, #tpu.memory_space<vmem_shared>>
        %dma_wait3A_22 = arith.constant 9480 : i32
        %dma_wait3A_23 = arith.constant 0 : i32
        %dma_wait3A_24 = tpu.memref_slice %arg2[%dma_wait3A_22, %dma_wait3A_23] : memref<10000x128xf32, #tpu.memory_space<hbm>> -> memref<520x128xf32, #tpu.memory_space<hbm>>
        tpu.wait_dma2 semaphore(%run_scoped3A : memref<!tpu.dma_semaphore, #tpu.memory_space<semaphore_mem>>) src(%dma_wait3A_24 : memref<520x128xf32, #tpu.memory_space<hbm>>) dst(%dma_wait3A_21 : memref<520x128xf32, #tpu.memory_space<vmem_shared>>)
        tpu.yield
      }) : () -> ()
    } else {
    }
    %mul3A = arith.constant 320 : i32
    %mul3A_6 = arith.muli %arg1, %mul3A : i32
    "tpu.region"() ({
      %run_scoped3A = tpu.sem_alloc : memref<!tpu.dma_semaphore, #tpu.memory_space<semaphore_mem>>
      %dma_start3A = arith.constant 0 : i32
      %dma_start3A_15 = tpu.memref_slice %arg11[%mul3A_6, %dma_start3A] : memref<5120x128xf32, #tpu.memory_space<vmem_shared>> -> memref<320x128xf32, #tpu.memory_space<vmem_shared>>
      %dma_start3A_16 = arith.constant 0 : i32
      %dma_start3A_17 = arith.constant 0 : i32
      %dma_start3A_18 = tpu.memref_slice %arg5[%dma_start3A_16, %dma_start3A_17] : memref<640x128xf32, #tpu.memory_space<hbm>> -> memref<320x128xf32, #tpu.memory_space<hbm>>
      tpu.enqueue_dma source(%dma_start3A_18 : memref<320x128xf32, #tpu.memory_space<hbm>>) target(%dma_start3A_15 : memref<320x128xf32, #tpu.memory_space<vmem_shared>>) target_semaphore(%run_scoped3A : memref<!tpu.dma_semaphore, #tpu.memory_space<semaphore_mem>>)
      %dma_wait3A = arith.constant 0 : i32
      %dma_wait3A_19 = tpu.memref_slice %arg11[%mul3A_6, %dma_wait3A] : memref<5120x128xf32, #tpu.memory_space<vmem_shared>> -> memref<320x128xf32, #tpu.memory_space<vmem_shared>>
      %dma_wait3A_20 = arith.constant 0 : i32
      %dma_wait3A_21 = arith.constant 0 : i32
      %dma_wait3A_22 = tpu.memref_slice %arg5[%dma_wait3A_20, %dma_wait3A_21] : memref<640x128xf32, #tpu.memory_space<hbm>> -> memref<320x128xf32, #tpu.memory_space<hbm>>
      tpu.wait_dma2 semaphore(%run_scoped3A : memref<!tpu.dma_semaphore, #tpu.memory_space<semaphore_mem>>) src(%dma_wait3A_22 : memref<320x128xf32, #tpu.memory_space<hbm>>) dst(%dma_wait3A_19 : memref<320x128xf32, #tpu.memory_space<vmem_shared>>)
      tpu.yield
    }) : () -> ()
    %barrier3A = arith.constant 0 : index
    tpu.barrier barrier_id(%barrier3A)
    %scan3A = arith.constant 0 : i32
    %scan3A_7 = arith.constant 0 : i32
    %scan3A_8 = arith.constant 1280 : i32
    %scan3A_9 = arith.addi %scan3A_7, %scan3A_8 : i32
    %scan3A_10 = arith.constant 1 : i32
    scf.for %scan3A_15 = %scan3A_7 to %scan3A_9 step %scan3A_10  : i32 {
      "tpu.region"() ({
        %run_scoped3A = tpu.sem_alloc : memref<!tpu.dma_semaphore, #tpu.memory_space<semaphore_mem>>
        %dma_start3A_20 = arith.constant 0 : i32
        %dma_start3A_21 = arith.constant 0 : i32
        %dma_start3A_22 = tpu.memref_slice %arg3[%arg1, %dma_start3A_20, %dma_start3A_21] : memref<16x1280x32xi32, #tpu.memory_space<hbm>> -> memref<1x1280x32xi32, #tpu.memory_space<hbm>>
        %dma_start3A_23 = tpu.memref_squeeze %dma_start3A_22 : memref<1x1280x32xi32, #tpu.memory_space<hbm>> -> memref<1280x32xi32, #tpu.memory_space<hbm>>
        %dma_start3A_24 = arith.constant 0 : i32
        %dma_start3A_25 = tpu.memref_slice %dma_start3A_23[%scan3A_15, %dma_start3A_24] : memref<1280x32xi32, #tpu.memory_space<hbm>> -> memref<1x32xi32, #tpu.memory_space<hbm>>
        %dma_start3A_26 = tpu.memref_squeeze %dma_start3A_25 : memref<1x32xi32, #tpu.memory_space<hbm>> -> memref<32xi32, #tpu.memory_space<hbm>>
        %dma_start3A_27 = arith.constant 0 : i32
        %dma_start3A_28 = arith.constant 0 : i32
        %dma_start3A_29 = tpu.memref_slice %arg3[%arg1, %dma_start3A_27, %dma_start3A_28] : memref<16x1280x32xi32, #tpu.memory_space<hbm>> -> memref<1x1280x32xi32, #tpu.memory_space<hbm>>
        %dma_start3A_30 = tpu.memref_squeeze %dma_start3A_29 : memref<1x1280x32xi32, #tpu.memory_space<hbm>> -> memref<1280x32xi32, #tpu.memory_space<hbm>>
        %dma_start3A_31 = arith.constant 0 : i32
        %dma_start3A_32 = tpu.memref_slice %dma_start3A_30[%scan3A_15, %dma_start3A_31] : memref<1280x32xi32, #tpu.memory_space<hbm>> -> memref<1x32xi32, #tpu.memory_space<hbm>>
        %dma_start3A_33 = tpu.memref_squeeze %dma_start3A_32 : memref<1x32xi32, #tpu.memory_space<hbm>> -> memref<32xi32, #tpu.memory_space<hbm>>
        tpu.enqueue_dma source(%dma_start3A_33 : memref<32xi32, #tpu.memory_space<hbm>>) target(%arg7 : memref<32xi32, #tpu.memory_space<vmem>>) target_semaphore(%run_scoped3A : memref<!tpu.dma_semaphore, #tpu.memory_space<semaphore_mem>>)
        %dma_wait3A_34 = arith.constant 0 : i32
        %dma_wait3A_35 = arith.constant 0 : i32
        %dma_wait3A_36 = tpu.memref_slice %arg3[%arg1, %dma_wait3A_34, %dma_wait3A_35] : memref<16x1280x32xi32, #tpu.memory_space<hbm>> -> memref<1x1280x32xi32, #tpu.memory_space<hbm>>
        %dma_wait3A_37 = tpu.memref_squeeze %dma_wait3A_36 : memref<1x1280x32xi32, #tpu.memory_space<hbm>> -> memref<1280x32xi32, #tpu.memory_space<hbm>>
        %dma_wait3A_38 = arith.constant 0 : i32
        %dma_wait3A_39 = tpu.memref_slice %dma_wait3A_37[%scan3A_15, %dma_wait3A_38] : memref<1280x32xi32, #tpu.memory_space<hbm>> -> memref<1x32xi32, #tpu.memory_space<hbm>>
        %dma_wait3A_40 = tpu.memref_squeeze %dma_wait3A_39 : memref<1x32xi32, #tpu.memory_space<hbm>> -> memref<32xi32, #tpu.memory_space<hbm>>
        %dma_wait3A_41 = arith.constant 0 : i32
        %dma_wait3A_42 = arith.constant 0 : i32
        %dma_wait3A_43 = tpu.memref_slice %arg3[%arg1, %dma_wait3A_41, %dma_wait3A_42] : memref<16x1280x32xi32, #tpu.memory_space<hbm>> -> memref<1x1280x32xi32, #tpu.memory_space<hbm>>
        %dma_wait3A_44 = tpu.memref_squeeze %dma_wait3A_43 : memref<1x1280x32xi32, #tpu.memory_space<hbm>> -> memref<1280x32xi32, #tpu.memory_space<hbm>>
        %dma_wait3A_45 = arith.constant 0 : i32
        %dma_wait3A_46 = tpu.memref_slice %dma_wait3A_44[%scan3A_15, %dma_wait3A_45] : memref<1280x32xi32, #tpu.memory_space<hbm>> -> memref<1x32xi32, #tpu.memory_space<hbm>>
        %dma_wait3A_47 = tpu.memref_squeeze %dma_wait3A_46 : memref<1x32xi32, #tpu.memory_space<hbm>> -> memref<32xi32, #tpu.memory_space<hbm>>
        tpu.wait_dma2 semaphore(%run_scoped3A : memref<!tpu.dma_semaphore, #tpu.memory_space<semaphore_mem>>) src(%dma_wait3A_47 : memref<32xi32, #tpu.memory_space<hbm>>) dst(%arg7 : memref<32xi32, #tpu.memory_space<vmem>>)
        tpu.yield
      }) : () -> ()
      "tpu.region"() ({
        %run_scoped3A = tpu.sem_alloc : memref<!tpu.dma_semaphore, #tpu.memory_space<semaphore_mem>>
        %dma_start3A_20 = arith.constant 0 : i32
        %dma_start3A_21 = arith.constant 0 : i32
        %dma_start3A_22 = arith.constant 0 : i32
        %dma_start3A_23 = tpu.memref_slice %arg4[%arg0, %dma_start3A_20, %dma_start3A_21, %dma_start3A_22] : memref<2x16x1280x32xi32, #tpu.memory_space<hbm>> -> memref<1x16x1280x32xi32, #tpu.memory_space<hbm>>
        %dma_start3A_24 = tpu.memref_squeeze %dma_start3A_23 : memref<1x16x1280x32xi32, #tpu.memory_space<hbm>> -> memref<16x1280x32xi32, #tpu.memory_space<hbm>>
        %dma_start3A_25 = arith.constant 0 : i32
        %dma_start3A_26 = arith.constant 0 : i32
        %dma_start3A_27 = tpu.memref_slice %dma_start3A_24[%arg1, %dma_start3A_25, %dma_start3A_26] : memref<16x1280x32xi32, #tpu.memory_space<hbm>> -> memref<1x1280x32xi32, #tpu.memory_space<hbm>>
        %dma_start3A_28 = tpu.memref_squeeze %dma_start3A_27 : memref<1x1280x32xi32, #tpu.memory_space<hbm>> -> memref<1280x32xi32, #tpu.memory_space<hbm>>
        %dma_start3A_29 = arith.constant 0 : i32
        %dma_start3A_30 = tpu.memref_slice %dma_start3A_28[%scan3A_15, %dma_start3A_29] : memref<1280x32xi32, #tpu.memory_space<hbm>> -> memref<1x32xi32, #tpu.memory_space<hbm>>
        %dma_start3A_31 = tpu.memref_squeeze %dma_start3A_30 : memref<1x32xi32, #tpu.memory_space<hbm>> -> memref<32xi32, #tpu.memory_space<hbm>>
        %dma_start3A_32 = arith.constant 0 : i32
        %dma_start3A_33 = arith.constant 0 : i32
        %dma_start3A_34 = arith.constant 0 : i32
        %dma_start3A_35 = tpu.memref_slice %arg4[%arg0, %dma_start3A_32, %dma_start3A_33, %dma_start3A_34] : memref<2x16x1280x32xi32, #tpu.memory_space<hbm>> -> memref<1x16x1280x32xi32, #tpu.memory_space<hbm>>
        %dma_start3A_36 = tpu.memref_squeeze %dma_start3A_35 : memref<1x16x1280x32xi32, #tpu.memory_space<hbm>> -> memref<16x1280x32xi32, #tpu.memory_space<hbm>>
        %dma_start3A_37 = arith.constant 0 : i32
        %dma_start3A_38 = arith.constant 0 : i32
        %dma_start3A_39 = tpu.memref_slice %dma_start3A_36[%arg1, %dma_start3A_37, %dma_start3A_38] : memref<16x1280x32xi32, #tpu.memory_space<hbm>> -> memref<1x1280x32xi32, #tpu.memory_space<hbm>>
        %dma_start3A_40 = tpu.memref_squeeze %dma_start3A_39 : memref<1x1280x32xi32, #tpu.memory_space<hbm>> -> memref<1280x32xi32, #tpu.memory_space<hbm>>
        %dma_start3A_41 = arith.constant 0 : i32
        %dma_start3A_42 = tpu.memref_slice %dma_start3A_40[%scan3A_15, %dma_start3A_41] : memref<1280x32xi32, #tpu.memory_space<hbm>> -> memref<1x32xi32, #tpu.memory_space<hbm>>
        %dma_start3A_43 = tpu.memref_squeeze %dma_start3A_42 : memref<1x32xi32, #tpu.memory_space<hbm>> -> memref<32xi32, #tpu.memory_space<hbm>>
        tpu.enqueue_dma source(%dma_start3A_43 : memref<32xi32, #tpu.memory_space<hbm>>) target(%arg8 : memref<32xi32, #tpu.memory_space<vmem>>) target_semaphore(%run_scoped3A : memref<!tpu.dma_semaphore, #tpu.memory_space<semaphore_mem>>)
        %dma_wait3A_44 = arith.constant 0 : i32
        %dma_wait3A_45 = arith.constant 0 : i32
        %dma_wait3A_46 = arith.constant 0 : i32
        %dma_wait3A_47 = tpu.memref_slice %arg4[%arg0, %dma_wait3A_44, %dma_wait3A_45, %dma_wait3A_46] : memref<2x16x1280x32xi32, #tpu.memory_space<hbm>> -> memref<1x16x1280x32xi32, #tpu.memory_space<hbm>>
        %dma_wait3A_48 = tpu.memref_squeeze %dma_wait3A_47 : memref<1x16x1280x32xi32, #tpu.memory_space<hbm>> -> memref<16x1280x32xi32, #tpu.memory_space<hbm>>
        %dma_wait3A_49 = arith.constant 0 : i32
        %dma_wait3A_50 = arith.constant 0 : i32
        %dma_wait3A_51 = tpu.memref_slice %dma_wait3A_48[%arg1, %dma_wait3A_49, %dma_wait3A_50] : memref<16x1280x32xi32, #tpu.memory_space<hbm>> -> memref<1x1280x32xi32, #tpu.memory_space<hbm>>
        %dma_wait3A_52 = tpu.memref_squeeze %dma_wait3A_51 : memref<1x1280x32xi32, #tpu.memory_space<hbm>> -> memref<1280x32xi32, #tpu.memory_space<hbm>>
        %dma_wait3A_53 = arith.constant 0 : i32
        %dma_wait3A_54 = tpu.memref_slice %dma_wait3A_52[%scan3A_15, %dma_wait3A_53] : memref<1280x32xi32, #tpu.memory_space<hbm>> -> memref<1x32xi32, #tpu.memory_space<hbm>>
        %dma_wait3A_55 = tpu.memref_squeeze %dma_wait3A_54 : memref<1x32xi32, #tpu.memory_space<hbm>> -> memref<32xi32, #tpu.memory_space<hbm>>
        %dma_wait3A_56 = arith.constant 0 : i32
        %dma_wait3A_57 = arith.constant 0 : i32
        %dma_wait3A_58 = arith.constant 0 : i32
        %dma_wait3A_59 = tpu.memref_slice %arg4[%arg0, %dma_wait3A_56, %dma_wait3A_57, %dma_wait3A_58] : memref<2x16x1280x32xi32, #tpu.memory_space<hbm>> -> memref<1x16x1280x32xi32, #tpu.memory_space<hbm>>
        %dma_wait3A_60 = tpu.memref_squeeze %dma_wait3A_59 : memref<1x16x1280x32xi32, #tpu.memory_space<hbm>> -> memref<16x1280x32xi32, #tpu.memory_space<hbm>>
        %dma_wait3A_61 = arith.constant 0 : i32
        %dma_wait3A_62 = arith.constant 0 : i32
        %dma_wait3A_63 = tpu.memref_slice %dma_wait3A_60[%arg1, %dma_wait3A_61, %dma_wait3A_62] : memref<16x1280x32xi32, #tpu.memory_space<hbm>> -> memref<1x1280x32xi32, #tpu.memory_space<hbm>>
        %dma_wait3A_64 = tpu.memref_squeeze %dma_wait3A_63 : memref<1x1280x32xi32, #tpu.memory_space<hbm>> -> memref<1280x32xi32, #tpu.memory_space<hbm>>
        %dma_wait3A_65 = arith.constant 0 : i32
        %dma_wait3A_66 = tpu.memref_slice %dma_wait3A_64[%scan3A_15, %dma_wait3A_65] : memref<1280x32xi32, #tpu.memory_space<hbm>> -> memref<1x32xi32, #tpu.memory_space<hbm>>
        %dma_wait3A_67 = tpu.memref_squeeze %dma_wait3A_66 : memref<1x32xi32, #tpu.memory_space<hbm>> -> memref<32xi32, #tpu.memory_space<hbm>>
        tpu.wait_dma2 semaphore(%run_scoped3A : memref<!tpu.dma_semaphore, #tpu.memory_space<semaphore_mem>>) src(%dma_wait3A_67 : memref<32xi32, #tpu.memory_space<hbm>>) dst(%arg8 : memref<32xi32, #tpu.memory_space<vmem>>)
        tpu.yield
      }) : () -> ()
      %dma_start3A = arith.constant 0 : i32
      %dma_start3A_16 = arith.constant 0 : i32
      %dma_start3A_17 = tpu.memref_slice %arg10[%dma_start3A, %dma_start3A_16] : memref<10000x128xf32, #tpu.memory_space<vmem_shared>> -> memref<10000x128xf32, #tpu.memory_space<vmem_shared>>
      tpu.enqueue_indirect_dma source(%dma_start3A_17 : memref<10000x128xf32, #tpu.memory_space<vmem_shared>>) target(%arg9 : memref<32x128xf32, #tpu.memory_space<vmem>>) offsets(%arg7 : memref<32xi32, #tpu.memory_space<vmem>>) semaphore(%arg12 : memref<!tpu.dma_semaphore, #tpu.memory_space<semaphore_mem>>)
      %dma_wait3A = arith.constant 0 : i32
      %dma_wait3A_18 = arith.constant 0 : i32
      %dma_wait3A_19 = tpu.memref_slice %arg10[%dma_wait3A, %dma_wait3A_18] : memref<10000x128xf32, #tpu.memory_space<vmem_shared>> -> memref<10000x128xf32, #tpu.memory_space<vmem_shared>>
      tpu.wait_indirect_dma semaphore(%arg12 : memref<!tpu.dma_semaphore, #tpu.memory_space<semaphore_mem>>) src(%dma_wait3A_19 : memref<10000x128xf32, #tpu.memory_space<vmem_shared>>) dst(%arg9 : memref<32x128xf32, #tpu.memory_space<vmem>>)
      "tpu.region"() ({
        %run_scoped3A = tpu.sem_alloc : memref<!tpu.dma_semaphore, #tpu.memory_space<semaphore_mem>>
        %dma_start3A_20 = arith.constant 0 : i32
        %dma_start3A_21 = arith.constant 0 : i32
        %dma_start3A_22 = tpu.memref_slice %arg11[%dma_start3A_20, %dma_start3A_21] : memref<5120x128xf32, #tpu.memory_space<vmem_shared>> -> memref<5120x128xf32, #tpu.memory_space<vmem_shared>>
        tpu.enqueue_indirect_dma source(%arg9 : memref<32x128xf32, #tpu.memory_space<vmem>>) target(%dma_start3A_22 : memref<5120x128xf32, #tpu.memory_space<vmem_shared>>) offsets(%arg8 : memref<32xi32, #tpu.memory_space<vmem>>) semaphore(%run_scoped3A : memref<!tpu.dma_semaphore, #tpu.memory_space<semaphore_mem>>) {add = true}
        %dma_wait3A_23 = arith.constant 0 : i32
        %dma_wait3A_24 = arith.constant 0 : i32
        %dma_wait3A_25 = tpu.memref_slice %arg11[%dma_wait3A_23, %dma_wait3A_24] : memref<5120x128xf32, #tpu.memory_space<vmem_shared>> -> memref<5120x128xf32, #tpu.memory_space<vmem_shared>>
        tpu.wait_indirect_dma semaphore(%run_scoped3A : memref<!tpu.dma_semaphore, #tpu.memory_space<semaphore_mem>>) src(%arg9 : memref<32x128xf32, #tpu.memory_space<vmem>>) dst(%dma_wait3A_25 : memref<5120x128xf32, #tpu.memory_space<vmem_shared>>)
        tpu.yield
      }) : () -> ()
    }
    %scan3A_11 = arith.constant 1280 : i32
    %barrier3A_12 = arith.constant 0 : index
    tpu.barrier barrier_id(%barrier3A_12)
    %mul3A_13 = arith.constant 320 : i32
    %mul3A_14 = arith.muli %arg1, %mul3A_13 : i32
    "tpu.region"() ({
      %run_scoped3A = tpu.sem_alloc : memref<!tpu.dma_semaphore, #tpu.memory_space<semaphore_mem>>
      %dma_start3A = arith.constant 0 : i32
      %dma_start3A_15 = arith.constant 0 : i32
      %dma_start3A_16 = tpu.memref_slice %arg6[%arg0, %dma_start3A, %dma_start3A_15] : memref<2x5120x128xf32, #tpu.memory_space<hbm>> -> memref<1x5120x128xf32, #tpu.memory_space<hbm>>
      %dma_start3A_17 = tpu.memref_squeeze %dma_start3A_16 : memref<1x5120x128xf32, #tpu.memory_space<hbm>> -> memref<5120x128xf32, #tpu.memory_space<hbm>>
      %dma_start3A_18 = arith.constant 0 : i32
      %dma_start3A_19 = tpu.memref_slice %dma_start3A_17[%mul3A_14, %dma_start3A_18] : memref<5120x128xf32, #tpu.memory_space<hbm>> -> memref<320x128xf32, #tpu.memory_space<hbm>>
      %dma_start3A_20 = arith.constant 0 : i32
      %dma_start3A_21 = tpu.memref_slice %arg11[%mul3A_14, %dma_start3A_20] : memref<5120x128xf32, #tpu.memory_space<vmem_shared>> -> memref<320x128xf32, #tpu.memory_space<vmem_shared>>
      tpu.enqueue_dma source(%dma_start3A_21 : memref<320x128xf32, #tpu.memory_space<vmem_shared>>) target(%dma_start3A_19 : memref<320x128xf32, #tpu.memory_space<hbm>>) target_semaphore(%run_scoped3A : memref<!tpu.dma_semaphore, #tpu.memory_space<semaphore_mem>>)
      %dma_wait3A = arith.constant 0 : i32
      %dma_wait3A_22 = arith.constant 0 : i32
      %dma_wait3A_23 = tpu.memref_slice %arg6[%arg0, %dma_wait3A, %dma_wait3A_22] : memref<2x5120x128xf32, #tpu.memory_space<hbm>> -> memref<1x5120x128xf32, #tpu.memory_space<hbm>>
      %dma_wait3A_24 = tpu.memref_squeeze %dma_wait3A_23 : memref<1x5120x128xf32, #tpu.memory_space<hbm>> -> memref<5120x128xf32, #tpu.memory_space<hbm>>
      %dma_wait3A_25 = arith.constant 0 : i32
      %dma_wait3A_26 = tpu.memref_slice %dma_wait3A_24[%mul3A_14, %dma_wait3A_25] : memref<5120x128xf32, #tpu.memory_space<hbm>> -> memref<320x128xf32, #tpu.memory_space<hbm>>
      %dma_wait3A_27 = arith.constant 0 : i32
      %dma_wait3A_28 = tpu.memref_slice %arg11[%mul3A_14, %dma_wait3A_27] : memref<5120x128xf32, #tpu.memory_space<vmem_shared>> -> memref<320x128xf32, #tpu.memory_space<vmem_shared>>
      tpu.wait_dma2 semaphore(%run_scoped3A : memref<!tpu.dma_semaphore, #tpu.memory_space<semaphore_mem>>) src(%dma_wait3A_28 : memref<320x128xf32, #tpu.memory_space<vmem_shared>>) dst(%dma_wait3A_26 : memref<320x128xf32, #tpu.memory_space<hbm>>)
      tpu.yield
    }) : () -> ()
    return
  }
}

#map = affine_map<(d0, d1) -> (0, 0)>
#map1 = affine_map<(d0, d1) -> (0, 0, 0)>
#map2 = affine_map<(d0, d1) -> (0, 0, 0, 0)>
module attributes {stable_mosaic.version = 14 : i64} {
  func.func @_sc_agg_body(%arg0: i32, %arg1: i32, %arg2: memref<10000x128xf32, #tpu.memory_space<hbm>>, %arg3: memref<16x1280x32xi32, #tpu.memory_space<hbm>>, %arg4: memref<2x16x1280x32xi32, #tpu.memory_space<hbm>>, %arg5: memref<640x128xf32, #tpu.memory_space<hbm>>, %arg6: memref<2x5120x128xf32, #tpu.memory_space<hbm>>, %arg7: memref<32xi32, #tpu.memory_space<vmem>>, %arg8: memref<32xi32, #tpu.memory_space<vmem>>, %arg9: memref<32x128xf32, #tpu.memory_space<vmem>>, %arg10: memref<10000x128xf32, #tpu.memory_space<vmem_shared>>, %arg11: memref<5120x128xf32, #tpu.memory_space<vmem_shared>>, %arg12: memref<!tpu.dma_semaphore, #tpu.memory_space<semaphore_mem>>) attributes {dimension_semantics = [#tpu.dimension_semantics<core_parallel>, #tpu.dimension_semantics<subcore_parallel>], iteration_bounds = array<i64: 2, 16>, scalar_prefetch = 0 : i64, scratch_operands = 6 : i64, tpu.core_type = #tpu.core_type<sc_vector_subcore>, window_params = [{transform_indices = #map}, {transform_indices = #map1}, {transform_indices = #map2}, {transform_indices = #map}, {transform_indices = #map1}]} {
    %lt3A = arith.constant 15 : i32
    %lt3A_0 = arith.cmpi slt, %arg1, %lt3A : i32
    %convert_element_type3A = arith.extui %lt3A_0 : i1 to i32
    %cond3A = arith.constant 0 : i32
    %cond3A_1 = arith.cmpi ne, %convert_element_type3A, %cond3A : i32
    scf.if %cond3A_1 {
      %mul3A_15 = arith.constant 632 : i32
      %mul3A_16 = arith.muli %arg1, %mul3A_15 : i32
      %mul3A_17 = arith.constant 632 : i32
      %mul3A_18 = arith.muli %arg1, %mul3A_17 : i32
      "tpu.region"() ({
        %run_scoped3A = tpu.sem_alloc : memref<!tpu.dma_semaphore, #tpu.memory_space<semaphore_mem>>
        %dma_start3A = arith.constant 0 : i32
        %dma_start3A_19 = tpu.memref_slice %arg10[%mul3A_18, %dma_start3A] : memref<10000x128xf32, #tpu.memory_space<vmem_shared>> -> memref<632x128xf32, #tpu.memory_space<vmem_shared>>
        %dma_start3A_20 = arith.constant 0 : i32
        %dma_start3A_21 = tpu.memref_slice %arg2[%mul3A_16, %dma_start3A_20] : memref<10000x128xf32, #tpu.memory_space<hbm>> -> memref<632x128xf32, #tpu.memory_space<hbm>>
        tpu.enqueue_dma source(%dma_start3A_21 : memref<632x128xf32, #tpu.memory_space<hbm>>) target(%dma_start3A_19 : memref<632x128xf32, #tpu.memory_space<vmem_shared>>) target_semaphore(%run_scoped3A : memref<!tpu.dma_semaphore, #tpu.memory_space<semaphore_mem>>)
        %dma_wait3A = arith.constant 0 : i32
        %dma_wait3A_22 = tpu.memref_slice %arg10[%mul3A_18, %dma_wait3A] : memref<10000x128xf32, #tpu.memory_space<vmem_shared>> -> memref<632x128xf32, #tpu.memory_space<vmem_shared>>
        %dma_wait3A_23 = arith.constant 0 : i32
        %dma_wait3A_24 = tpu.memref_slice %arg2[%mul3A_16, %dma_wait3A_23] : memref<10000x128xf32, #tpu.memory_space<hbm>> -> memref<632x128xf32, #tpu.memory_space<hbm>>
        tpu.wait_dma2 semaphore(%run_scoped3A : memref<!tpu.dma_semaphore, #tpu.memory_space<semaphore_mem>>) src(%dma_wait3A_24 : memref<632x128xf32, #tpu.memory_space<hbm>>) dst(%dma_wait3A_22 : memref<632x128xf32, #tpu.memory_space<vmem_shared>>)
        tpu.yield
      }) : () -> ()
    } else {
    }
    %eq3A = arith.constant 15 : i32
    %eq3A_2 = arith.cmpi eq, %arg1, %eq3A : i32
    %convert_element_type3A_3 = arith.extui %eq3A_2 : i1 to i32
    %cond3A_4 = arith.constant 0 : i32
    %cond3A_5 = arith.cmpi ne, %convert_element_type3A_3, %cond3A_4 : i32
    scf.if %cond3A_5 {
      "tpu.region"() ({
        %run_scoped3A = tpu.sem_alloc : memref<!tpu.dma_semaphore, #tpu.memory_space<semaphore_mem>>
        %dma_start3A = arith.constant 9480 : i32
        %dma_start3A_15 = arith.constant 0 : i32
        %dma_start3A_16 = tpu.memref_slice %arg10[%dma_start3A, %dma_start3A_15] : memref<10000x128xf32, #tpu.memory_space<vmem_shared>> -> memref<520x128xf32, #tpu.memory_space<vmem_shared>>
        %dma_start3A_17 = arith.constant 9480 : i32
        %dma_start3A_18 = arith.constant 0 : i32
        %dma_start3A_19 = tpu.memref_slice %arg2[%dma_start3A_17, %dma_start3A_18] : memref<10000x128xf32, #tpu.memory_space<hbm>> -> memref<520x128xf32, #tpu.memory_space<hbm>>
        tpu.enqueue_dma source(%dma_start3A_19 : memref<520x128xf32, #tpu.memory_space<hbm>>) target(%dma_start3A_16 : memref<520x128xf32, #tpu.memory_space<vmem_shared>>) target_semaphore(%run_scoped3A : memref<!tpu.dma_semaphore, #tpu.memory_space<semaphore_mem>>)
        %dma_wait3A = arith.constant 9480 : i32
        %dma_wait3A_20 = arith.constant 0 : i32
        %dma_wait3A_21 = tpu.memref_slice %arg10[%dma_wait3A, %dma_wait3A_20] : memref<10000x128xf32, #tpu.memory_space<vmem_shared>> -> memref<520x128xf32, #tpu.memory_space<vmem_shared>>
        %dma_wait3A_22 = arith.constant 9480 : i32
        %dma_wait3A_23 = arith.constant 0 : i32
        %dma_wait3A_24 = tpu.memref_slice %arg2[%dma_wait3A_22, %dma_wait3A_23] : memref<10000x128xf32, #tpu.memory_space<hbm>> -> memref<520x128xf32, #tpu.memory_space<hbm>>
        tpu.wait_dma2 semaphore(%run_scoped3A : memref<!tpu.dma_semaphore, #tpu.memory_space<semaphore_mem>>) src(%dma_wait3A_24 : memref<520x128xf32, #tpu.memory_space<hbm>>) dst(%dma_wait3A_21 : memref<520x128xf32, #tpu.memory_space<vmem_shared>>)
        tpu.yield
      }) : () -> ()
    } else {
    }
    %mul3A = arith.constant 320 : i32
    %mul3A_6 = arith.muli %arg1, %mul3A : i32
    "tpu.region"() ({
      %run_scoped3A = tpu.sem_alloc : memref<!tpu.dma_semaphore, #tpu.memory_space<semaphore_mem>>
      %dma_start3A = arith.constant 0 : i32
      %dma_start3A_15 = tpu.memref_slice %arg11[%mul3A_6, %dma_start3A] : memref<5120x128xf32, #tpu.memory_space<vmem_shared>> -> memref<320x128xf32, #tpu.memory_space<vmem_shared>>
      %dma_start3A_16 = arith.constant 0 : i32
      %dma_start3A_17 = arith.constant 0 : i32
      %dma_start3A_18 = tpu.memref_slice %arg5[%dma_start3A_16, %dma_start3A_17] : memref<640x128xf32, #tpu.memory_space<hbm>> -> memref<320x128xf32, #tpu.memory_space<hbm>>
      tpu.enqueue_dma source(%dma_start3A_18 : memref<320x128xf32, #tpu.memory_space<hbm>>) target(%dma_start3A_15 : memref<320x128xf32, #tpu.memory_space<vmem_shared>>) target_semaphore(%run_scoped3A : memref<!tpu.dma_semaphore, #tpu.memory_space<semaphore_mem>>)
      %dma_wait3A = arith.constant 0 : i32
      %dma_wait3A_19 = tpu.memref_slice %arg11[%mul3A_6, %dma_wait3A] : memref<5120x128xf32, #tpu.memory_space<vmem_shared>> -> memref<320x128xf32, #tpu.memory_space<vmem_shared>>
      %dma_wait3A_20 = arith.constant 0 : i32
      %dma_wait3A_21 = arith.constant 0 : i32
      %dma_wait3A_22 = tpu.memref_slice %arg5[%dma_wait3A_20, %dma_wait3A_21] : memref<640x128xf32, #tpu.memory_space<hbm>> -> memref<320x128xf32, #tpu.memory_space<hbm>>
      tpu.wait_dma2 semaphore(%run_scoped3A : memref<!tpu.dma_semaphore, #tpu.memory_space<semaphore_mem>>) src(%dma_wait3A_22 : memref<320x128xf32, #tpu.memory_space<hbm>>) dst(%dma_wait3A_19 : memref<320x128xf32, #tpu.memory_space<vmem_shared>>)
      tpu.yield
    }) : () -> ()
    %barrier3A = arith.constant 0 : index
    tpu.barrier barrier_id(%barrier3A)
    %scan3A = arith.constant 0 : i32
    %scan3A_7 = arith.constant 0 : i32
    %scan3A_8 = arith.constant 1280 : i32
    %scan3A_9 = arith.addi %scan3A_7, %scan3A_8 : i32
    %scan3A_10 = arith.constant 1 : i32
    scf.for %scan3A_15 = %scan3A_7 to %scan3A_9 step %scan3A_10  : i32 {
      "tpu.region"() ({
        %run_scoped3A = tpu.sem_alloc : memref<!tpu.dma_semaphore, #tpu.memory_space<semaphore_mem>>
        %dma_start3A_20 = arith.constant 0 : i32
        %dma_start3A_21 = arith.constant 0 : i32
        %dma_start3A_22 = tpu.memref_slice %arg3[%arg1, %dma_start3A_20, %dma_start3A_21] : memref<16x1280x32xi32, #tpu.memory_space<hbm>> -> memref<1x1280x32xi32, #tpu.memory_space<hbm>>
        %dma_start3A_23 = tpu.memref_squeeze %dma_start3A_22 : memref<1x1280x32xi32, #tpu.memory_space<hbm>> -> memref<1280x32xi32, #tpu.memory_space<hbm>>
        %dma_start3A_24 = arith.constant 0 : i32
        %dma_start3A_25 = tpu.memref_slice %dma_start3A_23[%scan3A_15, %dma_start3A_24] : memref<1280x32xi32, #tpu.memory_space<hbm>> -> memref<1x32xi32, #tpu.memory_space<hbm>>
        %dma_start3A_26 = tpu.memref_squeeze %dma_start3A_25 : memref<1x32xi32, #tpu.memory_space<hbm>> -> memref<32xi32, #tpu.memory_space<hbm>>
        %dma_start3A_27 = arith.constant 0 : i32
        %dma_start3A_28 = arith.constant 0 : i32
        %dma_start3A_29 = tpu.memref_slice %arg3[%arg1, %dma_start3A_27, %dma_start3A_28] : memref<16x1280x32xi32, #tpu.memory_space<hbm>> -> memref<1x1280x32xi32, #tpu.memory_space<hbm>>
        %dma_start3A_30 = tpu.memref_squeeze %dma_start3A_29 : memref<1x1280x32xi32, #tpu.memory_space<hbm>> -> memref<1280x32xi32, #tpu.memory_space<hbm>>
        %dma_start3A_31 = arith.constant 0 : i32
        %dma_start3A_32 = tpu.memref_slice %dma_start3A_30[%scan3A_15, %dma_start3A_31] : memref<1280x32xi32, #tpu.memory_space<hbm>> -> memref<1x32xi32, #tpu.memory_space<hbm>>
        %dma_start3A_33 = tpu.memref_squeeze %dma_start3A_32 : memref<1x32xi32, #tpu.memory_space<hbm>> -> memref<32xi32, #tpu.memory_space<hbm>>
        tpu.enqueue_dma source(%dma_start3A_33 : memref<32xi32, #tpu.memory_space<hbm>>) target(%arg7 : memref<32xi32, #tpu.memory_space<vmem>>) target_semaphore(%run_scoped3A : memref<!tpu.dma_semaphore, #tpu.memory_space<semaphore_mem>>)
        %dma_wait3A_34 = arith.constant 0 : i32
        %dma_wait3A_35 = arith.constant 0 : i32
        %dma_wait3A_36 = tpu.memref_slice %arg3[%arg1, %dma_wait3A_34, %dma_wait3A_35] : memref<16x1280x32xi32, #tpu.memory_space<hbm>> -> memref<1x1280x32xi32, #tpu.memory_space<hbm>>
        %dma_wait3A_37 = tpu.memref_squeeze %dma_wait3A_36 : memref<1x1280x32xi32, #tpu.memory_space<hbm>> -> memref<1280x32xi32, #tpu.memory_space<hbm>>
        %dma_wait3A_38 = arith.constant 0 : i32
        %dma_wait3A_39 = tpu.memref_slice %dma_wait3A_37[%scan3A_15, %dma_wait3A_38] : memref<1280x32xi32, #tpu.memory_space<hbm>> -> memref<1x32xi32, #tpu.memory_space<hbm>>
        %dma_wait3A_40 = tpu.memref_squeeze %dma_wait3A_39 : memref<1x32xi32, #tpu.memory_space<hbm>> -> memref<32xi32, #tpu.memory_space<hbm>>
        %dma_wait3A_41 = arith.constant 0 : i32
        %dma_wait3A_42 = arith.constant 0 : i32
        %dma_wait3A_43 = tpu.memref_slice %arg3[%arg1, %dma_wait3A_41, %dma_wait3A_42] : memref<16x1280x32xi32, #tpu.memory_space<hbm>> -> memref<1x1280x32xi32, #tpu.memory_space<hbm>>
        %dma_wait3A_44 = tpu.memref_squeeze %dma_wait3A_43 : memref<1x1280x32xi32, #tpu.memory_space<hbm>> -> memref<1280x32xi32, #tpu.memory_space<hbm>>
        %dma_wait3A_45 = arith.constant 0 : i32
        %dma_wait3A_46 = tpu.memref_slice %dma_wait3A_44[%scan3A_15, %dma_wait3A_45] : memref<1280x32xi32, #tpu.memory_space<hbm>> -> memref<1x32xi32, #tpu.memory_space<hbm>>
        %dma_wait3A_47 = tpu.memref_squeeze %dma_wait3A_46 : memref<1x32xi32, #tpu.memory_space<hbm>> -> memref<32xi32, #tpu.memory_space<hbm>>
        tpu.wait_dma2 semaphore(%run_scoped3A : memref<!tpu.dma_semaphore, #tpu.memory_space<semaphore_mem>>) src(%dma_wait3A_47 : memref<32xi32, #tpu.memory_space<hbm>>) dst(%arg7 : memref<32xi32, #tpu.memory_space<vmem>>)
        tpu.yield
      }) : () -> ()
      "tpu.region"() ({
        %run_scoped3A = tpu.sem_alloc : memref<!tpu.dma_semaphore, #tpu.memory_space<semaphore_mem>>
        %dma_start3A_20 = arith.constant 0 : i32
        %dma_start3A_21 = arith.constant 0 : i32
        %dma_start3A_22 = arith.constant 0 : i32
        %dma_start3A_23 = tpu.memref_slice %arg4[%arg0, %dma_start3A_20, %dma_start3A_21, %dma_start3A_22] : memref<2x16x1280x32xi32, #tpu.memory_space<hbm>> -> memref<1x16x1280x32xi32, #tpu.memory_space<hbm>>
        %dma_start3A_24 = tpu.memref_squeeze %dma_start3A_23 : memref<1x16x1280x32xi32, #tpu.memory_space<hbm>> -> memref<16x1280x32xi32, #tpu.memory_space<hbm>>
        %dma_start3A_25 = arith.constant 0 : i32
        %dma_start3A_26 = arith.constant 0 : i32
        %dma_start3A_27 = tpu.memref_slice %dma_start3A_24[%arg1, %dma_start3A_25, %dma_start3A_26] : memref<16x1280x32xi32, #tpu.memory_space<hbm>> -> memref<1x1280x32xi32, #tpu.memory_space<hbm>>
        %dma_start3A_28 = tpu.memref_squeeze %dma_start3A_27 : memref<1x1280x32xi32, #tpu.memory_space<hbm>> -> memref<1280x32xi32, #tpu.memory_space<hbm>>
        %dma_start3A_29 = arith.constant 0 : i32
        %dma_start3A_30 = tpu.memref_slice %dma_start3A_28[%scan3A_15, %dma_start3A_29] : memref<1280x32xi32, #tpu.memory_space<hbm>> -> memref<1x32xi32, #tpu.memory_space<hbm>>
        %dma_start3A_31 = tpu.memref_squeeze %dma_start3A_30 : memref<1x32xi32, #tpu.memory_space<hbm>> -> memref<32xi32, #tpu.memory_space<hbm>>
        %dma_start3A_32 = arith.constant 0 : i32
        %dma_start3A_33 = arith.constant 0 : i32
        %dma_start3A_34 = arith.constant 0 : i32
        %dma_start3A_35 = tpu.memref_slice %arg4[%arg0, %dma_start3A_32, %dma_start3A_33, %dma_start3A_34] : memref<2x16x1280x32xi32, #tpu.memory_space<hbm>> -> memref<1x16x1280x32xi32, #tpu.memory_space<hbm>>
        %dma_start3A_36 = tpu.memref_squeeze %dma_start3A_35 : memref<1x16x1280x32xi32, #tpu.memory_space<hbm>> -> memref<16x1280x32xi32, #tpu.memory_space<hbm>>
        %dma_start3A_37 = arith.constant 0 : i32
        %dma_start3A_38 = arith.constant 0 : i32
        %dma_start3A_39 = tpu.memref_slice %dma_start3A_36[%arg1, %dma_start3A_37, %dma_start3A_38] : memref<16x1280x32xi32, #tpu.memory_space<hbm>> -> memref<1x1280x32xi32, #tpu.memory_space<hbm>>
        %dma_start3A_40 = tpu.memref_squeeze %dma_start3A_39 : memref<1x1280x32xi32, #tpu.memory_space<hbm>> -> memref<1280x32xi32, #tpu.memory_space<hbm>>
        %dma_start3A_41 = arith.constant 0 : i32
        %dma_start3A_42 = tpu.memref_slice %dma_start3A_40[%scan3A_15, %dma_start3A_41] : memref<1280x32xi32, #tpu.memory_space<hbm>> -> memref<1x32xi32, #tpu.memory_space<hbm>>
        %dma_start3A_43 = tpu.memref_squeeze %dma_start3A_42 : memref<1x32xi32, #tpu.memory_space<hbm>> -> memref<32xi32, #tpu.memory_space<hbm>>
        tpu.enqueue_dma source(%dma_start3A_43 : memref<32xi32, #tpu.memory_space<hbm>>) target(%arg8 : memref<32xi32, #tpu.memory_space<vmem>>) target_semaphore(%run_scoped3A : memref<!tpu.dma_semaphore, #tpu.memory_space<semaphore_mem>>)
        %dma_wait3A_44 = arith.constant 0 : i32
        %dma_wait3A_45 = arith.constant 0 : i32
        %dma_wait3A_46 = arith.constant 0 : i32
        %dma_wait3A_47 = tpu.memref_slice %arg4[%arg0, %dma_wait3A_44, %dma_wait3A_45, %dma_wait3A_46] : memref<2x16x1280x32xi32, #tpu.memory_space<hbm>> -> memref<1x16x1280x32xi32, #tpu.memory_space<hbm>>
        %dma_wait3A_48 = tpu.memref_squeeze %dma_wait3A_47 : memref<1x16x1280x32xi32, #tpu.memory_space<hbm>> -> memref<16x1280x32xi32, #tpu.memory_space<hbm>>
        %dma_wait3A_49 = arith.constant 0 : i32
        %dma_wait3A_50 = arith.constant 0 : i32
        %dma_wait3A_51 = tpu.memref_slice %dma_wait3A_48[%arg1, %dma_wait3A_49, %dma_wait3A_50] : memref<16x1280x32xi32, #tpu.memory_space<hbm>> -> memref<1x1280x32xi32, #tpu.memory_space<hbm>>
        %dma_wait3A_52 = tpu.memref_squeeze %dma_wait3A_51 : memref<1x1280x32xi32, #tpu.memory_space<hbm>> -> memref<1280x32xi32, #tpu.memory_space<hbm>>
        %dma_wait3A_53 = arith.constant 0 : i32
        %dma_wait3A_54 = tpu.memref_slice %dma_wait3A_52[%scan3A_15, %dma_wait3A_53] : memref<1280x32xi32, #tpu.memory_space<hbm>> -> memref<1x32xi32, #tpu.memory_space<hbm>>
        %dma_wait3A_55 = tpu.memref_squeeze %dma_wait3A_54 : memref<1x32xi32, #tpu.memory_space<hbm>> -> memref<32xi32, #tpu.memory_space<hbm>>
        %dma_wait3A_56 = arith.constant 0 : i32
        %dma_wait3A_57 = arith.constant 0 : i32
        %dma_wait3A_58 = arith.constant 0 : i32
        %dma_wait3A_59 = tpu.memref_slice %arg4[%arg0, %dma_wait3A_56, %dma_wait3A_57, %dma_wait3A_58] : memref<2x16x1280x32xi32, #tpu.memory_space<hbm>> -> memref<1x16x1280x32xi32, #tpu.memory_space<hbm>>
        %dma_wait3A_60 = tpu.memref_squeeze %dma_wait3A_59 : memref<1x16x1280x32xi32, #tpu.memory_space<hbm>> -> memref<16x1280x32xi32, #tpu.memory_space<hbm>>
        %dma_wait3A_61 = arith.constant 0 : i32
        %dma_wait3A_62 = arith.constant 0 : i32
        %dma_wait3A_63 = tpu.memref_slice %dma_wait3A_60[%arg1, %dma_wait3A_61, %dma_wait3A_62] : memref<16x1280x32xi32, #tpu.memory_space<hbm>> -> memref<1x1280x32xi32, #tpu.memory_space<hbm>>
        %dma_wait3A_64 = tpu.memref_squeeze %dma_wait3A_63 : memref<1x1280x32xi32, #tpu.memory_space<hbm>> -> memref<1280x32xi32, #tpu.memory_space<hbm>>
        %dma_wait3A_65 = arith.constant 0 : i32
        %dma_wait3A_66 = tpu.memref_slice %dma_wait3A_64[%scan3A_15, %dma_wait3A_65] : memref<1280x32xi32, #tpu.memory_space<hbm>> -> memref<1x32xi32, #tpu.memory_space<hbm>>
        %dma_wait3A_67 = tpu.memref_squeeze %dma_wait3A_66 : memref<1x32xi32, #tpu.memory_space<hbm>> -> memref<32xi32, #tpu.memory_space<hbm>>
        tpu.wait_dma2 semaphore(%run_scoped3A : memref<!tpu.dma_semaphore, #tpu.memory_space<semaphore_mem>>) src(%dma_wait3A_67 : memref<32xi32, #tpu.memory_space<hbm>>) dst(%arg8 : memref<32xi32, #tpu.memory_space<vmem>>)
        tpu.yield
      }) : () -> ()
      %dma_start3A = arith.constant 0 : i32
      %dma_start3A_16 = arith.constant 0 : i32
      %dma_start3A_17 = tpu.memref_slice %arg10[%dma_start3A, %dma_start3A_16] : memref<10000x128xf32, #tpu.memory_space<vmem_shared>> -> memref<10000x128xf32, #tpu.memory_space<vmem_shared>>
      tpu.enqueue_indirect_dma source(%dma_start3A_17 : memref<10000x128xf32, #tpu.memory_space<vmem_shared>>) target(%arg9 : memref<32x128xf32, #tpu.memory_space<vmem>>) offsets(%arg7 : memref<32xi32, #tpu.memory_space<vmem>>) semaphore(%arg12 : memref<!tpu.dma_semaphore, #tpu.memory_space<semaphore_mem>>)
      %dma_wait3A = arith.constant 0 : i32
      %dma_wait3A_18 = arith.constant 0 : i32
      %dma_wait3A_19 = tpu.memref_slice %arg10[%dma_wait3A, %dma_wait3A_18] : memref<10000x128xf32, #tpu.memory_space<vmem_shared>> -> memref<10000x128xf32, #tpu.memory_space<vmem_shared>>
      tpu.wait_indirect_dma semaphore(%arg12 : memref<!tpu.dma_semaphore, #tpu.memory_space<semaphore_mem>>) src(%dma_wait3A_19 : memref<10000x128xf32, #tpu.memory_space<vmem_shared>>) dst(%arg9 : memref<32x128xf32, #tpu.memory_space<vmem>>)
      "tpu.region"() ({
        %run_scoped3A = tpu.sem_alloc : memref<!tpu.dma_semaphore, #tpu.memory_space<semaphore_mem>>
        %dma_start3A_20 = arith.constant 0 : i32
        %dma_start3A_21 = arith.constant 0 : i32
        %dma_start3A_22 = tpu.memref_slice %arg11[%dma_start3A_20, %dma_start3A_21] : memref<5120x128xf32, #tpu.memory_space<vmem_shared>> -> memref<5120x128xf32, #tpu.memory_space<vmem_shared>>
        tpu.enqueue_indirect_dma source(%arg9 : memref<32x128xf32, #tpu.memory_space<vmem>>) target(%dma_start3A_22 : memref<5120x128xf32, #tpu.memory_space<vmem_shared>>) offsets(%arg8 : memref<32xi32, #tpu.memory_space<vmem>>) semaphore(%run_scoped3A : memref<!tpu.dma_semaphore, #tpu.memory_space<semaphore_mem>>) {add = true}
        %dma_wait3A_23 = arith.constant 0 : i32
        %dma_wait3A_24 = arith.constant 0 : i32
        %dma_wait3A_25 = tpu.memref_slice %arg11[%dma_wait3A_23, %dma_wait3A_24] : memref<5120x128xf32, #tpu.memory_space<vmem_shared>> -> memref<5120x128xf32, #tpu.memory_space<vmem_shared>>
        tpu.wait_indirect_dma semaphore(%run_scoped3A : memref<!tpu.dma_semaphore, #tpu.memory_space<semaphore_mem>>) src(%arg9 : memref<32x128xf32, #tpu.memory_space<vmem>>) dst(%dma_wait3A_25 : memref<5120x128xf32, #tpu.memory_space<vmem_shared>>)
        tpu.yield
      }) : () -> ()
    }
    %scan3A_11 = arith.constant 1280 : i32
    %barrier3A_12 = arith.constant 0 : index
    tpu.barrier barrier_id(%barrier3A_12)
    %mul3A_13 = arith.constant 320 : i32
    %mul3A_14 = arith.muli %arg1, %mul3A_13 : i32
    "tpu.region"() ({
      %run_scoped3A = tpu.sem_alloc : memref<!tpu.dma_semaphore, #tpu.memory_space<semaphore_mem>>
      %dma_start3A = arith.constant 0 : i32
      %dma_start3A_15 = arith.constant 0 : i32
      %dma_start3A_16 = tpu.memref_slice %arg6[%arg0, %dma_start3A, %dma_start3A_15] : memref<2x5120x128xf32, #tpu.memory_space<hbm>> -> memref<1x5120x128xf32, #tpu.memory_space<hbm>>
      %dma_start3A_17 = tpu.memref_squeeze %dma_start3A_16 : memref<1x5120x128xf32, #tpu.memory_space<hbm>> -> memref<5120x128xf32, #tpu.memory_space<hbm>>
      %dma_start3A_18 = arith.constant 0 : i32
      %dma_start3A_19 = tpu.memref_slice %dma_start3A_17[%mul3A_14, %dma_start3A_18] : memref<5120x128xf32, #tpu.memory_space<hbm>> -> memref<320x128xf32, #tpu.memory_space<hbm>>
      %dma_start3A_20 = arith.constant 0 : i32
      %dma_start3A_21 = tpu.memref_slice %arg11[%mul3A_14, %dma_start3A_20] : memref<5120x128xf32, #tpu.memory_space<vmem_shared>> -> memref<320x128xf32, #tpu.memory_space<vmem_shared>>
      tpu.enqueue_dma source(%dma_start3A_21 : memref<320x128xf32, #tpu.memory_space<vmem_shared>>) target(%dma_start3A_19 : memref<320x128xf32, #tpu.memory_space<hbm>>) target_semaphore(%run_scoped3A : memref<!tpu.dma_semaphore, #tpu.memory_space<semaphore_mem>>)
      %dma_wait3A = arith.constant 0 : i32
      %dma_wait3A_22 = arith.constant 0 : i32
      %dma_wait3A_23 = tpu.memref_slice %arg6[%arg0, %dma_wait3A, %dma_wait3A_22] : memref<2x5120x128xf32, #tpu.memory_space<hbm>> -> memref<1x5120x128xf32, #tpu.memory_space<hbm>>
      %dma_wait3A_24 = tpu.memref_squeeze %dma_wait3A_23 : memref<1x5120x128xf32, #tpu.memory_space<hbm>> -> memref<5120x128xf32, #tpu.memory_space<hbm>>
      %dma_wait3A_25 = arith.constant 0 : i32
      %dma_wait3A_26 = tpu.memref_slice %dma_wait3A_24[%mul3A_14, %dma_wait3A_25] : memref<5120x128xf32, #tpu.memory_space<hbm>> -> memref<320x128xf32, #tpu.memory_space<hbm>>
      %dma_wait3A_27 = arith.constant 0 : i32
      %dma_wait3A_28 = tpu.memref_slice %arg11[%mul3A_14, %dma_wait3A_27] : memref<5120x128xf32, #tpu.memory_space<vmem_shared>> -> memref<320x128xf32, #tpu.memory_space<vmem_shared>>
      tpu.wait_dma2 semaphore(%run_scoped3A : memref<!tpu.dma_semaphore, #tpu.memory_space<semaphore_mem>>) src(%dma_wait3A_28 : memref<320x128xf32, #tpu.memory_space<vmem_shared>>) dst(%dma_wait3A_26 : memref<320x128xf32, #tpu.memory_space<hbm>>)
      tpu.yield
    }) : () -> ()
    return
  }
}

#map = affine_map<(d0, d1) -> (0, 0, 0, 0)>
#map1 = affine_map<(d0, d1) -> (0, 0)>
#map2 = affine_map<(d0, d1) -> (0, 0, 0)>
module attributes {stable_mosaic.version = 14 : i64} {
  func.func @_sc_deg_body(%arg0: i32, %arg1: i32, %arg2: memref<32x16x40x32xi32, #tpu.memory_space<hbm>>, %arg3: memref<640x128xf32, #tpu.memory_space<hbm>>, %arg4: memref<32x128xf32, #tpu.memory_space<hbm>>, %arg5: memref<2x10240x128xf32, #tpu.memory_space<hbm>>, %arg6: memref<40x32xi32, #tpu.memory_space<vmem>>, %arg7: memref<32x128xf32, #tpu.memory_space<vmem>>, %arg8: memref<10240x128xf32, #tpu.memory_space<vmem_shared>>, %arg9: memref<!tpu.dma_semaphore, #tpu.memory_space<semaphore_mem>>) attributes {dimension_semantics = [#tpu.dimension_semantics<core_parallel>, #tpu.dimension_semantics<subcore_parallel>], iteration_bounds = array<i64: 2, 16>, scalar_prefetch = 0 : i64, scratch_operands = 4 : i64, tpu.core_type = #tpu.core_type<sc_vector_subcore>, window_params = [{transform_indices = #map}, {transform_indices = #map1}, {transform_indices = #map1}, {transform_indices = #map2}]} {
    %mul3A = arith.constant 2 : i32
    %mul3A_0 = arith.muli %arg1, %mul3A : i32
    %add3A = arith.addi %mul3A_0, %arg0 : i32
    %mul3A_1 = arith.constant 640 : i32
    %mul3A_2 = arith.muli %arg1, %mul3A_1 : i32
    "tpu.region"() ({
      %run_scoped3A = tpu.sem_alloc : memref<!tpu.dma_semaphore, #tpu.memory_space<semaphore_mem>>
      %dma_start3A = arith.constant 0 : i32
      %dma_start3A_11 = tpu.memref_slice %arg8[%mul3A_2, %dma_start3A] : memref<10240x128xf32, #tpu.memory_space<vmem_shared>> -> memref<640x128xf32, #tpu.memory_space<vmem_shared>>
      tpu.enqueue_dma source(%arg3 : memref<640x128xf32, #tpu.memory_space<hbm>>) target(%dma_start3A_11 : memref<640x128xf32, #tpu.memory_space<vmem_shared>>) target_semaphore(%run_scoped3A : memref<!tpu.dma_semaphore, #tpu.memory_space<semaphore_mem>>)
      %dma_wait3A = arith.constant 0 : i32
      %dma_wait3A_12 = tpu.memref_slice %arg8[%mul3A_2, %dma_wait3A] : memref<10240x128xf32, #tpu.memory_space<vmem_shared>> -> memref<640x128xf32, #tpu.memory_space<vmem_shared>>
      tpu.wait_dma2 semaphore(%run_scoped3A : memref<!tpu.dma_semaphore, #tpu.memory_space<semaphore_mem>>) src(%arg3 : memref<640x128xf32, #tpu.memory_space<hbm>>) dst(%dma_wait3A_12 : memref<640x128xf32, #tpu.memory_space<vmem_shared>>)
      tpu.yield
    }) : () -> ()
    "tpu.region"() ({
      %run_scoped3A = tpu.sem_alloc : memref<!tpu.dma_semaphore, #tpu.memory_space<semaphore_mem>>
      tpu.enqueue_dma source(%arg4 : memref<32x128xf32, #tpu.memory_space<hbm>>) target(%arg7 : memref<32x128xf32, #tpu.memory_space<vmem>>) target_semaphore(%run_scoped3A : memref<!tpu.dma_semaphore, #tpu.memory_space<semaphore_mem>>)
      tpu.wait_dma2 semaphore(%run_scoped3A : memref<!tpu.dma_semaphore, #tpu.memory_space<semaphore_mem>>) src(%arg4 : memref<32x128xf32, #tpu.memory_space<hbm>>) dst(%arg7 : memref<32x128xf32, #tpu.memory_space<vmem>>)
      tpu.yield
    }) : () -> ()
    %barrier3A = arith.constant 0 : index
    tpu.barrier barrier_id(%barrier3A)
    %scan3A = arith.constant 0 : i32
    %scan3A_3 = arith.constant 0 : i32
    %scan3A_4 = arith.constant 16 : i32
    %scan3A_5 = arith.addi %scan3A_3, %scan3A_4 : i32
    %scan3A_6 = arith.constant 1 : i32
    scf.for %scan3A_11 = %scan3A_3 to %scan3A_5 step %scan3A_6  : i32 {
      "tpu.region"() ({
        %run_scoped3A = tpu.sem_alloc : memref<!tpu.dma_semaphore, #tpu.memory_space<semaphore_mem>>
        %dma_start3A = arith.constant 0 : i32
        %dma_start3A_17 = arith.constant 0 : i32
        %dma_start3A_18 = arith.constant 0 : i32
        %dma_start3A_19 = tpu.memref_slice %arg2[%add3A, %dma_start3A, %dma_start3A_17, %dma_start3A_18] : memref<32x16x40x32xi32, #tpu.memory_space<hbm>> -> memref<1x16x40x32xi32, #tpu.memory_space<hbm>>
        %dma_start3A_20 = tpu.memref_squeeze %dma_start3A_19 : memref<1x16x40x32xi32, #tpu.memory_space<hbm>> -> memref<16x40x32xi32, #tpu.memory_space<hbm>>
        %dma_start3A_21 = arith.constant 0 : i32
        %dma_start3A_22 = arith.constant 0 : i32
        %dma_start3A_23 = tpu.memref_slice %dma_start3A_20[%scan3A_11, %dma_start3A_21, %dma_start3A_22] : memref<16x40x32xi32, #tpu.memory_space<hbm>> -> memref<1x40x32xi32, #tpu.memory_space<hbm>>
        %dma_start3A_24 = tpu.memref_squeeze %dma_start3A_23 : memref<1x40x32xi32, #tpu.memory_space<hbm>> -> memref<40x32xi32, #tpu.memory_space<hbm>>
        %dma_start3A_25 = arith.constant 0 : i32
        %dma_start3A_26 = arith.constant 0 : i32
        %dma_start3A_27 = arith.constant 0 : i32
        %dma_start3A_28 = tpu.memref_slice %arg2[%add3A, %dma_start3A_25, %dma_start3A_26, %dma_start3A_27] : memref<32x16x40x32xi32, #tpu.memory_space<hbm>> -> memref<1x16x40x32xi32, #tpu.memory_space<hbm>>
        %dma_start3A_29 = tpu.memref_squeeze %dma_start3A_28 : memref<1x16x40x32xi32, #tpu.memory_space<hbm>> -> memref<16x40x32xi32, #tpu.memory_space<hbm>>
        %dma_start3A_30 = arith.constant 0 : i32
        %dma_start3A_31 = arith.constant 0 : i32
        %dma_start3A_32 = tpu.memref_slice %dma_start3A_29[%scan3A_11, %dma_start3A_30, %dma_start3A_31] : memref<16x40x32xi32, #tpu.memory_space<hbm>> -> memref<1x40x32xi32, #tpu.memory_space<hbm>>
        %dma_start3A_33 = tpu.memref_squeeze %dma_start3A_32 : memref<1x40x32xi32, #tpu.memory_space<hbm>> -> memref<40x32xi32, #tpu.memory_space<hbm>>
        tpu.enqueue_dma source(%dma_start3A_33 : memref<40x32xi32, #tpu.memory_space<hbm>>) target(%arg6 : memref<40x32xi32, #tpu.memory_space<vmem>>) target_semaphore(%run_scoped3A : memref<!tpu.dma_semaphore, #tpu.memory_space<semaphore_mem>>)
        %dma_wait3A = arith.constant 0 : i32
        %dma_wait3A_34 = arith.constant 0 : i32
        %dma_wait3A_35 = arith.constant 0 : i32
        %dma_wait3A_36 = tpu.memref_slice %arg2[%add3A, %dma_wait3A, %dma_wait3A_34, %dma_wait3A_35] : memref<32x16x40x32xi32, #tpu.memory_space<hbm>> -> memref<1x16x40x32xi32, #tpu.memory_space<hbm>>
        %dma_wait3A_37 = tpu.memref_squeeze %dma_wait3A_36 : memref<1x16x40x32xi32, #tpu.memory_space<hbm>> -> memref<16x40x32xi32, #tpu.memory_space<hbm>>
        %dma_wait3A_38 = arith.constant 0 : i32
        %dma_wait3A_39 = arith.constant 0 : i32
        %dma_wait3A_40 = tpu.memref_slice %dma_wait3A_37[%scan3A_11, %dma_wait3A_38, %dma_wait3A_39] : memref<16x40x32xi32, #tpu.memory_space<hbm>> -> memref<1x40x32xi32, #tpu.memory_space<hbm>>
        %dma_wait3A_41 = tpu.memref_squeeze %dma_wait3A_40 : memref<1x40x32xi32, #tpu.memory_space<hbm>> -> memref<40x32xi32, #tpu.memory_space<hbm>>
        %dma_wait3A_42 = arith.constant 0 : i32
        %dma_wait3A_43 = arith.constant 0 : i32
        %dma_wait3A_44 = arith.constant 0 : i32
        %dma_wait3A_45 = tpu.memref_slice %arg2[%add3A, %dma_wait3A_42, %dma_wait3A_43, %dma_wait3A_44] : memref<32x16x40x32xi32, #tpu.memory_space<hbm>> -> memref<1x16x40x32xi32, #tpu.memory_space<hbm>>
        %dma_wait3A_46 = tpu.memref_squeeze %dma_wait3A_45 : memref<1x16x40x32xi32, #tpu.memory_space<hbm>> -> memref<16x40x32xi32, #tpu.memory_space<hbm>>
        %dma_wait3A_47 = arith.constant 0 : i32
        %dma_wait3A_48 = arith.constant 0 : i32
        %dma_wait3A_49 = tpu.memref_slice %dma_wait3A_46[%scan3A_11, %dma_wait3A_47, %dma_wait3A_48] : memref<16x40x32xi32, #tpu.memory_space<hbm>> -> memref<1x40x32xi32, #tpu.memory_space<hbm>>
        %dma_wait3A_50 = tpu.memref_squeeze %dma_wait3A_49 : memref<1x40x32xi32, #tpu.memory_space<hbm>> -> memref<40x32xi32, #tpu.memory_space<hbm>>
        tpu.wait_dma2 semaphore(%run_scoped3A : memref<!tpu.dma_semaphore, #tpu.memory_space<semaphore_mem>>) src(%dma_wait3A_50 : memref<40x32xi32, #tpu.memory_space<hbm>>) dst(%arg6 : memref<40x32xi32, #tpu.memory_space<vmem>>)
        tpu.yield
      }) : () -> ()
      %scan3A_12 = arith.constant 0 : i32
      %scan3A_13 = arith.constant 5 : i32
      %scan3A_14 = arith.addi %scan3A_12, %scan3A_13 : i32
      %scan3A_15 = arith.constant 1 : i32
      scf.for %scan3A_17 = %scan3A_12 to %scan3A_14 step %scan3A_15  : i32 {
        %mul3A_18 = arith.constant 8 : i32
        %mul3A_19 = arith.muli %scan3A_17, %mul3A_18 : i32
        %add3A_20 = arith.constant 0 : i32
        %add3A_21 = arith.addi %mul3A_19, %add3A_20 : i32
        %dma_start3A = arith.constant 0 : i32
        %dma_start3A_22 = tpu.memref_slice %arg6[%add3A_21, %dma_start3A] : memref<40x32xi32, #tpu.memory_space<vmem>> -> memref<1x32xi32, #tpu.memory_space<vmem>>
        %dma_start3A_23 = tpu.memref_squeeze %dma_start3A_22 : memref<1x32xi32, #tpu.memory_space<vmem>> -> memref<32xi32, #tpu.memory_space<vmem>>
        %dma_start3A_24 = arith.constant 0 : i32
        %dma_start3A_25 = arith.constant 0 : i32
        %dma_start3A_26 = tpu.memref_slice %arg8[%dma_start3A_24, %dma_start3A_25] : memref<10240x128xf32, #tpu.memory_space<vmem_shared>> -> memref<10240x128xf32, #tpu.memory_space<vmem_shared>>
        tpu.enqueue_indirect_dma source(%arg7 : memref<32x128xf32, #tpu.memory_space<vmem>>) target(%dma_start3A_26 : memref<10240x128xf32, #tpu.memory_space<vmem_shared>>) offsets(%dma_start3A_23 : memref<32xi32, #tpu.memory_space<vmem>>) semaphore(%arg9 : memref<!tpu.dma_semaphore, #tpu.memory_space<semaphore_mem>>) {add = true}
        %mul3A_27 = arith.constant 8 : i32
        %mul3A_28 = arith.muli %scan3A_17, %mul3A_27 : i32
        %add3A_29 = arith.constant 1 : i32
        %add3A_30 = arith.addi %mul3A_28, %add3A_29 : i32
        %dma_start3A_31 = arith.constant 0 : i32
        %dma_start3A_32 = tpu.memref_slice %arg6[%add3A_30, %dma_start3A_31] : memref<40x32xi32, #tpu.memory_space<vmem>> -> memref<1x32xi32, #tpu.memory_space<vmem>>
        %dma_start3A_33 = tpu.memref_squeeze %dma_start3A_32 : memref<1x32xi32, #tpu.memory_space<vmem>> -> memref<32xi32, #tpu.memory_space<vmem>>
        %dma_start3A_34 = arith.constant 0 : i32
        %dma_start3A_35 = arith.constant 0 : i32
        %dma_start3A_36 = tpu.memref_slice %arg8[%dma_start3A_34, %dma_start3A_35] : memref<10240x128xf32, #tpu.memory_space<vmem_shared>> -> memref<10240x128xf32, #tpu.memory_space<vmem_shared>>
        tpu.enqueue_indirect_dma source(%arg7 : memref<32x128xf32, #tpu.memory_space<vmem>>) target(%dma_start3A_36 : memref<10240x128xf32, #tpu.memory_space<vmem_shared>>) offsets(%dma_start3A_33 : memref<32xi32, #tpu.memory_space<vmem>>) semaphore(%arg9 : memref<!tpu.dma_semaphore, #tpu.memory_space<semaphore_mem>>) {add = true}
        %mul3A_37 = arith.constant 8 : i32
        %mul3A_38 = arith.muli %scan3A_17, %mul3A_37 : i32
        %add3A_39 = arith.constant 2 : i32
        %add3A_40 = arith.addi %mul3A_38, %add3A_39 : i32
        %dma_start3A_41 = arith.constant 0 : i32
        %dma_start3A_42 = tpu.memref_slice %arg6[%add3A_40, %dma_start3A_41] : memref<40x32xi32, #tpu.memory_space<vmem>> -> memref<1x32xi32, #tpu.memory_space<vmem>>
        %dma_start3A_43 = tpu.memref_squeeze %dma_start3A_42 : memref<1x32xi32, #tpu.memory_space<vmem>> -> memref<32xi32, #tpu.memory_space<vmem>>
        %dma_start3A_44 = arith.constant 0 : i32
        %dma_start3A_45 = arith.constant 0 : i32
        %dma_start3A_46 = tpu.memref_slice %arg8[%dma_start3A_44, %dma_start3A_45] : memref<10240x128xf32, #tpu.memory_space<vmem_shared>> -> memref<10240x128xf32, #tpu.memory_space<vmem_shared>>
        tpu.enqueue_indirect_dma source(%arg7 : memref<32x128xf32, #tpu.memory_space<vmem>>) target(%dma_start3A_46 : memref<10240x128xf32, #tpu.memory_space<vmem_shared>>) offsets(%dma_start3A_43 : memref<32xi32, #tpu.memory_space<vmem>>) semaphore(%arg9 : memref<!tpu.dma_semaphore, #tpu.memory_space<semaphore_mem>>) {add = true}
        %mul3A_47 = arith.constant 8 : i32
        %mul3A_48 = arith.muli %scan3A_17, %mul3A_47 : i32
        %add3A_49 = arith.constant 3 : i32
        %add3A_50 = arith.addi %mul3A_48, %add3A_49 : i32
        %dma_start3A_51 = arith.constant 0 : i32
        %dma_start3A_52 = tpu.memref_slice %arg6[%add3A_50, %dma_start3A_51] : memref<40x32xi32, #tpu.memory_space<vmem>> -> memref<1x32xi32, #tpu.memory_space<vmem>>
        %dma_start3A_53 = tpu.memref_squeeze %dma_start3A_52 : memref<1x32xi32, #tpu.memory_space<vmem>> -> memref<32xi32, #tpu.memory_space<vmem>>
        %dma_start3A_54 = arith.constant 0 : i32
        %dma_start3A_55 = arith.constant 0 : i32
        %dma_start3A_56 = tpu.memref_slice %arg8[%dma_start3A_54, %dma_start3A_55] : memref<10240x128xf32, #tpu.memory_space<vmem_shared>> -> memref<10240x128xf32, #tpu.memory_space<vmem_shared>>
        tpu.enqueue_indirect_dma source(%arg7 : memref<32x128xf32, #tpu.memory_space<vmem>>) target(%dma_start3A_56 : memref<10240x128xf32, #tpu.memory_space<vmem_shared>>) offsets(%dma_start3A_53 : memref<32xi32, #tpu.memory_space<vmem>>) semaphore(%arg9 : memref<!tpu.dma_semaphore, #tpu.memory_space<semaphore_mem>>) {add = true}
        %mul3A_57 = arith.constant 8 : i32
        %mul3A_58 = arith.muli %scan3A_17, %mul3A_57 : i32
        %add3A_59 = arith.constant 4 : i32
        %add3A_60 = arith.addi %mul3A_58, %add3A_59 : i32
        %dma_start3A_61 = arith.constant 0 : i32
        %dma_start3A_62 = tpu.memref_slice %arg6[%add3A_60, %dma_start3A_61] : memref<40x32xi32, #tpu.memory_space<vmem>> -> memref<1x32xi32, #tpu.memory_space<vmem>>
        %dma_start3A_63 = tpu.memref_squeeze %dma_start3A_62 : memref<1x32xi32, #tpu.memory_space<vmem>> -> memref<32xi32, #tpu.memory_space<vmem>>
        %dma_start3A_64 = arith.constant 0 : i32
        %dma_start3A_65 = arith.constant 0 : i32
        %dma_start3A_66 = tpu.memref_slice %arg8[%dma_start3A_64, %dma_start3A_65] : memref<10240x128xf32, #tpu.memory_space<vmem_shared>> -> memref<10240x128xf32, #tpu.memory_space<vmem_shared>>
        tpu.enqueue_indirect_dma source(%arg7 : memref<32x128xf32, #tpu.memory_space<vmem>>) target(%dma_start3A_66 : memref<10240x128xf32, #tpu.memory_space<vmem_shared>>) offsets(%dma_start3A_63 : memref<32xi32, #tpu.memory_space<vmem>>) semaphore(%arg9 : memref<!tpu.dma_semaphore, #tpu.memory_space<semaphore_mem>>) {add = true}
        %mul3A_67 = arith.constant 8 : i32
        %mul3A_68 = arith.muli %scan3A_17, %mul3A_67 : i32
        %add3A_69 = arith.constant 5 : i32
        %add3A_70 = arith.addi %mul3A_68, %add3A_69 : i32
        %dma_start3A_71 = arith.constant 0 : i32
        %dma_start3A_72 = tpu.memref_slice %arg6[%add3A_70, %dma_start3A_71] : memref<40x32xi32, #tpu.memory_space<vmem>> -> memref<1x32xi32, #tpu.memory_space<vmem>>
        %dma_start3A_73 = tpu.memref_squeeze %dma_start3A_72 : memref<1x32xi32, #tpu.memory_space<vmem>> -> memref<32xi32, #tpu.memory_space<vmem>>
        %dma_start3A_74 = arith.constant 0 : i32
        %dma_start3A_75 = arith.constant 0 : i32
        %dma_start3A_76 = tpu.memref_slice %arg8[%dma_start3A_74, %dma_start3A_75] : memref<10240x128xf32, #tpu.memory_space<vmem_shared>> -> memref<10240x128xf32, #tpu.memory_space<vmem_shared>>
        tpu.enqueue_indirect_dma source(%arg7 : memref<32x128xf32, #tpu.memory_space<vmem>>) target(%dma_start3A_76 : memref<10240x128xf32, #tpu.memory_space<vmem_shared>>) offsets(%dma_start3A_73 : memref<32xi32, #tpu.memory_space<vmem>>) semaphore(%arg9 : memref<!tpu.dma_semaphore, #tpu.memory_space<semaphore_mem>>) {add = true}
        %mul3A_77 = arith.constant 8 : i32
        %mul3A_78 = arith.muli %scan3A_17, %mul3A_77 : i32
        %add3A_79 = arith.constant 6 : i32
        %add3A_80 = arith.addi %mul3A_78, %add3A_79 : i32
        %dma_start3A_81 = arith.constant 0 : i32
        %dma_start3A_82 = tpu.memref_slice %arg6[%add3A_80, %dma_start3A_81] : memref<40x32xi32, #tpu.memory_space<vmem>> -> memref<1x32xi32, #tpu.memory_space<vmem>>
        %dma_start3A_83 = tpu.memref_squeeze %dma_start3A_82 : memref<1x32xi32, #tpu.memory_space<vmem>> -> memref<32xi32, #tpu.memory_space<vmem>>
        %dma_start3A_84 = arith.constant 0 : i32
        %dma_start3A_85 = arith.constant 0 : i32
        %dma_start3A_86 = tpu.memref_slice %arg8[%dma_start3A_84, %dma_start3A_85] : memref<10240x128xf32, #tpu.memory_space<vmem_shared>> -> memref<10240x128xf32, #tpu.memory_space<vmem_shared>>
        tpu.enqueue_indirect_dma source(%arg7 : memref<32x128xf32, #tpu.memory_space<vmem>>) target(%dma_start3A_86 : memref<10240x128xf32, #tpu.memory_space<vmem_shared>>) offsets(%dma_start3A_83 : memref<32xi32, #tpu.memory_space<vmem>>) semaphore(%arg9 : memref<!tpu.dma_semaphore, #tpu.memory_space<semaphore_mem>>) {add = true}
        %mul3A_87 = arith.constant 8 : i32
        %mul3A_88 = arith.muli %scan3A_17, %mul3A_87 : i32
        %add3A_89 = arith.constant 7 : i32
        %add3A_90 = arith.addi %mul3A_88, %add3A_89 : i32
        %dma_start3A_91 = arith.constant 0 : i32
        %dma_start3A_92 = tpu.memref_slice %arg6[%add3A_90, %dma_start3A_91] : memref<40x32xi32, #tpu.memory_space<vmem>> -> memref<1x32xi32, #tpu.memory_space<vmem>>
        %dma_start3A_93 = tpu.memref_squeeze %dma_start3A_92 : memref<1x32xi32, #tpu.memory_space<vmem>> -> memref<32xi32, #tpu.memory_space<vmem>>
        %dma_start3A_94 = arith.constant 0 : i32
        %dma_start3A_95 = arith.constant 0 : i32
        %dma_start3A_96 = tpu.memref_slice %arg8[%dma_start3A_94, %dma_start3A_95] : memref<10240x128xf32, #tpu.memory_space<vmem_shared>> -> memref<10240x128xf32, #tpu.memory_space<vmem_shared>>
        tpu.enqueue_indirect_dma source(%arg7 : memref<32x128xf32, #tpu.memory_space<vmem>>) target(%dma_start3A_96 : memref<10240x128xf32, #tpu.memory_space<vmem_shared>>) offsets(%dma_start3A_93 : memref<32xi32, #tpu.memory_space<vmem>>) semaphore(%arg9 : memref<!tpu.dma_semaphore, #tpu.memory_space<semaphore_mem>>) {add = true}
        %mul3A_97 = arith.constant 8 : i32
        %mul3A_98 = arith.muli %scan3A_17, %mul3A_97 : i32
        %add3A_99 = arith.constant 0 : i32
        %add3A_100 = arith.addi %mul3A_98, %add3A_99 : i32
        %dma_wait3A = arith.constant 0 : i32
        %dma_wait3A_101 = tpu.memref_slice %arg6[%add3A_100, %dma_wait3A] : memref<40x32xi32, #tpu.memory_space<vmem>> -> memref<1x32xi32, #tpu.memory_space<vmem>>
        %dma_wait3A_102 = tpu.memref_squeeze %dma_wait3A_101 : memref<1x32xi32, #tpu.memory_space<vmem>> -> memref<32xi32, #tpu.memory_space<vmem>>
        %dma_wait3A_103 = arith.constant 0 : i32
        %dma_wait3A_104 = arith.constant 0 : i32
        %dma_wait3A_105 = tpu.memref_slice %arg8[%dma_wait3A_103, %dma_wait3A_104] : memref<10240x128xf32, #tpu.memory_space<vmem_shared>> -> memref<10240x128xf32, #tpu.memory_space<vmem_shared>>
        tpu.wait_indirect_dma semaphore(%arg9 : memref<!tpu.dma_semaphore, #tpu.memory_space<semaphore_mem>>) src(%arg7 : memref<32x128xf32, #tpu.memory_space<vmem>>) dst(%dma_wait3A_105 : memref<10240x128xf32, #tpu.memory_space<vmem_shared>>)
        %mul3A_106 = arith.constant 8 : i32
        %mul3A_107 = arith.muli %scan3A_17, %mul3A_106 : i32
        %add3A_108 = arith.constant 1 : i32
        %add3A_109 = arith.addi %mul3A_107, %add3A_108 : i32
        %dma_wait3A_110 = arith.constant 0 : i32
        %dma_wait3A_111 = tpu.memref_slice %arg6[%add3A_109, %dma_wait3A_110] : memref<40x32xi32, #tpu.memory_space<vmem>> -> memref<1x32xi32, #tpu.memory_space<vmem>>
        %dma_wait3A_112 = tpu.memref_squeeze %dma_wait3A_111 : memref<1x32xi32, #tpu.memory_space<vmem>> -> memref<32xi32, #tpu.memory_space<vmem>>
        %dma_wait3A_113 = arith.constant 0 : i32
        %dma_wait3A_114 = arith.constant 0 : i32
        %dma_wait3A_115 = tpu.memref_slice %arg8[%dma_wait3A_113, %dma_wait3A_114] : memref<10240x128xf32, #tpu.memory_space<vmem_shared>> -> memref<10240x128xf32, #tpu.memory_space<vmem_shared>>
        tpu.wait_indirect_dma semaphore(%arg9 : memref<!tpu.dma_semaphore, #tpu.memory_space<semaphore_mem>>) src(%arg7 : memref<32x128xf32, #tpu.memory_space<vmem>>) dst(%dma_wait3A_115 : memref<10240x128xf32, #tpu.memory_space<vmem_shared>>)
        %mul3A_116 = arith.constant 8 : i32
        %mul3A_117 = arith.muli %scan3A_17, %mul3A_116 : i32
        %add3A_118 = arith.constant 2 : i32
        %add3A_119 = arith.addi %mul3A_117, %add3A_118 : i32
        %dma_wait3A_120 = arith.constant 0 : i32
        %dma_wait3A_121 = tpu.memref_slice %arg6[%add3A_119, %dma_wait3A_120] : memref<40x32xi32, #tpu.memory_space<vmem>> -> memref<1x32xi32, #tpu.memory_space<vmem>>
        %dma_wait3A_122 = tpu.memref_squeeze %dma_wait3A_121 : memref<1x32xi32, #tpu.memory_space<vmem>> -> memref<32xi32, #tpu.memory_space<vmem>>
        %dma_wait3A_123 = arith.constant 0 : i32
        %dma_wait3A_124 = arith.constant 0 : i32
        %dma_wait3A_125 = tpu.memref_slice %arg8[%dma_wait3A_123, %dma_wait3A_124] : memref<10240x128xf32, #tpu.memory_space<vmem_shared>> -> memref<10240x128xf32, #tpu.memory_space<vmem_shared>>
        tpu.wait_indirect_dma semaphore(%arg9 : memref<!tpu.dma_semaphore, #tpu.memory_space<semaphore_mem>>) src(%arg7 : memref<32x128xf32, #tpu.memory_space<vmem>>) dst(%dma_wait3A_125 : memref<10240x128xf32, #tpu.memory_space<vmem_shared>>)
        %mul3A_126 = arith.constant 8 : i32
        %mul3A_127 = arith.muli %scan3A_17, %mul3A_126 : i32
        %add3A_128 = arith.constant 3 : i32
        %add3A_129 = arith.addi %mul3A_127, %add3A_128 : i32
        %dma_wait3A_130 = arith.constant 0 : i32
        %dma_wait3A_131 = tpu.memref_slice %arg6[%add3A_129, %dma_wait3A_130] : memref<40x32xi32, #tpu.memory_space<vmem>> -> memref<1x32xi32, #tpu.memory_space<vmem>>
        %dma_wait3A_132 = tpu.memref_squeeze %dma_wait3A_131 : memref<1x32xi32, #tpu.memory_space<vmem>> -> memref<32xi32, #tpu.memory_space<vmem>>
        %dma_wait3A_133 = arith.constant 0 : i32
        %dma_wait3A_134 = arith.constant 0 : i32
        %dma_wait3A_135 = tpu.memref_slice %arg8[%dma_wait3A_133, %dma_wait3A_134] : memref<10240x128xf32, #tpu.memory_space<vmem_shared>> -> memref<10240x128xf32, #tpu.memory_space<vmem_shared>>
        tpu.wait_indirect_dma semaphore(%arg9 : memref<!tpu.dma_semaphore, #tpu.memory_space<semaphore_mem>>) src(%arg7 : memref<32x128xf32, #tpu.memory_space<vmem>>) dst(%dma_wait3A_135 : memref<10240x128xf32, #tpu.memory_space<vmem_shared>>)
        %mul3A_136 = arith.constant 8 : i32
        %mul3A_137 = arith.muli %scan3A_17, %mul3A_136 : i32
        %add3A_138 = arith.constant 4 : i32
        %add3A_139 = arith.addi %mul3A_137, %add3A_138 : i32
        %dma_wait3A_140 = arith.constant 0 : i32
        %dma_wait3A_141 = tpu.memref_slice %arg6[%add3A_139, %dma_wait3A_140] : memref<40x32xi32, #tpu.memory_space<vmem>> -> memref<1x32xi32, #tpu.memory_space<vmem>>
        %dma_wait3A_142 = tpu.memref_squeeze %dma_wait3A_141 : memref<1x32xi32, #tpu.memory_space<vmem>> -> memref<32xi32, #tpu.memory_space<vmem>>
        %dma_wait3A_143 = arith.constant 0 : i32
        %dma_wait3A_144 = arith.constant 0 : i32
        %dma_wait3A_145 = tpu.memref_slice %arg8[%dma_wait3A_143, %dma_wait3A_144] : memref<10240x128xf32, #tpu.memory_space<vmem_shared>> -> memref<10240x128xf32, #tpu.memory_space<vmem_shared>>
        tpu.wait_indirect_dma semaphore(%arg9 : memref<!tpu.dma_semaphore, #tpu.memory_space<semaphore_mem>>) src(%arg7 : memref<32x128xf32, #tpu.memory_space<vmem>>) dst(%dma_wait3A_145 : memref<10240x128xf32, #tpu.memory_space<vmem_shared>>)
        %mul3A_146 = arith.constant 8 : i32
        %mul3A_147 = arith.muli %scan3A_17, %mul3A_146 : i32
        %add3A_148 = arith.constant 5 : i32
        %add3A_149 = arith.addi %mul3A_147, %add3A_148 : i32
        %dma_wait3A_150 = arith.constant 0 : i32
        %dma_wait3A_151 = tpu.memref_slice %arg6[%add3A_149, %dma_wait3A_150] : memref<40x32xi32, #tpu.memory_space<vmem>> -> memref<1x32xi32, #tpu.memory_space<vmem>>
        %dma_wait3A_152 = tpu.memref_squeeze %dma_wait3A_151 : memref<1x32xi32, #tpu.memory_space<vmem>> -> memref<32xi32, #tpu.memory_space<vmem>>
        %dma_wait3A_153 = arith.constant 0 : i32
        %dma_wait3A_154 = arith.constant 0 : i32
        %dma_wait3A_155 = tpu.memref_slice %arg8[%dma_wait3A_153, %dma_wait3A_154] : memref<10240x128xf32, #tpu.memory_space<vmem_shared>> -> memref<10240x128xf32, #tpu.memory_space<vmem_shared>>
        tpu.wait_indirect_dma semaphore(%arg9 : memref<!tpu.dma_semaphore, #tpu.memory_space<semaphore_mem>>) src(%arg7 : memref<32x128xf32, #tpu.memory_space<vmem>>) dst(%dma_wait3A_155 : memref<10240x128xf32, #tpu.memory_space<vmem_shared>>)
        %mul3A_156 = arith.constant 8 : i32
        %mul3A_157 = arith.muli %scan3A_17, %mul3A_156 : i32
        %add3A_158 = arith.constant 6 : i32
        %add3A_159 = arith.addi %mul3A_157, %add3A_158 : i32
        %dma_wait3A_160 = arith.constant 0 : i32
        %dma_wait3A_161 = tpu.memref_slice %arg6[%add3A_159, %dma_wait3A_160] : memref<40x32xi32, #tpu.memory_space<vmem>> -> memref<1x32xi32, #tpu.memory_space<vmem>>
        %dma_wait3A_162 = tpu.memref_squeeze %dma_wait3A_161 : memref<1x32xi32, #tpu.memory_space<vmem>> -> memref<32xi32, #tpu.memory_space<vmem>>
        %dma_wait3A_163 = arith.constant 0 : i32
        %dma_wait3A_164 = arith.constant 0 : i32
        %dma_wait3A_165 = tpu.memref_slice %arg8[%dma_wait3A_163, %dma_wait3A_164] : memref<10240x128xf32, #tpu.memory_space<vmem_shared>> -> memref<10240x128xf32, #tpu.memory_space<vmem_shared>>
        tpu.wait_indirect_dma semaphore(%arg9 : memref<!tpu.dma_semaphore, #tpu.memory_space<semaphore_mem>>) src(%arg7 : memref<32x128xf32, #tpu.memory_space<vmem>>) dst(%dma_wait3A_165 : memref<10240x128xf32, #tpu.memory_space<vmem_shared>>)
        %mul3A_166 = arith.constant 8 : i32
        %mul3A_167 = arith.muli %scan3A_17, %mul3A_166 : i32
        %add3A_168 = arith.constant 7 : i32
        %add3A_169 = arith.addi %mul3A_167, %add3A_168 : i32
        %dma_wait3A_170 = arith.constant 0 : i32
        %dma_wait3A_171 = tpu.memref_slice %arg6[%add3A_169, %dma_wait3A_170] : memref<40x32xi32, #tpu.memory_space<vmem>> -> memref<1x32xi32, #tpu.memory_space<vmem>>
        %dma_wait3A_172 = tpu.memref_squeeze %dma_wait3A_171 : memref<1x32xi32, #tpu.memory_space<vmem>> -> memref<32xi32, #tpu.memory_space<vmem>>
        %dma_wait3A_173 = arith.constant 0 : i32
        %dma_wait3A_174 = arith.constant 0 : i32
        %dma_wait3A_175 = tpu.memref_slice %arg8[%dma_wait3A_173, %dma_wait3A_174] : memref<10240x128xf32, #tpu.memory_space<vmem_shared>> -> memref<10240x128xf32, #tpu.memory_space<vmem_shared>>
        tpu.wait_indirect_dma semaphore(%arg9 : memref<!tpu.dma_semaphore, #tpu.memory_space<semaphore_mem>>) src(%arg7 : memref<32x128xf32, #tpu.memory_space<vmem>>) dst(%dma_wait3A_175 : memref<10240x128xf32, #tpu.memory_space<vmem_shared>>)
      }
      %scan3A_16 = arith.constant 5 : i32
    }
    %scan3A_7 = arith.constant 16 : i32
    %barrier3A_8 = arith.constant 0 : index
    tpu.barrier barrier_id(%barrier3A_8)
    %mul3A_9 = arith.constant 640 : i32
    %mul3A_10 = arith.muli %arg1, %mul3A_9 : i32
    "tpu.region"() ({
      %run_scoped3A = tpu.sem_alloc : memref<!tpu.dma_semaphore, #tpu.memory_space<semaphore_mem>>
      %dma_start3A = arith.constant 0 : i32
      %dma_start3A_11 = arith.constant 0 : i32
      %dma_start3A_12 = tpu.memref_slice %arg5[%arg0, %dma_start3A, %dma_start3A_11] : memref<2x10240x128xf32, #tpu.memory_space<hbm>> -> memref<1x10240x128xf32, #tpu.memory_space<hbm>>
      %dma_start3A_13 = tpu.memref_squeeze %dma_start3A_12 : memref<1x10240x128xf32, #tpu.memory_space<hbm>> -> memref<10240x128xf32, #tpu.memory_space<hbm>>
      %dma_start3A_14 = arith.constant 0 : i32
      %dma_start3A_15 = tpu.memref_slice %dma_start3A_13[%mul3A_10, %dma_start3A_14] : memref<10240x128xf32, #tpu.memory_space<hbm>> -> memref<640x128xf32, #tpu.memory_space<hbm>>
      %dma_start3A_16 = arith.constant 0 : i32
      %dma_start3A_17 = tpu.memref_slice %arg8[%mul3A_10, %dma_start3A_16] : memref<10240x128xf32, #tpu.memory_space<vmem_shared>> -> memref<640x128xf32, #tpu.memory_space<vmem_shared>>
      tpu.enqueue_dma source(%dma_start3A_17 : memref<640x128xf32, #tpu.memory_space<vmem_shared>>) target(%dma_start3A_15 : memref<640x128xf32, #tpu.memory_space<hbm>>) target_semaphore(%run_scoped3A : memref<!tpu.dma_semaphore, #tpu.memory_space<semaphore_mem>>)
      %dma_wait3A = arith.constant 0 : i32
      %dma_wait3A_18 = arith.constant 0 : i32
      %dma_wait3A_19 = tpu.memref_slice %arg5[%arg0, %dma_wait3A, %dma_wait3A_18] : memref<2x10240x128xf32, #tpu.memory_space<hbm>> -> memref<1x10240x128xf32, #tpu.memory_space<hbm>>
      %dma_wait3A_20 = tpu.memref_squeeze %dma_wait3A_19 : memref<1x10240x128xf32, #tpu.memory_space<hbm>> -> memref<10240x128xf32, #tpu.memory_space<hbm>>
      %dma_wait3A_21 = arith.constant 0 : i32
      %dma_wait3A_22 = tpu.memref_slice %dma_wait3A_20[%mul3A_10, %dma_wait3A_21] : memref<10240x128xf32, #tpu.memory_space<hbm>> -> memref<640x128xf32, #tpu.memory_space<hbm>>
      %dma_wait3A_23 = arith.constant 0 : i32
      %dma_wait3A_24 = tpu.memref_slice %arg8[%mul3A_10, %dma_wait3A_23] : memref<10240x128xf32, #tpu.memory_space<vmem_shared>> -> memref<640x128xf32, #tpu.memory_space<vmem_shared>>
      tpu.wait_dma2 semaphore(%run_scoped3A : memref<!tpu.dma_semaphore, #tpu.memory_space<semaphore_mem>>) src(%dma_wait3A_24 : memref<640x128xf32, #tpu.memory_space<vmem_shared>>) dst(%dma_wait3A_22 : memref<640x128xf32, #tpu.memory_space<hbm>>)
      tpu.yield
    }) : () -> ()
    return
  }
}

#map = affine_map<(d0, d1) -> (0, 0)>
#map1 = affine_map<(d0, d1) -> (0, 0, 0)>
#map2 = affine_map<(d0, d1) -> (0, 0, 0, 0)>
module attributes {stable_mosaic.version = 14 : i64} {
  func.func @_sc_agg_body(%arg0: i32, %arg1: i32, %arg2: memref<10000x128xf32, #tpu.memory_space<hbm>>, %arg3: memref<16x1280x32xi32, #tpu.memory_space<hbm>>, %arg4: memref<2x16x1280x32xi32, #tpu.memory_space<hbm>>, %arg5: memref<640x128xf32, #tpu.memory_space<hbm>>, %arg6: memref<2x5120x128xf32, #tpu.memory_space<hbm>>, %arg7: memref<32xi32, #tpu.memory_space<vmem>>, %arg8: memref<32xi32, #tpu.memory_space<vmem>>, %arg9: memref<32x128xf32, #tpu.memory_space<vmem>>, %arg10: memref<10000x128xf32, #tpu.memory_space<vmem_shared>>, %arg11: memref<5120x128xf32, #tpu.memory_space<vmem_shared>>, %arg12: memref<!tpu.dma_semaphore, #tpu.memory_space<semaphore_mem>>) attributes {dimension_semantics = [#tpu.dimension_semantics<core_parallel>, #tpu.dimension_semantics<subcore_parallel>], iteration_bounds = array<i64: 2, 16>, scalar_prefetch = 0 : i64, scratch_operands = 6 : i64, tpu.core_type = #tpu.core_type<sc_vector_subcore>, window_params = [{transform_indices = #map}, {transform_indices = #map1}, {transform_indices = #map2}, {transform_indices = #map}, {transform_indices = #map1}]} {
    %lt3A = arith.constant 15 : i32
    %lt3A_0 = arith.cmpi slt, %arg1, %lt3A : i32
    %convert_element_type3A = arith.extui %lt3A_0 : i1 to i32
    %cond3A = arith.constant 0 : i32
    %cond3A_1 = arith.cmpi ne, %convert_element_type3A, %cond3A : i32
    scf.if %cond3A_1 {
      %mul3A_15 = arith.constant 632 : i32
      %mul3A_16 = arith.muli %arg1, %mul3A_15 : i32
      %mul3A_17 = arith.constant 632 : i32
      %mul3A_18 = arith.muli %arg1, %mul3A_17 : i32
      "tpu.region"() ({
        %run_scoped3A = tpu.sem_alloc : memref<!tpu.dma_semaphore, #tpu.memory_space<semaphore_mem>>
        %dma_start3A = arith.constant 0 : i32
        %dma_start3A_19 = tpu.memref_slice %arg10[%mul3A_18, %dma_start3A] : memref<10000x128xf32, #tpu.memory_space<vmem_shared>> -> memref<632x128xf32, #tpu.memory_space<vmem_shared>>
        %dma_start3A_20 = arith.constant 0 : i32
        %dma_start3A_21 = tpu.memref_slice %arg2[%mul3A_16, %dma_start3A_20] : memref<10000x128xf32, #tpu.memory_space<hbm>> -> memref<632x128xf32, #tpu.memory_space<hbm>>
        tpu.enqueue_dma source(%dma_start3A_21 : memref<632x128xf32, #tpu.memory_space<hbm>>) target(%dma_start3A_19 : memref<632x128xf32, #tpu.memory_space<vmem_shared>>) target_semaphore(%run_scoped3A : memref<!tpu.dma_semaphore, #tpu.memory_space<semaphore_mem>>)
        %dma_wait3A = arith.constant 0 : i32
        %dma_wait3A_22 = tpu.memref_slice %arg10[%mul3A_18, %dma_wait3A] : memref<10000x128xf32, #tpu.memory_space<vmem_shared>> -> memref<632x128xf32, #tpu.memory_space<vmem_shared>>
        %dma_wait3A_23 = arith.constant 0 : i32
        %dma_wait3A_24 = tpu.memref_slice %arg2[%mul3A_16, %dma_wait3A_23] : memref<10000x128xf32, #tpu.memory_space<hbm>> -> memref<632x128xf32, #tpu.memory_space<hbm>>
        tpu.wait_dma2 semaphore(%run_scoped3A : memref<!tpu.dma_semaphore, #tpu.memory_space<semaphore_mem>>) src(%dma_wait3A_24 : memref<632x128xf32, #tpu.memory_space<hbm>>) dst(%dma_wait3A_22 : memref<632x128xf32, #tpu.memory_space<vmem_shared>>)
        tpu.yield
      }) : () -> ()
    } else {
    }
    %eq3A = arith.constant 15 : i32
    %eq3A_2 = arith.cmpi eq, %arg1, %eq3A : i32
    %convert_element_type3A_3 = arith.extui %eq3A_2 : i1 to i32
    %cond3A_4 = arith.constant 0 : i32
    %cond3A_5 = arith.cmpi ne, %convert_element_type3A_3, %cond3A_4 : i32
    scf.if %cond3A_5 {
      "tpu.region"() ({
        %run_scoped3A = tpu.sem_alloc : memref<!tpu.dma_semaphore, #tpu.memory_space<semaphore_mem>>
        %dma_start3A = arith.constant 9480 : i32
        %dma_start3A_15 = arith.constant 0 : i32
        %dma_start3A_16 = tpu.memref_slice %arg10[%dma_start3A, %dma_start3A_15] : memref<10000x128xf32, #tpu.memory_space<vmem_shared>> -> memref<520x128xf32, #tpu.memory_space<vmem_shared>>
        %dma_start3A_17 = arith.constant 9480 : i32
        %dma_start3A_18 = arith.constant 0 : i32
        %dma_start3A_19 = tpu.memref_slice %arg2[%dma_start3A_17, %dma_start3A_18] : memref<10000x128xf32, #tpu.memory_space<hbm>> -> memref<520x128xf32, #tpu.memory_space<hbm>>
        tpu.enqueue_dma source(%dma_start3A_19 : memref<520x128xf32, #tpu.memory_space<hbm>>) target(%dma_start3A_16 : memref<520x128xf32, #tpu.memory_space<vmem_shared>>) target_semaphore(%run_scoped3A : memref<!tpu.dma_semaphore, #tpu.memory_space<semaphore_mem>>)
        %dma_wait3A = arith.constant 9480 : i32
        %dma_wait3A_20 = arith.constant 0 : i32
        %dma_wait3A_21 = tpu.memref_slice %arg10[%dma_wait3A, %dma_wait3A_20] : memref<10000x128xf32, #tpu.memory_space<vmem_shared>> -> memref<520x128xf32, #tpu.memory_space<vmem_shared>>
        %dma_wait3A_22 = arith.constant 9480 : i32
        %dma_wait3A_23 = arith.constant 0 : i32
        %dma_wait3A_24 = tpu.memref_slice %arg2[%dma_wait3A_22, %dma_wait3A_23] : memref<10000x128xf32, #tpu.memory_space<hbm>> -> memref<520x128xf32, #tpu.memory_space<hbm>>
        tpu.wait_dma2 semaphore(%run_scoped3A : memref<!tpu.dma_semaphore, #tpu.memory_space<semaphore_mem>>) src(%dma_wait3A_24 : memref<520x128xf32, #tpu.memory_space<hbm>>) dst(%dma_wait3A_21 : memref<520x128xf32, #tpu.memory_space<vmem_shared>>)
        tpu.yield
      }) : () -> ()
    } else {
    }
    %mul3A = arith.constant 320 : i32
    %mul3A_6 = arith.muli %arg1, %mul3A : i32
    "tpu.region"() ({
      %run_scoped3A = tpu.sem_alloc : memref<!tpu.dma_semaphore, #tpu.memory_space<semaphore_mem>>
      %dma_start3A = arith.constant 0 : i32
      %dma_start3A_15 = tpu.memref_slice %arg11[%mul3A_6, %dma_start3A] : memref<5120x128xf32, #tpu.memory_space<vmem_shared>> -> memref<320x128xf32, #tpu.memory_space<vmem_shared>>
      %dma_start3A_16 = arith.constant 0 : i32
      %dma_start3A_17 = arith.constant 0 : i32
      %dma_start3A_18 = tpu.memref_slice %arg5[%dma_start3A_16, %dma_start3A_17] : memref<640x128xf32, #tpu.memory_space<hbm>> -> memref<320x128xf32, #tpu.memory_space<hbm>>
      tpu.enqueue_dma source(%dma_start3A_18 : memref<320x128xf32, #tpu.memory_space<hbm>>) target(%dma_start3A_15 : memref<320x128xf32, #tpu.memory_space<vmem_shared>>) target_semaphore(%run_scoped3A : memref<!tpu.dma_semaphore, #tpu.memory_space<semaphore_mem>>)
      %dma_wait3A = arith.constant 0 : i32
      %dma_wait3A_19 = tpu.memref_slice %arg11[%mul3A_6, %dma_wait3A] : memref<5120x128xf32, #tpu.memory_space<vmem_shared>> -> memref<320x128xf32, #tpu.memory_space<vmem_shared>>
      %dma_wait3A_20 = arith.constant 0 : i32
      %dma_wait3A_21 = arith.constant 0 : i32
      %dma_wait3A_22 = tpu.memref_slice %arg5[%dma_wait3A_20, %dma_wait3A_21] : memref<640x128xf32, #tpu.memory_space<hbm>> -> memref<320x128xf32, #tpu.memory_space<hbm>>
      tpu.wait_dma2 semaphore(%run_scoped3A : memref<!tpu.dma_semaphore, #tpu.memory_space<semaphore_mem>>) src(%dma_wait3A_22 : memref<320x128xf32, #tpu.memory_space<hbm>>) dst(%dma_wait3A_19 : memref<320x128xf32, #tpu.memory_space<vmem_shared>>)
      tpu.yield
    }) : () -> ()
    %barrier3A = arith.constant 0 : index
    tpu.barrier barrier_id(%barrier3A)
    %scan3A = arith.constant 0 : i32
    %scan3A_7 = arith.constant 0 : i32
    %scan3A_8 = arith.constant 1280 : i32
    %scan3A_9 = arith.addi %scan3A_7, %scan3A_8 : i32
    %scan3A_10 = arith.constant 1 : i32
    scf.for %scan3A_15 = %scan3A_7 to %scan3A_9 step %scan3A_10  : i32 {
      "tpu.region"() ({
        %run_scoped3A = tpu.sem_alloc : memref<!tpu.dma_semaphore, #tpu.memory_space<semaphore_mem>>
        %dma_start3A_20 = arith.constant 0 : i32
        %dma_start3A_21 = arith.constant 0 : i32
        %dma_start3A_22 = tpu.memref_slice %arg3[%arg1, %dma_start3A_20, %dma_start3A_21] : memref<16x1280x32xi32, #tpu.memory_space<hbm>> -> memref<1x1280x32xi32, #tpu.memory_space<hbm>>
        %dma_start3A_23 = tpu.memref_squeeze %dma_start3A_22 : memref<1x1280x32xi32, #tpu.memory_space<hbm>> -> memref<1280x32xi32, #tpu.memory_space<hbm>>
        %dma_start3A_24 = arith.constant 0 : i32
        %dma_start3A_25 = tpu.memref_slice %dma_start3A_23[%scan3A_15, %dma_start3A_24] : memref<1280x32xi32, #tpu.memory_space<hbm>> -> memref<1x32xi32, #tpu.memory_space<hbm>>
        %dma_start3A_26 = tpu.memref_squeeze %dma_start3A_25 : memref<1x32xi32, #tpu.memory_space<hbm>> -> memref<32xi32, #tpu.memory_space<hbm>>
        %dma_start3A_27 = arith.constant 0 : i32
        %dma_start3A_28 = arith.constant 0 : i32
        %dma_start3A_29 = tpu.memref_slice %arg3[%arg1, %dma_start3A_27, %dma_start3A_28] : memref<16x1280x32xi32, #tpu.memory_space<hbm>> -> memref<1x1280x32xi32, #tpu.memory_space<hbm>>
        %dma_start3A_30 = tpu.memref_squeeze %dma_start3A_29 : memref<1x1280x32xi32, #tpu.memory_space<hbm>> -> memref<1280x32xi32, #tpu.memory_space<hbm>>
        %dma_start3A_31 = arith.constant 0 : i32
        %dma_start3A_32 = tpu.memref_slice %dma_start3A_30[%scan3A_15, %dma_start3A_31] : memref<1280x32xi32, #tpu.memory_space<hbm>> -> memref<1x32xi32, #tpu.memory_space<hbm>>
        %dma_start3A_33 = tpu.memref_squeeze %dma_start3A_32 : memref<1x32xi32, #tpu.memory_space<hbm>> -> memref<32xi32, #tpu.memory_space<hbm>>
        tpu.enqueue_dma source(%dma_start3A_33 : memref<32xi32, #tpu.memory_space<hbm>>) target(%arg7 : memref<32xi32, #tpu.memory_space<vmem>>) target_semaphore(%run_scoped3A : memref<!tpu.dma_semaphore, #tpu.memory_space<semaphore_mem>>)
        %dma_wait3A_34 = arith.constant 0 : i32
        %dma_wait3A_35 = arith.constant 0 : i32
        %dma_wait3A_36 = tpu.memref_slice %arg3[%arg1, %dma_wait3A_34, %dma_wait3A_35] : memref<16x1280x32xi32, #tpu.memory_space<hbm>> -> memref<1x1280x32xi32, #tpu.memory_space<hbm>>
        %dma_wait3A_37 = tpu.memref_squeeze %dma_wait3A_36 : memref<1x1280x32xi32, #tpu.memory_space<hbm>> -> memref<1280x32xi32, #tpu.memory_space<hbm>>
        %dma_wait3A_38 = arith.constant 0 : i32
        %dma_wait3A_39 = tpu.memref_slice %dma_wait3A_37[%scan3A_15, %dma_wait3A_38] : memref<1280x32xi32, #tpu.memory_space<hbm>> -> memref<1x32xi32, #tpu.memory_space<hbm>>
        %dma_wait3A_40 = tpu.memref_squeeze %dma_wait3A_39 : memref<1x32xi32, #tpu.memory_space<hbm>> -> memref<32xi32, #tpu.memory_space<hbm>>
        %dma_wait3A_41 = arith.constant 0 : i32
        %dma_wait3A_42 = arith.constant 0 : i32
        %dma_wait3A_43 = tpu.memref_slice %arg3[%arg1, %dma_wait3A_41, %dma_wait3A_42] : memref<16x1280x32xi32, #tpu.memory_space<hbm>> -> memref<1x1280x32xi32, #tpu.memory_space<hbm>>
        %dma_wait3A_44 = tpu.memref_squeeze %dma_wait3A_43 : memref<1x1280x32xi32, #tpu.memory_space<hbm>> -> memref<1280x32xi32, #tpu.memory_space<hbm>>
        %dma_wait3A_45 = arith.constant 0 : i32
        %dma_wait3A_46 = tpu.memref_slice %dma_wait3A_44[%scan3A_15, %dma_wait3A_45] : memref<1280x32xi32, #tpu.memory_space<hbm>> -> memref<1x32xi32, #tpu.memory_space<hbm>>
        %dma_wait3A_47 = tpu.memref_squeeze %dma_wait3A_46 : memref<1x32xi32, #tpu.memory_space<hbm>> -> memref<32xi32, #tpu.memory_space<hbm>>
        tpu.wait_dma2 semaphore(%run_scoped3A : memref<!tpu.dma_semaphore, #tpu.memory_space<semaphore_mem>>) src(%dma_wait3A_47 : memref<32xi32, #tpu.memory_space<hbm>>) dst(%arg7 : memref<32xi32, #tpu.memory_space<vmem>>)
        tpu.yield
      }) : () -> ()
      "tpu.region"() ({
        %run_scoped3A = tpu.sem_alloc : memref<!tpu.dma_semaphore, #tpu.memory_space<semaphore_mem>>
        %dma_start3A_20 = arith.constant 0 : i32
        %dma_start3A_21 = arith.constant 0 : i32
        %dma_start3A_22 = arith.constant 0 : i32
        %dma_start3A_23 = tpu.memref_slice %arg4[%arg0, %dma_start3A_20, %dma_start3A_21, %dma_start3A_22] : memref<2x16x1280x32xi32, #tpu.memory_space<hbm>> -> memref<1x16x1280x32xi32, #tpu.memory_space<hbm>>
        %dma_start3A_24 = tpu.memref_squeeze %dma_start3A_23 : memref<1x16x1280x32xi32, #tpu.memory_space<hbm>> -> memref<16x1280x32xi32, #tpu.memory_space<hbm>>
        %dma_start3A_25 = arith.constant 0 : i32
        %dma_start3A_26 = arith.constant 0 : i32
        %dma_start3A_27 = tpu.memref_slice %dma_start3A_24[%arg1, %dma_start3A_25, %dma_start3A_26] : memref<16x1280x32xi32, #tpu.memory_space<hbm>> -> memref<1x1280x32xi32, #tpu.memory_space<hbm>>
        %dma_start3A_28 = tpu.memref_squeeze %dma_start3A_27 : memref<1x1280x32xi32, #tpu.memory_space<hbm>> -> memref<1280x32xi32, #tpu.memory_space<hbm>>
        %dma_start3A_29 = arith.constant 0 : i32
        %dma_start3A_30 = tpu.memref_slice %dma_start3A_28[%scan3A_15, %dma_start3A_29] : memref<1280x32xi32, #tpu.memory_space<hbm>> -> memref<1x32xi32, #tpu.memory_space<hbm>>
        %dma_start3A_31 = tpu.memref_squeeze %dma_start3A_30 : memref<1x32xi32, #tpu.memory_space<hbm>> -> memref<32xi32, #tpu.memory_space<hbm>>
        %dma_start3A_32 = arith.constant 0 : i32
        %dma_start3A_33 = arith.constant 0 : i32
        %dma_start3A_34 = arith.constant 0 : i32
        %dma_start3A_35 = tpu.memref_slice %arg4[%arg0, %dma_start3A_32, %dma_start3A_33, %dma_start3A_34] : memref<2x16x1280x32xi32, #tpu.memory_space<hbm>> -> memref<1x16x1280x32xi32, #tpu.memory_space<hbm>>
        %dma_start3A_36 = tpu.memref_squeeze %dma_start3A_35 : memref<1x16x1280x32xi32, #tpu.memory_space<hbm>> -> memref<16x1280x32xi32, #tpu.memory_space<hbm>>
        %dma_start3A_37 = arith.constant 0 : i32
        %dma_start3A_38 = arith.constant 0 : i32
        %dma_start3A_39 = tpu.memref_slice %dma_start3A_36[%arg1, %dma_start3A_37, %dma_start3A_38] : memref<16x1280x32xi32, #tpu.memory_space<hbm>> -> memref<1x1280x32xi32, #tpu.memory_space<hbm>>
        %dma_start3A_40 = tpu.memref_squeeze %dma_start3A_39 : memref<1x1280x32xi32, #tpu.memory_space<hbm>> -> memref<1280x32xi32, #tpu.memory_space<hbm>>
        %dma_start3A_41 = arith.constant 0 : i32
        %dma_start3A_42 = tpu.memref_slice %dma_start3A_40[%scan3A_15, %dma_start3A_41] : memref<1280x32xi32, #tpu.memory_space<hbm>> -> memref<1x32xi32, #tpu.memory_space<hbm>>
        %dma_start3A_43 = tpu.memref_squeeze %dma_start3A_42 : memref<1x32xi32, #tpu.memory_space<hbm>> -> memref<32xi32, #tpu.memory_space<hbm>>
        tpu.enqueue_dma source(%dma_start3A_43 : memref<32xi32, #tpu.memory_space<hbm>>) target(%arg8 : memref<32xi32, #tpu.memory_space<vmem>>) target_semaphore(%run_scoped3A : memref<!tpu.dma_semaphore, #tpu.memory_space<semaphore_mem>>)
        %dma_wait3A_44 = arith.constant 0 : i32
        %dma_wait3A_45 = arith.constant 0 : i32
        %dma_wait3A_46 = arith.constant 0 : i32
        %dma_wait3A_47 = tpu.memref_slice %arg4[%arg0, %dma_wait3A_44, %dma_wait3A_45, %dma_wait3A_46] : memref<2x16x1280x32xi32, #tpu.memory_space<hbm>> -> memref<1x16x1280x32xi32, #tpu.memory_space<hbm>>
        %dma_wait3A_48 = tpu.memref_squeeze %dma_wait3A_47 : memref<1x16x1280x32xi32, #tpu.memory_space<hbm>> -> memref<16x1280x32xi32, #tpu.memory_space<hbm>>
        %dma_wait3A_49 = arith.constant 0 : i32
        %dma_wait3A_50 = arith.constant 0 : i32
        %dma_wait3A_51 = tpu.memref_slice %dma_wait3A_48[%arg1, %dma_wait3A_49, %dma_wait3A_50] : memref<16x1280x32xi32, #tpu.memory_space<hbm>> -> memref<1x1280x32xi32, #tpu.memory_space<hbm>>
        %dma_wait3A_52 = tpu.memref_squeeze %dma_wait3A_51 : memref<1x1280x32xi32, #tpu.memory_space<hbm>> -> memref<1280x32xi32, #tpu.memory_space<hbm>>
        %dma_wait3A_53 = arith.constant 0 : i32
        %dma_wait3A_54 = tpu.memref_slice %dma_wait3A_52[%scan3A_15, %dma_wait3A_53] : memref<1280x32xi32, #tpu.memory_space<hbm>> -> memref<1x32xi32, #tpu.memory_space<hbm>>
        %dma_wait3A_55 = tpu.memref_squeeze %dma_wait3A_54 : memref<1x32xi32, #tpu.memory_space<hbm>> -> memref<32xi32, #tpu.memory_space<hbm>>
        %dma_wait3A_56 = arith.constant 0 : i32
        %dma_wait3A_57 = arith.constant 0 : i32
        %dma_wait3A_58 = arith.constant 0 : i32
        %dma_wait3A_59 = tpu.memref_slice %arg4[%arg0, %dma_wait3A_56, %dma_wait3A_57, %dma_wait3A_58] : memref<2x16x1280x32xi32, #tpu.memory_space<hbm>> -> memref<1x16x1280x32xi32, #tpu.memory_space<hbm>>
        %dma_wait3A_60 = tpu.memref_squeeze %dma_wait3A_59 : memref<1x16x1280x32xi32, #tpu.memory_space<hbm>> -> memref<16x1280x32xi32, #tpu.memory_space<hbm>>
        %dma_wait3A_61 = arith.constant 0 : i32
        %dma_wait3A_62 = arith.constant 0 : i32
        %dma_wait3A_63 = tpu.memref_slice %dma_wait3A_60[%arg1, %dma_wait3A_61, %dma_wait3A_62] : memref<16x1280x32xi32, #tpu.memory_space<hbm>> -> memref<1x1280x32xi32, #tpu.memory_space<hbm>>
        %dma_wait3A_64 = tpu.memref_squeeze %dma_wait3A_63 : memref<1x1280x32xi32, #tpu.memory_space<hbm>> -> memref<1280x32xi32, #tpu.memory_space<hbm>>
        %dma_wait3A_65 = arith.constant 0 : i32
        %dma_wait3A_66 = tpu.memref_slice %dma_wait3A_64[%scan3A_15, %dma_wait3A_65] : memref<1280x32xi32, #tpu.memory_space<hbm>> -> memref<1x32xi32, #tpu.memory_space<hbm>>
        %dma_wait3A_67 = tpu.memref_squeeze %dma_wait3A_66 : memref<1x32xi32, #tpu.memory_space<hbm>> -> memref<32xi32, #tpu.memory_space<hbm>>
        tpu.wait_dma2 semaphore(%run_scoped3A : memref<!tpu.dma_semaphore, #tpu.memory_space<semaphore_mem>>) src(%dma_wait3A_67 : memref<32xi32, #tpu.memory_space<hbm>>) dst(%arg8 : memref<32xi32, #tpu.memory_space<vmem>>)
        tpu.yield
      }) : () -> ()
      %dma_start3A = arith.constant 0 : i32
      %dma_start3A_16 = arith.constant 0 : i32
      %dma_start3A_17 = tpu.memref_slice %arg10[%dma_start3A, %dma_start3A_16] : memref<10000x128xf32, #tpu.memory_space<vmem_shared>> -> memref<10000x128xf32, #tpu.memory_space<vmem_shared>>
      tpu.enqueue_indirect_dma source(%dma_start3A_17 : memref<10000x128xf32, #tpu.memory_space<vmem_shared>>) target(%arg9 : memref<32x128xf32, #tpu.memory_space<vmem>>) offsets(%arg7 : memref<32xi32, #tpu.memory_space<vmem>>) semaphore(%arg12 : memref<!tpu.dma_semaphore, #tpu.memory_space<semaphore_mem>>)
      %dma_wait3A = arith.constant 0 : i32
      %dma_wait3A_18 = arith.constant 0 : i32
      %dma_wait3A_19 = tpu.memref_slice %arg10[%dma_wait3A, %dma_wait3A_18] : memref<10000x128xf32, #tpu.memory_space<vmem_shared>> -> memref<10000x128xf32, #tpu.memory_space<vmem_shared>>
      tpu.wait_indirect_dma semaphore(%arg12 : memref<!tpu.dma_semaphore, #tpu.memory_space<semaphore_mem>>) src(%dma_wait3A_19 : memref<10000x128xf32, #tpu.memory_space<vmem_shared>>) dst(%arg9 : memref<32x128xf32, #tpu.memory_space<vmem>>)
      "tpu.region"() ({
        %run_scoped3A = tpu.sem_alloc : memref<!tpu.dma_semaphore, #tpu.memory_space<semaphore_mem>>
        %dma_start3A_20 = arith.constant 0 : i32
        %dma_start3A_21 = arith.constant 0 : i32
        %dma_start3A_22 = tpu.memref_slice %arg11[%dma_start3A_20, %dma_start3A_21] : memref<5120x128xf32, #tpu.memory_space<vmem_shared>> -> memref<5120x128xf32, #tpu.memory_space<vmem_shared>>
        tpu.enqueue_indirect_dma source(%arg9 : memref<32x128xf32, #tpu.memory_space<vmem>>) target(%dma_start3A_22 : memref<5120x128xf32, #tpu.memory_space<vmem_shared>>) offsets(%arg8 : memref<32xi32, #tpu.memory_space<vmem>>) semaphore(%run_scoped3A : memref<!tpu.dma_semaphore, #tpu.memory_space<semaphore_mem>>) {add = true}
        %dma_wait3A_23 = arith.constant 0 : i32
        %dma_wait3A_24 = arith.constant 0 : i32
        %dma_wait3A_25 = tpu.memref_slice %arg11[%dma_wait3A_23, %dma_wait3A_24] : memref<5120x128xf32, #tpu.memory_space<vmem_shared>> -> memref<5120x128xf32, #tpu.memory_space<vmem_shared>>
        tpu.wait_indirect_dma semaphore(%run_scoped3A : memref<!tpu.dma_semaphore, #tpu.memory_space<semaphore_mem>>) src(%arg9 : memref<32x128xf32, #tpu.memory_space<vmem>>) dst(%dma_wait3A_25 : memref<5120x128xf32, #tpu.memory_space<vmem_shared>>)
        tpu.yield
      }) : () -> ()
    }
    %scan3A_11 = arith.constant 1280 : i32
    %barrier3A_12 = arith.constant 0 : index
    tpu.barrier barrier_id(%barrier3A_12)
    %mul3A_13 = arith.constant 320 : i32
    %mul3A_14 = arith.muli %arg1, %mul3A_13 : i32
    "tpu.region"() ({
      %run_scoped3A = tpu.sem_alloc : memref<!tpu.dma_semaphore, #tpu.memory_space<semaphore_mem>>
      %dma_start3A = arith.constant 0 : i32
      %dma_start3A_15 = arith.constant 0 : i32
      %dma_start3A_16 = tpu.memref_slice %arg6[%arg0, %dma_start3A, %dma_start3A_15] : memref<2x5120x128xf32, #tpu.memory_space<hbm>> -> memref<1x5120x128xf32, #tpu.memory_space<hbm>>
      %dma_start3A_17 = tpu.memref_squeeze %dma_start3A_16 : memref<1x5120x128xf32, #tpu.memory_space<hbm>> -> memref<5120x128xf32, #tpu.memory_space<hbm>>
      %dma_start3A_18 = arith.constant 0 : i32
      %dma_start3A_19 = tpu.memref_slice %dma_start3A_17[%mul3A_14, %dma_start3A_18] : memref<5120x128xf32, #tpu.memory_space<hbm>> -> memref<320x128xf32, #tpu.memory_space<hbm>>
      %dma_start3A_20 = arith.constant 0 : i32
      %dma_start3A_21 = tpu.memref_slice %arg11[%mul3A_14, %dma_start3A_20] : memref<5120x128xf32, #tpu.memory_space<vmem_shared>> -> memref<320x128xf32, #tpu.memory_space<vmem_shared>>
      tpu.enqueue_dma source(%dma_start3A_21 : memref<320x128xf32, #tpu.memory_space<vmem_shared>>) target(%dma_start3A_19 : memref<320x128xf32, #tpu.memory_space<hbm>>) target_semaphore(%run_scoped3A : memref<!tpu.dma_semaphore, #tpu.memory_space<semaphore_mem>>)
      %dma_wait3A = arith.constant 0 : i32
      %dma_wait3A_22 = arith.constant 0 : i32
      %dma_wait3A_23 = tpu.memref_slice %arg6[%arg0, %dma_wait3A, %dma_wait3A_22] : memref<2x5120x128xf32, #tpu.memory_space<hbm>> -> memref<1x5120x128xf32, #tpu.memory_space<hbm>>
      %dma_wait3A_24 = tpu.memref_squeeze %dma_wait3A_23 : memref<1x5120x128xf32, #tpu.memory_space<hbm>> -> memref<5120x128xf32, #tpu.memory_space<hbm>>
      %dma_wait3A_25 = arith.constant 0 : i32
      %dma_wait3A_26 = tpu.memref_slice %dma_wait3A_24[%mul3A_14, %dma_wait3A_25] : memref<5120x128xf32, #tpu.memory_space<hbm>> -> memref<320x128xf32, #tpu.memory_space<hbm>>
      %dma_wait3A_27 = arith.constant 0 : i32
      %dma_wait3A_28 = tpu.memref_slice %arg11[%mul3A_14, %dma_wait3A_27] : memref<5120x128xf32, #tpu.memory_space<vmem_shared>> -> memref<320x128xf32, #tpu.memory_space<vmem_shared>>
      tpu.wait_dma2 semaphore(%run_scoped3A : memref<!tpu.dma_semaphore, #tpu.memory_space<semaphore_mem>>) src(%dma_wait3A_28 : memref<320x128xf32, #tpu.memory_space<vmem_shared>>) dst(%dma_wait3A_26 : memref<320x128xf32, #tpu.memory_space<hbm>>)
      tpu.yield
    }) : () -> ()
    return
  }
}

module attributes {stable_mosaic.version = 14 : i64} {
  func.func @_clamp_body(%arg0: memref<5120x128xi32, #tpu.memory_space<vmem>>, %arg1: memref<2x5120x128xi32, #tpu.memory_space<vmem>>) attributes {dimension_semantics = [], scalar_prefetch = 0 : i64, scratch_operands = 0 : i64, tpu.core_type = #tpu.core_type<tc>} {
    %get3A = arith.constant 0 : index
    %get3A_0 = arith.constant 0 : index
    %get3A_1 = vector.load %arg0[%get3A, %get3A_0] : memref<5120x128xi32, #tpu.memory_space<vmem>>, vector<5120x128xi32>
    %ge3A = arith.constant 0 : i32
    %ge3A_2 = vector.broadcast %ge3A : i32 to vector<5120x128xi32>
    %ge3A_3 = arith.cmpi sge, %get3A_1, %ge3A_2 : vector<5120x128xi32>
    %lt3A = arith.constant 5000 : i32
    %lt3A_4 = vector.broadcast %lt3A : i32 to vector<5120x128xi32>
    %lt3A_5 = arith.cmpi slt, %get3A_1, %lt3A_4 : vector<5120x128xi32>
    %and3A = arith.andi %ge3A_3, %lt3A_5 : vector<5120x128xi1>
    %sub3A = arith.constant 0 : i32
    %sub3A_6 = vector.broadcast %sub3A : i32 to vector<5120x128xi32>
    %sub3A_7 = arith.subi %get3A_1, %sub3A_6 : vector<5120x128xi32>
    %jit3A = arith.constant 5000 : i32
    %broadcast_in_dim3A = vector.broadcast %jit3A : i32 to vector<5120x128xi32>
    %select_n3A = arith.select %and3A, %sub3A_7, %broadcast_in_dim3A : vector<5120x128xi1>, vector<5120x128xi32>
    %swap3A = arith.constant 0 : index
    %swap3A_8 = arith.constant 0 : index
    %swap3A_9 = arith.constant 0 : index
    %swap3A_10 = vector.load %arg1[%swap3A, %swap3A_8, %swap3A_9] : memref<2x5120x128xi32, #tpu.memory_space<vmem>>, vector<1x5120x128xi32>
    %swap3A_11 = vector.shape_cast %swap3A_10 : vector<1x5120x128xi32> to vector<5120x128xi32>
    %swap3A_12 = vector.shape_cast %select_n3A : vector<5120x128xi32> to vector<1x5120x128xi32>
    tpu.vector_store %arg1[%swap3A, %swap3A_8, %swap3A_9], %swap3A_12 {strides = array<i32>} : memref<2x5120x128xi32, #tpu.memory_space<vmem>>, vector<1x5120x128xi32>,
    %ge3A_13 = arith.constant 5000 : i32
    %ge3A_14 = vector.broadcast %ge3A_13 : i32 to vector<5120x128xi32>
    %ge3A_15 = arith.cmpi sge, %get3A_1, %ge3A_14 : vector<5120x128xi32>
    %lt3A_16 = arith.constant 10000 : i32
    %lt3A_17 = vector.broadcast %lt3A_16 : i32 to vector<5120x128xi32>
    %lt3A_18 = arith.cmpi slt, %get3A_1, %lt3A_17 : vector<5120x128xi32>
    %and3A_19 = arith.andi %ge3A_15, %lt3A_18 : vector<5120x128xi1>
    %sub3A_20 = arith.constant 5000 : i32
    %sub3A_21 = vector.broadcast %sub3A_20 : i32 to vector<5120x128xi32>
    %sub3A_22 = arith.subi %get3A_1, %sub3A_21 : vector<5120x128xi32>
    %jit3A_23 = arith.constant 5000 : i32
    %broadcast_in_dim3A_24 = vector.broadcast %jit3A_23 : i32 to vector<5120x128xi32>
    %select_n3A_25 = arith.select %and3A_19, %sub3A_22, %broadcast_in_dim3A_24 : vector<5120x128xi1>, vector<5120x128xi32>
    %swap3A_26 = arith.constant 1 : index
    %swap3A_27 = arith.constant 0 : index
    %swap3A_28 = arith.constant 0 : index
    %swap3A_29 = vector.load %arg1[%swap3A_26, %swap3A_27, %swap3A_28] : memref<2x5120x128xi32, #tpu.memory_space<vmem>>, vector<1x5120x128xi32>
    %swap3A_30 = vector.shape_cast %swap3A_29 : vector<1x5120x128xi32> to vector<5120x128xi32>
    %swap3A_31 = vector.shape_cast %select_n3A_25 : vector<5120x128xi32> to vector<1x5120x128xi32>
    tpu.vector_store %arg1[%swap3A_26, %swap3A_27, %swap3A_28], %swap3A_31 {strides = array<i32>} : memref<2x5120x128xi32, #tpu.memory_space<vmem>>, vector<1x5120x128xi32>,
    return
  }
}

module attributes {stable_mosaic.version = 14 : i64} {
  func.func @_t1_body(%arg0: i32, %arg1: memref<1000x128xf32, #tpu.memory_space<vmem>>, %arg2: memref<1x1000x128xf32, #tpu.memory_space<vmem>>, %arg3: memref<1x1000x128xf32, #tpu.memory_space<vmem>>, %arg4: memref<2x1000x128xf32, #tpu.memory_space<vmem>>, %arg5: memref<128x256xf32, #tpu.memory_space<vmem>>, %arg6: memref<1x256xf32, #tpu.memory_space<vmem>>, %arg7: memref<1000x256xf32, #tpu.memory_space<vmem>>) attributes {dimension_semantics = [#tpu.dimension_semantics<arbitrary>], iteration_bounds = array<i64: 10>, scalar_prefetch = 0 : i64, scratch_operands = 0 : i64, tpu.core_type = #tpu.core_type<tc>, window_params = [{transform_indices = @transform_0, window_bounds = array<i64: 1000, 128>}, {transform_indices = @transform_1, window_bounds = array<i64: 1, 1000, 128>}, {transform_indices = @transform_2, window_bounds = array<i64: 1, 1000, 128>}, {transform_indices = @transform_3, window_bounds = array<i64: 2, 1000, 128>}, {pipeline_mode = #tpu.pipeline_mode<synchronous>, transform_indices = @transform_4, window_bounds = array<i64: 128, 256>}, {pipeline_mode = #tpu.pipeline_mode<synchronous>, transform_indices = @transform_5, window_bounds = array<i64: 1, 256>}, {transform_indices = @transform_6, window_bounds = array<i64: 1000, 256>}]} {
    %get3A = arith.constant 0 : index
    %get3A_0 = arith.constant 0 : index
    %get3A_1 = arith.constant 0 : index
    %get3A_2 = vector.load %arg4[%get3A, %get3A_0, %get3A_1] : memref<2x1000x128xf32, #tpu.memory_space<vmem>>, vector<1x1000x128xf32>
    %get3A_3 = vector.shape_cast %get3A_2 : vector<1x1000x128xf32> to vector<1000x128xf32>
    %slice3A = vector.extract_strided_slice %get3A_3 {offsets = [0, 0], sizes = [1000, 1], strides = [1, 1]} : vector<1000x128xf32> to vector<1000x1xf32>
    %get3A_4 = arith.constant 1 : index
    %get3A_5 = arith.constant 0 : index
    %get3A_6 = arith.constant 0 : index
    %get3A_7 = vector.load %arg4[%get3A_4, %get3A_5, %get3A_6] : memref<2x1000x128xf32, #tpu.memory_space<vmem>>, vector<1x1000x128xf32>
    %get3A_8 = vector.shape_cast %get3A_7 : vector<1x1000x128xf32> to vector<1000x128xf32>
    %slice3A_9 = vector.extract_strided_slice %get3A_8 {offsets = [0, 0], sizes = [1000, 1], strides = [1, 1]} : vector<1000x128xf32> to vector<1000x1xf32>
    %add3A = arith.addf %slice3A, %slice3A_9 : vector<1000x1xf32>
    %max3A = arith.constant 1.000000e+00 : f32
    %max3A_10 = vector.broadcast %max3A : f32 to vector<1000x1xf32>
    %max3A_11 = arith.maximumf %add3A, %max3A_10 : vector<1000x1xf32>
    %div3A = arith.constant 1.000000e+00 : f32
    %div3A_12 = vector.broadcast %div3A : f32 to vector<1000x1xf32>
    %div3A_13 = arith.divf %div3A_12, %max3A_11 : vector<1000x1xf32>
    %mul3A = arith.constant 5.000000e-01 : f32
    %mul3A_14 = vector.broadcast %mul3A : f32 to vector<1000x1xf32>
    %mul3A_15 = arith.mulf %mul3A_14, %add3A : vector<1000x1xf32>
    %mul3A_16 = arith.mulf %mul3A_15, %div3A_13 : vector<1000x1xf32>
    %mul3A_17 = arith.constant 5.000000e-01 : f32
    %mul3A_18 = vector.broadcast %mul3A_17 : f32 to vector<1000x1xf32>
    %mul3A_19 = arith.mulf %mul3A_18, %div3A_13 : vector<1000x1xf32>
    %gt3A = arith.constant 0.000000e+00 : f32
    %gt3A_20 = vector.broadcast %gt3A : f32 to vector<1000x1xf32>
    %gt3A_21 = arith.cmpf ogt, %add3A, %gt3A_20 : vector<1000x1xf32>
    %convert_element_type3A = arith.extui %gt3A_21 : vector<1000x1xi1> to vector<1000x1xi32>
    %convert_element_type3A_22 = arith.sitofp %convert_element_type3A : vector<1000x1xi32> to vector<1000x1xf32>
    %get3A_23 = arith.constant 0 : index
    %get3A_24 = arith.constant 0 : index
    %get3A_25 = vector.load %arg1[%get3A_23, %get3A_24] : memref<1000x128xf32, #tpu.memory_space<vmem>>, vector<1000x128xf32>
    %mul3A_26 = vector.broadcast %mul3A_16 : vector<1000x1xf32> to vector<1000x128xf32>
    %mul3A_27 = arith.mulf %mul3A_26, %get3A_25 : vector<1000x128xf32>
    %ge3A = arith.constant 5 : i32
    %ge3A_28 = arith.cmpi sge, %arg0, %ge3A : i32
    %get3A_29 = arith.constant 0 : index
    %get3A_30 = arith.constant 0 : index
    %get3A_31 = arith.constant 0 : index
    %get3A_32 = vector.load %arg3[%get3A_29, %get3A_30, %get3A_31] : memref<1x1000x128xf32, #tpu.memory_space<vmem>>, vector<1x1000x128xf32>
    %get3A_33 = vector.shape_cast %get3A_32 : vector<1x1000x128xf32> to vector<1000x128xf32>
    %get3A_34 = arith.constant 0 : index
    %get3A_35 = arith.constant 0 : index
    %get3A_36 = arith.constant 0 : index
    %get3A_37 = vector.load %arg2[%get3A_34, %get3A_35, %get3A_36] : memref<1x1000x128xf32, #tpu.memory_space<vmem>>, vector<1x1000x128xf32>
    %get3A_38 = vector.shape_cast %get3A_37 : vector<1x1000x128xf32> to vector<1000x128xf32>
    %select_n3A = arith.select %ge3A_28, %get3A_33, %get3A_38 : vector<1000x128xf32>
    %mul3A_39 = vector.broadcast %mul3A_19 : vector<1000x1xf32> to vector<1000x128xf32>
    %mul3A_40 = arith.mulf %mul3A_39, %select_n3A : vector<1000x128xf32>
    %add3A_41 = arith.addf %mul3A_27, %mul3A_40 : vector<1000x128xf32>
    %get3A_42 = arith.constant 0 : index
    %get3A_43 = arith.constant 0 : index
    %get3A_44 = vector.load %arg5[%get3A_42, %get3A_43] : memref<128x256xf32, #tpu.memory_space<vmem>>, vector<128x256xf32>
    %dot_general3A = arith.constant dense<0.000000e+00> : vector<1000x256xf32>
    %dot_general3A_45 = tpu.matmul %add3A_41, %get3A_44, %dot_general3A {dimension_numbers = #tpu.dot_dimension_numbers<[1], [0], [0], [1], [0, 0, 1, 1], [], []>, transpose_lhs_hint = false} : vector<1000x128xf32>, vector<128x256xf32>, vector<1000x256xf32> -> vector<1000x256xf32>
    %get3A_46 = arith.constant 0 : index
    %get3A_47 = arith.constant 0 : index
    %get3A_48 = vector.load %arg6[%get3A_46, %get3A_47] : memref<1x256xf32, #tpu.memory_space<vmem>>, vector<1x256xf32>
    %mul3A_49 = vector.broadcast %convert_element_type3A_22 : vector<1000x1xf32> to vector<1000x256xf32>
    %mul3A_50 = vector.broadcast %get3A_48 : vector<1x256xf32> to vector<1000x256xf32>
    %mul3A_51 = arith.mulf %mul3A_49, %mul3A_50 : vector<1000x256xf32>
    %add3A_52 = arith.addf %dot_general3A_45, %mul3A_51 : vector<1000x256xf32>
    %max3A_53 = arith.constant 0.000000e+00 : f32
    %max3A_54 = vector.broadcast %max3A_53 : f32 to vector<1000x256xf32>
    %max3A_55 = arith.maximumf %add3A_52, %max3A_54 : vector<1000x256xf32>
    %swap3A = arith.constant 0 : index
    %swap3A_56 = arith.constant 0 : index
    %swap3A_57 = vector.load %arg7[%swap3A, %swap3A_56] : memref<1000x256xf32, #tpu.memory_space<vmem>>, vector<1000x256xf32>
    tpu.vector_store %arg7[%swap3A, %swap3A_56], %max3A_55 {strides = array<i32>} : memref<1000x256xf32, #tpu.memory_space<vmem>>, vector<1000x256xf32>,
    return
  }
  func.func @transform_0(%arg0: i32) -> (i32, i32) {
    %c0_i32 = arith.constant 0 : i32
    %c0_i32_0 = arith.constant 0 : i32
    return %arg0, %c0_i32 : i32, i32
  }
  func.func @transform_1(%arg0: i32) -> (i32, i32, i32) {
    %min3A = arith.constant 4 : i32
    %min3A_0 = arith.minsi %arg0, %min3A : i32
    %c0_i32 = arith.constant 0 : i32
    %c0_i32_1 = arith.constant 0 : i32
    %c0_i32_2 = arith.constant 0 : i32
    return %c0_i32, %min3A_0, %c0_i32_1 : i32, i32, i32
  }
  func.func @transform_2(%arg0: i32) -> (i32, i32, i32) {
    %sub3A = arith.constant 5 : i32
    %sub3A_0 = arith.subi %arg0, %sub3A : i32
    %max3A = arith.constant 0 : i32
    %max3A_1 = arith.maxsi %sub3A_0, %max3A : i32
    %c1_i32 = arith.constant 1 : i32
    %c0_i32 = arith.constant 0 : i32
    %c0_i32_2 = arith.constant 0 : i32
    return %c1_i32, %max3A_1, %c0_i32 : i32, i32, i32
  }
  func.func @transform_3(%arg0: i32) -> (i32, i32, i32) {
    %c0_i32 = arith.constant 0 : i32
    %c0_i32_0 = arith.constant 0 : i32
    %c0_i32_1 = arith.constant 0 : i32
    return %c0_i32, %arg0, %c0_i32_0 : i32, i32, i32
  }
  func.func @transform_4(%arg0: i32) -> (i32, i32) {
    %c0_i32 = arith.constant 0 : i32
    %c0_i32_0 = arith.constant 0 : i32
    %c0_i32_1 = arith.constant 0 : i32
    return %c0_i32, %c0_i32_0 : i32, i32
  }
  func.func @transform_5(%arg0: i32) -> (i32, i32) {
    %c0_i32 = arith.constant 0 : i32
    %c0_i32_0 = arith.constant 0 : i32
    %c0_i32_1 = arith.constant 0 : i32
    return %c0_i32, %c0_i32_0 : i32, i32
  }
  func.func @transform_6(%arg0: i32) -> (i32, i32) {
    %c0_i32 = arith.constant 0 : i32
    %c0_i32_0 = arith.constant 0 : i32
    return %arg0, %c0_i32 : i32, i32
  }
}

module attributes {stable_mosaic.version = 14 : i64} {
  func.func @_t2_body(%arg0: i32, %arg1: memref<1000x256xf32, #tpu.memory_space<vmem>>, %arg2: memref<256x128xf32, #tpu.memory_space<vmem>>, %arg3: memref<1x128xf32, #tpu.memory_space<vmem>>, %arg4: memref<1000x128xf32, #tpu.memory_space<vmem>>) attributes {dimension_semantics = [#tpu.dimension_semantics<arbitrary>], iteration_bounds = array<i64: 10>, scalar_prefetch = 0 : i64, scratch_operands = 0 : i64, tpu.core_type = #tpu.core_type<tc>, window_params = [{transform_indices = @transform_0, window_bounds = array<i64: 1000, 256>}, {pipeline_mode = #tpu.pipeline_mode<synchronous>, transform_indices = @transform_1, window_bounds = array<i64: 256, 128>}, {pipeline_mode = #tpu.pipeline_mode<synchronous>, transform_indices = @transform_2, window_bounds = array<i64: 1, 128>}, {transform_indices = @transform_3, window_bounds = array<i64: 1000, 128>}]} {
    %get3A = arith.constant 0 : index
    %get3A_0 = arith.constant 0 : index
    %get3A_1 = vector.load %arg1[%get3A, %get3A_0] : memref<1000x256xf32, #tpu.memory_space<vmem>>, vector<1000x256xf32>
    %get3A_2 = arith.constant 0 : index
    %get3A_3 = arith.constant 0 : index
    %get3A_4 = vector.load %arg2[%get3A_2, %get3A_3] : memref<256x128xf32, #tpu.memory_space<vmem>>, vector<256x128xf32>
    %dot_general3A = arith.constant dense<0.000000e+00> : vector<1000x128xf32>
    %dot_general3A_5 = tpu.matmul %get3A_1, %get3A_4, %dot_general3A {dimension_numbers = #tpu.dot_dimension_numbers<[1], [0], [0], [1], [0, 0, 1, 1], [], []>, transpose_lhs_hint = false} : vector<1000x256xf32>, vector<256x128xf32>, vector<1000x128xf32> -> vector<1000x128xf32>
    %get3A_6 = arith.constant 0 : index
    %get3A_7 = arith.constant 0 : index
    %get3A_8 = vector.load %arg3[%get3A_6, %get3A_7] : memref<1x128xf32, #tpu.memory_space<vmem>>, vector<1x128xf32>
    %add3A = vector.broadcast %get3A_8 : vector<1x128xf32> to vector<1000x128xf32>
    %add3A_9 = arith.addf %dot_general3A_5, %add3A : vector<1000x128xf32>
    %swap3A = arith.constant 0 : index
    %swap3A_10 = arith.constant 0 : index
    %swap3A_11 = vector.load %arg4[%swap3A, %swap3A_10] : memref<1000x128xf32, #tpu.memory_space<vmem>>, vector<1000x128xf32>
    tpu.vector_store %arg4[%swap3A, %swap3A_10], %add3A_9 {strides = array<i32>} : memref<1000x128xf32, #tpu.memory_space<vmem>>, vector<1000x128xf32>,
    return
  }
  func.func @transform_0(%arg0: i32) -> (i32, i32) {
    %c0_i32 = arith.constant 0 : i32
    %c0_i32_0 = arith.constant 0 : i32
    return %arg0, %c0_i32 : i32, i32
  }
  func.func @transform_1(%arg0: i32) -> (i32, i32) {
    %c0_i32 = arith.constant 0 : i32
    %c0_i32_0 = arith.constant 0 : i32
    %c0_i32_1 = arith.constant 0 : i32
    return %c0_i32, %c0_i32_0 : i32, i32
  }
  func.func @transform_2(%arg0: i32) -> (i32, i32) {
    %c0_i32 = arith.constant 0 : i32
    %c0_i32_0 = arith.constant 0 : i32
    %c0_i32_1 = arith.constant 0 : i32
    return %c0_i32, %c0_i32_0 : i32, i32
  }
  func.func @transform_3(%arg0: i32) -> (i32, i32) {
    %c0_i32 = arith.constant 0 : i32
    %c0_i32_0 = arith.constant 0 : i32
    return %arg0, %c0_i32 : i32, i32
  }
}

module attributes {stable_mosaic.version = 14 : i64} {
  func.func @_t3_body(%arg0: i32, %arg1: memref<1000x128xf32, #tpu.memory_space<vmem>>, %arg2: memref<1x1000x128xf32, #tpu.memory_space<vmem>>, %arg3: memref<1x1000x128xf32, #tpu.memory_space<vmem>>, %arg4: memref<2x1000x128xf32, #tpu.memory_space<vmem>>, %arg5: memref<128x128xf32, #tpu.memory_space<vmem>>, %arg6: memref<1x128xf32, #tpu.memory_space<vmem>>, %arg7: memref<1000x128xf32, #tpu.memory_space<vmem>>, %arg8: memref<1000x128xf32, #tpu.memory_space<vmem>>) attributes {dimension_semantics = [#tpu.dimension_semantics<arbitrary>], iteration_bounds = array<i64: 10>, scalar_prefetch = 0 : i64, scratch_operands = 0 : i64, tpu.core_type = #tpu.core_type<tc>, window_params = [{transform_indices = @transform_0, window_bounds = array<i64: 1000, 128>}, {transform_indices = @transform_1, window_bounds = array<i64: 1, 1000, 128>}, {transform_indices = @transform_2, window_bounds = array<i64: 1, 1000, 128>}, {transform_indices = @transform_3, window_bounds = array<i64: 2, 1000, 128>}, {pipeline_mode = #tpu.pipeline_mode<synchronous>, transform_indices = @transform_4, window_bounds = array<i64: 128, 128>}, {pipeline_mode = #tpu.pipeline_mode<synchronous>, transform_indices = @transform_5, window_bounds = array<i64: 1, 128>}, {transform_indices = @transform_6, window_bounds = array<i64: 1000, 128>}, {transform_indices = @transform_7, window_bounds = array<i64: 1000, 128>}]} {
    %get3A = arith.constant 0 : index
    %get3A_0 = arith.constant 0 : index
    %get3A_1 = arith.constant 0 : index
    %get3A_2 = vector.load %arg4[%get3A, %get3A_0, %get3A_1] : memref<2x1000x128xf32, #tpu.memory_space<vmem>>, vector<1x1000x128xf32>
    %get3A_3 = vector.shape_cast %get3A_2 : vector<1x1000x128xf32> to vector<1000x128xf32>
    %slice3A = vector.extract_strided_slice %get3A_3 {offsets = [0, 0], sizes = [1000, 1], strides = [1, 1]} : vector<1000x128xf32> to vector<1000x1xf32>
    %get3A_4 = arith.constant 1 : index
    %get3A_5 = arith.constant 0 : index
    %get3A_6 = arith.constant 0 : index
    %get3A_7 = vector.load %arg4[%get3A_4, %get3A_5, %get3A_6] : memref<2x1000x128xf32, #tpu.memory_space<vmem>>, vector<1x1000x128xf32>
    %get3A_8 = vector.shape_cast %get3A_7 : vector<1x1000x128xf32> to vector<1000x128xf32>
    %slice3A_9 = vector.extract_strided_slice %get3A_8 {offsets = [0, 0], sizes = [1000, 1], strides = [1, 1]} : vector<1000x128xf32> to vector<1000x1xf32>
    %add3A = arith.addf %slice3A, %slice3A_9 : vector<1000x1xf32>
    %max3A = arith.constant 1.000000e+00 : f32
    %max3A_10 = vector.broadcast %max3A : f32 to vector<1000x1xf32>
    %max3A_11 = arith.maximumf %add3A, %max3A_10 : vector<1000x1xf32>
    %div3A = arith.constant 1.000000e+00 : f32
    %div3A_12 = vector.broadcast %div3A : f32 to vector<1000x1xf32>
    %div3A_13 = arith.divf %div3A_12, %max3A_11 : vector<1000x1xf32>
    %mul3A = arith.constant 5.000000e-01 : f32
    %mul3A_14 = vector.broadcast %mul3A : f32 to vector<1000x1xf32>
    %mul3A_15 = arith.mulf %mul3A_14, %add3A : vector<1000x1xf32>
    %mul3A_16 = arith.mulf %mul3A_15, %div3A_13 : vector<1000x1xf32>
    %mul3A_17 = arith.constant 5.000000e-01 : f32
    %mul3A_18 = vector.broadcast %mul3A_17 : f32 to vector<1000x1xf32>
    %mul3A_19 = arith.mulf %mul3A_18, %div3A_13 : vector<1000x1xf32>
    %get3A_20 = arith.constant 0 : index
    %get3A_21 = arith.constant 0 : index
    %get3A_22 = vector.load %arg1[%get3A_20, %get3A_21] : memref<1000x128xf32, #tpu.memory_space<vmem>>, vector<1000x128xf32>
    %mul3A_23 = vector.broadcast %mul3A_16 : vector<1000x1xf32> to vector<1000x128xf32>
    %mul3A_24 = arith.mulf %mul3A_23, %get3A_22 : vector<1000x128xf32>
    %ge3A = arith.constant 5 : i32
    %ge3A_25 = arith.cmpi sge, %arg0, %ge3A : i32
    %get3A_26 = arith.constant 0 : index
    %get3A_27 = arith.constant 0 : index
    %get3A_28 = arith.constant 0 : index
    %get3A_29 = vector.load %arg3[%get3A_26, %get3A_27, %get3A_28] : memref<1x1000x128xf32, #tpu.memory_space<vmem>>, vector<1x1000x128xf32>
    %get3A_30 = vector.shape_cast %get3A_29 : vector<1x1000x128xf32> to vector<1000x128xf32>
    %get3A_31 = arith.constant 0 : index
    %get3A_32 = arith.constant 0 : index
    %get3A_33 = arith.constant 0 : index
    %get3A_34 = vector.load %arg2[%get3A_31, %get3A_32, %get3A_33] : memref<1x1000x128xf32, #tpu.memory_space<vmem>>, vector<1x1000x128xf32>
    %get3A_35 = vector.shape_cast %get3A_34 : vector<1x1000x128xf32> to vector<1000x128xf32>
    %select_n3A = arith.select %ge3A_25, %get3A_30, %get3A_35 : vector<1000x128xf32>
    %mul3A_36 = vector.broadcast %mul3A_19 : vector<1000x1xf32> to vector<1000x128xf32>
    %mul3A_37 = arith.mulf %mul3A_36, %select_n3A : vector<1000x128xf32>
    %add3A_38 = arith.addf %mul3A_24, %mul3A_37 : vector<1000x128xf32>
    %max3A_39 = arith.constant 0.000000e+00 : f32
    %max3A_40 = vector.broadcast %max3A_39 : f32 to vector<1000x128xf32>
    %max3A_41 = arith.maximumf %add3A_38, %max3A_40 : vector<1000x128xf32>
    %swap3A = arith.constant 0 : index
    %swap3A_42 = arith.constant 0 : index
    %swap3A_43 = vector.load %arg7[%swap3A, %swap3A_42] : memref<1000x128xf32, #tpu.memory_space<vmem>>, vector<1000x128xf32>
    tpu.vector_store %arg7[%swap3A, %swap3A_42], %max3A_41 {strides = array<i32>} : memref<1000x128xf32, #tpu.memory_space<vmem>>, vector<1000x128xf32>,
    %get3A_44 = arith.constant 0 : index
    %get3A_45 = arith.constant 0 : index
    %get3A_46 = vector.load %arg5[%get3A_44, %get3A_45] : memref<128x128xf32, #tpu.memory_space<vmem>>, vector<128x128xf32>
    %dot_general3A = arith.constant dense<0.000000e+00> : vector<1000x128xf32>
    %dot_general3A_47 = tpu.matmul %max3A_41, %get3A_46, %dot_general3A {dimension_numbers = #tpu.dot_dimension_numbers<[1], [0], [0], [1], [0, 0, 1, 1], [], []>, transpose_lhs_hint = false} : vector<1000x128xf32>, vector<128x128xf32>, vector<1000x128xf32> -> vector<1000x128xf32>
    %get3A_48 = arith.constant 0 : index
    %get3A_49 = arith.constant 0 : index
    %get3A_50 = vector.load %arg6[%get3A_48, %get3A_49] : memref<1x128xf32, #tpu.memory_space<vmem>>, vector<1x128xf32>
    %add3A_51 = vector.broadcast %get3A_50 : vector<1x128xf32> to vector<1000x128xf32>
    %add3A_52 = arith.addf %dot_general3A_47, %add3A_51 : vector<1000x128xf32>
    %swap3A_53 = arith.constant 0 : index
    %swap3A_54 = arith.constant 0 : index
    %swap3A_55 = vector.load %arg8[%swap3A_53, %swap3A_54] : memref<1000x128xf32, #tpu.memory_space<vmem>>, vector<1000x128xf32>
    tpu.vector_store %arg8[%swap3A_53, %swap3A_54], %add3A_52 {strides = array<i32>} : memref<1000x128xf32, #tpu.memory_space<vmem>>, vector<1000x128xf32>,
    return
  }
  func.func @transform_0(%arg0: i32) -> (i32, i32) {
    %c0_i32 = arith.constant 0 : i32
    %c0_i32_0 = arith.constant 0 : i32
    return %arg0, %c0_i32 : i32, i32
  }
  func.func @transform_1(%arg0: i32) -> (i32, i32, i32) {
    %min3A = arith.constant 4 : i32
    %min3A_0 = arith.minsi %arg0, %min3A : i32
    %c0_i32 = arith.constant 0 : i32
    %c0_i32_1 = arith.constant 0 : i32
    %c0_i32_2 = arith.constant 0 : i32
    return %c0_i32, %min3A_0, %c0_i32_1 : i32, i32, i32
  }
  func.func @transform_2(%arg0: i32) -> (i32, i32, i32) {
    %sub3A = arith.constant 5 : i32
    %sub3A_0 = arith.subi %arg0, %sub3A : i32
    %max3A = arith.constant 0 : i32
    %max3A_1 = arith.maxsi %sub3A_0, %max3A : i32
    %c1_i32 = arith.constant 1 : i32
    %c0_i32 = arith.constant 0 : i32
    %c0_i32_2 = arith.constant 0 : i32
    return %c1_i32, %max3A_1, %c0_i32 : i32, i32, i32
  }
  func.func @transform_3(%arg0: i32) -> (i32, i32, i32) {
    %c0_i32 = arith.constant 0 : i32
    %c0_i32_0 = arith.constant 0 : i32
    %c0_i32_1 = arith.constant 0 : i32
    return %c0_i32, %arg0, %c0_i32_0 : i32, i32, i32
  }
  func.func @transform_4(%arg0: i32) -> (i32, i32) {
    %c0_i32 = arith.constant 0 : i32
    %c0_i32_0 = arith.constant 0 : i32
    %c0_i32_1 = arith.constant 0 : i32
    return %c0_i32, %c0_i32_0 : i32, i32
  }
  func.func @transform_5(%arg0: i32) -> (i32, i32) {
    %c0_i32 = arith.constant 0 : i32
    %c0_i32_0 = arith.constant 0 : i32
    %c0_i32_1 = arith.constant 0 : i32
    return %c0_i32, %c0_i32_0 : i32, i32
  }
  func.func @transform_6(%arg0: i32) -> (i32, i32) {
    %c0_i32 = arith.constant 0 : i32
    %c0_i32_0 = arith.constant 0 : i32
    return %arg0, %c0_i32 : i32, i32
  }
  func.func @transform_7(%arg0: i32) -> (i32, i32) {
    %c0_i32 = arith.constant 0 : i32
    %c0_i32_0 = arith.constant 0 : i32
    return %arg0, %c0_i32 : i32, i32
  }
}

module attributes {stable_mosaic.version = 14 : i64} {
  func.func @_t4_body(%arg0: i32, %arg1: memref<1000x128xf32, #tpu.memory_space<vmem>>, %arg2: memref<1x1000x128xf32, #tpu.memory_space<vmem>>, %arg3: memref<1x1000x128xf32, #tpu.memory_space<vmem>>, %arg4: memref<2x1000x128xf32, #tpu.memory_space<vmem>>, %arg5: memref<1000x128xf32, #tpu.memory_space<vmem>>) attributes {dimension_semantics = [#tpu.dimension_semantics<arbitrary>], iteration_bounds = array<i64: 10>, scalar_prefetch = 0 : i64, scratch_operands = 0 : i64, tpu.core_type = #tpu.core_type<tc>, window_params = [{transform_indices = @transform_0, window_bounds = array<i64: 1000, 128>}, {transform_indices = @transform_1, window_bounds = array<i64: 1, 1000, 128>}, {transform_indices = @transform_2, window_bounds = array<i64: 1, 1000, 128>}, {transform_indices = @transform_3, window_bounds = array<i64: 2, 1000, 128>}, {transform_indices = @transform_4, window_bounds = array<i64: 1000, 128>}]} {
    %get3A = arith.constant 0 : index
    %get3A_0 = arith.constant 0 : index
    %get3A_1 = arith.constant 0 : index
    %get3A_2 = vector.load %arg4[%get3A, %get3A_0, %get3A_1] : memref<2x1000x128xf32, #tpu.memory_space<vmem>>, vector<1x1000x128xf32>
    %get3A_3 = vector.shape_cast %get3A_2 : vector<1x1000x128xf32> to vector<1000x128xf32>
    %slice3A = vector.extract_strided_slice %get3A_3 {offsets = [0, 0], sizes = [1000, 1], strides = [1, 1]} : vector<1000x128xf32> to vector<1000x1xf32>
    %get3A_4 = arith.constant 1 : index
    %get3A_5 = arith.constant 0 : index
    %get3A_6 = arith.constant 0 : index
    %get3A_7 = vector.load %arg4[%get3A_4, %get3A_5, %get3A_6] : memref<2x1000x128xf32, #tpu.memory_space<vmem>>, vector<1x1000x128xf32>
    %get3A_8 = vector.shape_cast %get3A_7 : vector<1x1000x128xf32> to vector<1000x128xf32>
    %slice3A_9 = vector.extract_strided_slice %get3A_8 {offsets = [0, 0], sizes = [1000, 1], strides = [1, 1]} : vector<1000x128xf32> to vector<1000x1xf32>
    %add3A = arith.addf %slice3A, %slice3A_9 : vector<1000x1xf32>
    %max3A = arith.constant 1.000000e+00 : f32
    %max3A_10 = vector.broadcast %max3A : f32 to vector<1000x1xf32>
    %max3A_11 = arith.maximumf %add3A, %max3A_10 : vector<1000x1xf32>
    %div3A = arith.constant 1.000000e+00 : f32
    %div3A_12 = vector.broadcast %div3A : f32 to vector<1000x1xf32>
    %div3A_13 = arith.divf %div3A_12, %max3A_11 : vector<1000x1xf32>
    %mul3A = arith.constant 5.000000e-01 : f32
    %mul3A_14 = vector.broadcast %mul3A : f32 to vector<1000x1xf32>
    %mul3A_15 = arith.mulf %mul3A_14, %add3A : vector<1000x1xf32>
    %mul3A_16 = arith.mulf %mul3A_15, %div3A_13 : vector<1000x1xf32>
    %mul3A_17 = arith.constant 5.000000e-01 : f32
    %mul3A_18 = vector.broadcast %mul3A_17 : f32 to vector<1000x1xf32>
    %mul3A_19 = arith.mulf %mul3A_18, %div3A_13 : vector<1000x1xf32>
    %get3A_20 = arith.constant 0 : index
    %get3A_21 = arith.constant 0 : index
    %get3A_22 = vector.load %arg1[%get3A_20, %get3A_21] : memref<1000x128xf32, #tpu.memory_space<vmem>>, vector<1000x128xf32>
    %mul3A_23 = vector.broadcast %mul3A_16 : vector<1000x1xf32> to vector<1000x128xf32>
    %mul3A_24 = arith.mulf %mul3A_23, %get3A_22 : vector<1000x128xf32>
    %ge3A = arith.constant 5 : i32
    %ge3A_25 = arith.cmpi sge, %arg0, %ge3A : i32
    %get3A_26 = arith.constant 0 : index
    %get3A_27 = arith.constant 0 : index
    %get3A_28 = arith.constant 0 : index
    %get3A_29 = vector.load %arg3[%get3A_26, %get3A_27, %get3A_28] : memref<1x1000x128xf32, #tpu.memory_space<vmem>>, vector<1x1000x128xf32>
    %get3A_30 = vector.shape_cast %get3A_29 : vector<1x1000x128xf32> to vector<1000x128xf32>
    %get3A_31 = arith.constant 0 : index
    %get3A_32 = arith.constant 0 : index
    %get3A_33 = arith.constant 0 : index
    %get3A_34 = vector.load %arg2[%get3A_31, %get3A_32, %get3A_33] : memref<1x1000x128xf32, #tpu.memory_space<vmem>>, vector<1x1000x128xf32>
    %get3A_35 = vector.shape_cast %get3A_34 : vector<1x1000x128xf32> to vector<1000x128xf32>
    %select_n3A = arith.select %ge3A_25, %get3A_30, %get3A_35 : vector<1000x128xf32>
    %mul3A_36 = vector.broadcast %mul3A_19 : vector<1000x1xf32> to vector<1000x128xf32>
    %mul3A_37 = arith.mulf %mul3A_36, %select_n3A : vector<1000x128xf32>
    %add3A_38 = arith.addf %mul3A_24, %mul3A_37 : vector<1000x128xf32>
    %max3A_39 = arith.constant 0.000000e+00 : f32
    %max3A_40 = vector.broadcast %max3A_39 : f32 to vector<1000x128xf32>
    %max3A_41 = arith.maximumf %add3A_38, %max3A_40 : vector<1000x128xf32>
    %swap3A = arith.constant 0 : index
    %swap3A_42 = arith.constant 0 : index
    %swap3A_43 = vector.load %arg5[%swap3A, %swap3A_42] : memref<1000x128xf32, #tpu.memory_space<vmem>>, vector<1000x128xf32>
    tpu.vector_store %arg5[%swap3A, %swap3A_42], %max3A_41 {strides = array<i32>} : memref<1000x128xf32, #tpu.memory_space<vmem>>, vector<1000x128xf32>,
    return
  }
  func.func @transform_0(%arg0: i32) -> (i32, i32) {
    %c0_i32 = arith.constant 0 : i32
    %c0_i32_0 = arith.constant 0 : i32
    return %arg0, %c0_i32 : i32, i32
  }
  func.func @transform_1(%arg0: i32) -> (i32, i32, i32) {
    %min3A = arith.constant 4 : i32
    %min3A_0 = arith.minsi %arg0, %min3A : i32
    %c0_i32 = arith.constant 0 : i32
    %c0_i32_1 = arith.constant 0 : i32
    %c0_i32_2 = arith.constant 0 : i32
    return %c0_i32, %min3A_0, %c0_i32_1 : i32, i32, i32
  }
  func.func @transform_2(%arg0: i32) -> (i32, i32, i32) {
    %sub3A = arith.constant 5 : i32
    %sub3A_0 = arith.subi %arg0, %sub3A : i32
    %max3A = arith.constant 0 : i32
    %max3A_1 = arith.maxsi %sub3A_0, %max3A : i32
    %c1_i32 = arith.constant 1 : i32
    %c0_i32 = arith.constant 0 : i32
    %c0_i32_2 = arith.constant 0 : i32
    return %c1_i32, %max3A_1, %c0_i32 : i32, i32, i32
  }
  func.func @transform_3(%arg0: i32) -> (i32, i32, i32) {
    %c0_i32 = arith.constant 0 : i32
    %c0_i32_0 = arith.constant 0 : i32
    %c0_i32_1 = arith.constant 0 : i32
    return %c0_i32, %arg0, %c0_i32_0 : i32, i32, i32
  }
  func.func @transform_4(%arg0: i32) -> (i32, i32) {
    %c0_i32 = arith.constant 0 : i32
    %c0_i32_0 = arith.constant 0 : i32
    return %arg0, %c0_i32 : i32, i32
  }
}

</mosaic_0001>

<sc_bundles>
// kernel: kernel.11.cloned.1.call-start
scs
__scs_entry_jumppad:
0x0: {  	(pc) =	sbr.rel $0x88, $3  }
0x1: {  	(tag) =	ssettag $0x0;
	lr =	simm.s32 $0x1  }
0x2: {  	[smem:$0x3F99] =	sst lr;
	_ =	strace $0xD0000000  }
0x3: {  	_ = 	snop  }
0x4: {  	_ = 	snop  }
0x5: {  	_ = 	snop  }
0x6: {  	_ = 	snop  }
0x7: {  	_ = 	snop  }
__scs_overlays_trampoline_lowered:
0x8: {  	[smem:$0x3FA8] =	sst s0  }
0x9: {  	[smem:$0x3FA9] =	sst s1  }
0xa: {  	[smem:$0x3FAA] =	sst s2  }
0xb: {  	[smem:$0x3FAB] =	sst s3  }
0xc: {  	[smem:$0x3FAC] =	sst s4  }
0xd: {  	[smem:$0x3FAD] =	sst s5  }
0xe: {  	[smem:$0x3FAE] =	sst s6  }
0xf: {  	[smem:$0x3FAF] =	sst s7  }
0x10: {  	[smem:$0x3FB0] =	sst s8  }
0x11: {  	[smem:$0x3FB1] =	sst s9;
	s0 =	simm.s32 @!p0 $0x0  }
0x12: {  	s1 =	sld [smem:$0x3F97];
	s0 =	simm.s32 @p0 $0x1  }
0x13: {  	[smem:$0x3FB2] =	sst s0;
	s0 =	simm.s32 @!p1 $0x0  }
0x14: {  	s2 =	sld [smem:$0x3F96];
	s0 =	simm.s32 @p1 $0x1  }
0x15: {  	[smem:$0x3FB3] =	sst s0;
	s0 =	simm.s32 @!p2 $0x0  }
0x16: {  	s3 =	sld [smem:$0x3FDB];
	s0 =	simm.s32 @p2 $0x1  }
0x17: {  	s4 =	simm.s32 $0x1BF5;
	[smem:$0x3FB5] =	sst s0  }
0x18: {  	s0 =	sld [smem:$0x3F98];
	_ =	swait.ge [sflag:s4], $0x0  }
0x19: {  	s7 =	sld [smem:$0x3F99]  }
0x1a: {  	s8 =	sadd.s32 $0xFFFFE003, lr  }
0x1b: {  	s9 =	sadd.s32 $0xFFFFFEF7, lr;
	s5 =	simm.s32 $0xFFFFFFFF;
	p2 =	slt.u32 s8, $0xFFFFF086  }
0x1c: {  	p1 =	slt.u32 s9, $0xF7A;
	s5 =	simm.s32 @!p2 $0x0  }
0x1d: {  	s5 =	simm.s32 @p1 $0x1;
	p0 =	seq.s32 s7, s2  }
0x1e: {  	s7 =	smul.u32 @!p0 $0xF7A, s2;
	p2 =	seq.s32 @!p0 s5, $0x0  }
0x1f: {  	s9 =	smul.u32 $0xF7A, s1;
	s8 =	simm.s32 @!p0 $0x1BF5;
	p2 =	por !p2, p0  }
0x20: {  	[sflag:s8] =	ssyncset.s32 @!p0 $0xFFFFF086;
	s6 =	sadd.s32 @!p0 s3, s7;
	s7 =	simm.s32 @!p0 $0x108  }
0x21: {  	s3 =	sadd.s32 s3, s9;
	s6 =	sadd.s32 @!p0 $0x88, s6;
	s7 =	simm.s32 @p2 $0x1082  }
0x22: {  	[simem:s7], [sflag:s8] =	dma.local @!p0 [hbm:s6], $0xF7A  }
0x23: {  	s9 =	sor.u32 $0xD0000000, s2;
	s6 =	simm.s32 $0x108;
	_ =	swait.ge @!p0 [sflag:s8], $0x0  }
0x24: {  	s3 =	sadd.s32 $0x88, s3;
	s6 =	simm.s32 @!p1 $0x1082;
	[sflag:s4] =	ssyncset.s32 $0xFFFFF086  }
0x25: {  	[simem:s6], [sflag:s4] =	dma.local [hbm:s3], $0xF7A  }
0x26: {  	[smem:$0x3F99] =	sst s1;
	(tag) =	ssettag s2;
	_ =	strace s9  }
0x27: {  	s1 =	sld [smem:$0x3FA9]  }
0x28: {  	s2 =	sld [smem:$0x3FAA]  }
0x29: {  	s4 =	sld [smem:$0x3FAC]  }
0x2a: {  	p0 =	seq.s32 s5, $0x0;
	s5 =	sld [smem:$0x3FAD]  }
0x2b: {  	s6 =	sld [smem:$0x3FAE]  }
0x2c: {  	s7 =	sld [smem:$0x3FAF]  }
0x2d: {  	s3 =	simm.s32 $0x108;
	s8 =	sld [smem:$0x3FB0]  }
0x2e: {  	s3 =	simm.s32 @!p0 $0x1082;
	s9 =	sld [smem:$0x3FB1]  }
0x2f: {  	lr =	sadd.s32 s0, s3;
	s0 =	sld [smem:$0x3FA8]  }
0x30: {  	s3 =	sld [smem:$0x3FAB]  }
0x31: {  	[smem:$0x3FB4] =	sst s10  }
0x32: {  	s10 =	sld [smem:$0x3FB2];
	_ =	sdelay $0x3  }
0x33: {  	p0 =	seq.s32 s10, $0x1;
	s10 =	sld [smem:$0x3FB4];
	_ =	sdelay $0x3  }
0x34: {  	[smem:$0x3FB4] =	sst s10  }
0x35: {  	s10 =	sld [smem:$0x3FB3];
	_ =	sdelay $0x3  }
0x36: {  	p1 =	seq.s32 s10, $0x1;
	s10 =	sld [smem:$0x3FB4];
	_ =	sdelay $0x3  }
0x37: {  	[smem:$0x3FB4] =	sst s10  }
0x38: {  	s10 =	sld [smem:$0x3FB5]  }
0x39: {  	_ = 	snop;
	(pc) =	sbr.ind lr, $3  }
0x3a: {  	_ = 	snop  }
0x3b: {  	_ = 	snop  }
0x3c: {  	p2 =	seq.s32 s10, $0x1;
	s10 =	sld [smem:$0x3FB4]  }
0x3d: {  	_ =	shalt  }
0x3e: {  	_ =	shalt  }
0x3f: {  	_ =	shalt  }
0x40: {  	_ =	shalt  }
0x41: {  	_ =	shalt  }
0x42: {  	_ =	shalt  }
0x43: {  	_ =	shalt  }
0x44: {  	_ =	shalt  }
0x45: {  	_ =	shalt  }
0x46: {  	_ =	shalt  }
0x47: {  	_ =	shalt  }
0x48: {  	_ =	shalt  }
0x49: {  	_ =	shalt  }
0x4a: {  	_ =	shalt  }
0x4b: {  	_ =	shalt  }
0x4c: {  	_ =	shalt  }
0x4d: {  	_ =	shalt  }
0x4e: {  	_ =	shalt  }
0x4f: {  	_ =	shalt  }
0x50: {  	_ =	shalt  }
0x51: {  	_ =	shalt  }
0x52: {  	_ =	shalt  }
0x53: {  	_ =	shalt  }
0x54: {  	_ =	shalt  }
0x55: {  	_ =	shalt  }
0x56: {  	_ =	shalt  }
0x57: {  	_ =	shalt  }
0x58: {  	_ =	shalt  }
0x59: {  	_ =	shalt  }
0x5a: {  	_ =	shalt  }
0x5b: {  	_ =	shalt  }
0x5c: {  	_ =	shalt  }
0x5d: {  	_ =	shalt  }
0x5e: {  	_ =	shalt  }
0x5f: {  	_ =	shalt  }
0x60: {  	_ =	shalt  }
0x61: {  	_ =	shalt  }
0x62: {  	_ =	shalt  }
0x63: {  	_ =	shalt  }
0x64: {  	_ =	shalt  }
0x65: {  	_ =	shalt  }
0x66: {  	_ =	shalt  }
0x67: {  	_ =	shalt  }
0x68: {  	_ =	shalt  }
0x69: {  	_ =	shalt  }
0x6a: {  	_ =	shalt  }
0x6b: {  	_ =	shalt  }
0x6c: {  	_ =	shalt  }
0x6d: {  	_ =	shalt  }
0x6e: {  	_ =	shalt  }
0x6f: {  	_ =	shalt  }
0x70: {  	_ =	shalt  }
0x71: {  	_ =	shalt  }
0x72: {  	_ =	shalt  }
0x73: {  	_ =	shalt  }
0x74: {  	_ =	shalt  }
0x75: {  	_ =	shalt  }
0x76: {  	_ =	shalt  }
0x77: {  	_ =	shalt  }
0x78: {  	_ =	shalt  }
0x79: {  	_ =	shalt  }
0x7a: {  	_ =	shalt  }
0x7b: {  	_ =	shalt  }
0x7c: {  	_ =	shalt  }
0x7d: {  	_ =	shalt  }
0x7e: {  	_ =	shalt  }
0x7f: {  	_ =	shalt  }
0x80: {  	_ =	shalt  }
0x81: {  	_ =	shalt  }
0x82: {  	_ =	shalt  }
0x83: {  	_ =	shalt  }
0x84: {  	_ =	shalt  }
0x85: {  	_ =	shalt  }
0x86: {  	_ =	shalt  }
0x87: {  	_ =	shalt  }
.Lfunc_end0:
.L_simem_size_0:
called_computation_lowered:
.L_overlay_start_0:
0x88: {  	s2 =	sld [smem:$0x3FD9]  }
0x89: {  	s3 =	sld [smem:$0x3FFE];
	_ =	sdelay $0x1  }
0x8a: {  	s1 =	srdreg.scid  }
0x8b: {  	s0 =	sand.u32 $0x1, s1  }
0x8c: {  	s14 =	sshll.u32 s0, $0xA;
	s2 =	sadd.s32 s3, s2  }
0x8d: {  	s2 =	sadd.s32 s2, s14  }
0x8e: {  	[smem:$0x3FC0] =	sst s2  }
0x8f: {  	_ = 	snop  }
0x90: {  	s2 =	sld [smem:$0x3FD0];
	_ =	sdelay $0x2  }
0x91: {  	s15 =	simm.s32 $0xB;
	s4 =	simm.s32 $0x10  }
0x92: {  	[smem:s4], [sflag:s15] =	dma.local [hbm:s2], $0x1  }
0x93: {  	_ =	swait.eq [sflag:s15], $0x1  }
0x94: {  	[sflag:s15] =	ssyncset.done $0x0  }
0x95: {  	[sflag:s15] =	ssyncadd.s32 $0xFFFFFFFF  }
0x96: {  	s16 =	sld [smem:$0x11];
	(tm) =	ssettm $0x1  }
0x97: {  	s17 =	sld [smem:$0x3FFB];
	_ =	sdelay $0x3  }
0x98: {  	_ =	strace s17  }
0x99: {  	s3 =	sld [smem:$0x3FFC];
	_ =	sdelay $0x3  }
0x9a: {  	_ =	strace s3  }
0x9b: {  	s3 =	sld [smem:$0x3FFD];
	_ =	sdelay $0x3  }
0x9c: {  	_ =	strace s3  }
0x9d: {  	_ =	strace $0x8FFFFFFF  }
0x9e: {  	s18 =	sld [smem:$0x3FDB];
	_ =	sdelay $0x1  }
0x9f: {  	s19 =	simm.s32 $_scs_section_size  }
0xa0: {  	s5 =	simm.s32 $_size__tile_overlayer_lowered;
	s6 =	simm.s32 $_tile_overlayer_lowered  }
0xa1: {  	s22 =	simm.s32 $0x1BFF;
	s21 =	sshll.u32 s6, $0x1;
	s3 =	sadd.s32 s19, s18  }
0xa2: {  	s7 =	simm.s32 $0x0;
	s20 =	sshll.u32 s5, $0x1;
	s5 =	sadd.s32 s21, s3  }
0xa3: {  	[timem:s7], [sflag:s22] =	dma.local [hbm:s5], s20  }
0xa4: {  	_ =	swait.ge [sflag:s22], s20  }
0xa5: {  	s4 =	ssub.s32 $0x0, s20;
	[sflag:s22] =	ssyncset.done $0x0  }
0xa6: {  	[sflag:s22] =	ssyncadd.s32 s4;
	_ =	sdelay $0x1  }
0xa7: {  	s23 =	simm.s32 $0x1B8B  }
0xa8: {  	_ =	swait.ge [sflag:s23], $0x1  }
0xa9: {  	[sflag:s23] =	ssyncset.done $0x0  }
0xaa: {  	s25 =	simm.s32 $0x1B8E;
	s24 =	sld [smem:$0x3FFE];
	[sflag:s23] =	ssyncadd.s32 $0xFFFFFFFF  }
0xab: {  	s26 =	simm.s32 $execute0_lowered;
	[smem:$0x3FD2] =	sst s25  }
0xac: {  	s5 =	sshll.u32 s26, $0x1;
	_ =	strace $0x80000046;
	[dreg:$0x1] =	wrdreg $0xFFFFFFFF  }
0xad: {  	s28 =	simm.s32 $_size_execute0_lowered;
	s3 =	sadd.s32 s3, s5;
	[dreg:$0x0] =	wrdreg $0x0  }
0xae: {  	s5 =	sshll.u32 s28, $0x1;
	[dreg:$0x2] =	wrdreg s3  }
0xaf: {  	[dreg:$0x3] =	wrdreg s5  }
0xb0: {  	[dreg:$0x4] =	wrdreg $0xC0  }
0xb1: {  	_ =	task [dreg:s7], $0x5FFFF  }
0xb2: {  	[dreg:$0x1] =	wrdreg $0xFFFFFFFF  }
0xb3: {  	[dreg:$0x0] =	wrdreg $0x60  }
0xb4: {  	[dreg:$0x2] =	wrdreg s24  }
0xb5: {  	[dreg:$0x3] =	wrdreg s16  }
0xb6: {  	[dreg:$0x4] =	wrdreg $0x24000  }
0xb7: {  	[dreg:$0x5] =	wrdreg $0x9  }
0xb8: {  	_ =	task.clear_ibuf [dreg:s7], $0x6FFFF;
	_ =	strace $0x90000046  }
0xb9: {  	s29 =	simm.s32 $0x9;
	_ =	strace $0x80000048  }
0xba: {  	_ =	swait.ge [sflag:s29], $0x1  }
0xbb: {  	[sflag:s29] =	ssyncadd.s32 $0xFFFFFFFF  }
0xbc: {  	_ =	strace $0x90000048  }
0xbd: {  	_ =	sfence  }
0xbe: {  	s30 =	sld [smem:$0x0];
	_ =	sdelay $0x2  }
0xbf: {  	s31 =	sshll.u32 s1, $0xD;
	s1 =	sshrl.u32 s1, $0x2  }
0xc0: {  	s3 =	sand.u32 $0x4000, s31;
	s1 =	sadd.s32 s1, s30  }
0xc1: {  	s0 =	sor.u32 s3, s0;
	s1 =	sshll.u32 s1, $0x11  }
0xc2: {  	s0 =	sor.u32 s1, s0  }
0xc3: {  	s0 =	sadd.s32 $0x8F2B, s0  }
0xc4: {  	[sflag:s0] =	ssyncadd.remote.s32 $0x1  }
0xc5: {  	_ =	sfence.sel $0xFFFF  }
0xc6: {  	[dreg:$0x0] =	wrdreg $0xFFFFFFFF;
	(pc) =	sbr.abs _section_cstart, $3  }
0xc7: {  	[dreg:$0x1] =	wrdreg $0xFFFFFFFF  }
0xc8: {  	_ =	task.clear_ibuf [dreg:s7], $0x2FFFF;
	_ =	strace $0x9FFFFFFF  }
0xc9: {  	(tm) =	ssettm $0x7FFFFFFF  }
tec
execute0_lowered:
.L_overlay_start_1:
0x0: {  	(tag) =	ssettag $0x1  }
0x1: {  	s0 =	srdreg.scid;
	s1 =	rddreg [dreg:$0x0]  }
0x2: {  	s7 =	stileid.u32;
	s3 =	rddreg [dreg:$0x2];
	s4 =	simm.s32 $0x0  }
0x3: {  	s12 =	simm.s32 $0x80;
	s13 =	simm.s32 $0x100;
	s14 =	simm.s32 $0x180  }
0x4: {  	s15 =	simm.s32 $0x200;
	[smem:$0x7FF] =	sst s4;
	s6 =	sadd.s32 $0x53C00, s1  }
0x5: {  	s17 =	simm.s32 $0x280;
	_ =	strace $0x80000047;
	[dreg:$0x16] =	wrdreg s6  }
0x6: {  	s19 =	simm.s32 $0x300;
	s20 =	simm.s32 $0x380;
	[dreg:$0x5] =	wrdreg s12  }
0x7: {  	s22 =	simm.s32 $0x400;
	s23 =	simm.s32 $0x480;
	[dreg:$0x6] =	wrdreg s13  }
0x8: {  	s25 =	simm.s32 $0x500;
	s26 =	simm.s32 $0x580;
	[dreg:$0x7] =	wrdreg s14  }
0x9: {  	s9 =	simm.s32 $0x2;
	s10 =	simm.s32 $0x1400;
	[dreg:$0x8] =	wrdreg s15  }
0xa: {  	s11 =	simm.s32 $0x20;
	s28 =	simm.s32 $0xF80;
	[dreg:$0x9] =	wrdreg s17  }
0xb: {  	s29 =	simm.s32 $0x1000;
	s30 =	simm.s32 $0x1080;
	[dreg:$0xa] =	wrdreg s19  }
0xc: {  	s31 =	simm.s32 $0x1100;
	s0 =	sand.u32 $0x1, s0;
	[dreg:$0xb] =	wrdreg s20  }
0xd: {  	s2 =	sshll.u32 s7, $0x1;
	s18 =	smul.u32 $0x50000, s7;
	[dreg:$0xc] =	wrdreg s22  }
0xe: {  	s24 =	sshll.u32 s7, $0x6;
	s7 =	smul.u32 $0x2800, s7;
	[dreg:$0xd] =	wrdreg s23  }
0xf: {  	s2 =	sor.u32 s0, s2;
	s5 =	smul.u32 $0x28000, s0;
	[dreg:$0xe] =	wrdreg s25  }
0x10: {  	s0 =	ssub.s32 $0x2, s0;
	s8 =	sor.u32 $0x1C02, s24;
	[dreg:$0xf] =	wrdreg s26  }
0x11: {  	s6 =	simm.s32 $0x600;
	s22 =	simm.s32 $0x700;
	s23 =	simm.s32 $0x780  }
0x12: {  	s24 =	simm.s32 $0x800;
	s25 =	simm.s32 $0x880;
	s12 =	simm.s32 $0x1  }
0x13: {  	s14 =	simm.s32 $0x980;
	s15 =	simm.s32 $0xA00;
	[dreg:$0x10] =	wrdreg s6  }
0x14: {  	s17 =	simm.s32 $0xB00;
	s19 =	simm.s32 $0xC00;
	[dreg:$0x12] =	wrdreg s22  }
0x15: {  	s20 =	simm.s32 $0xC80;
	s2 =	smul.u32 $0x2800, s2;
	[dreg:$0x13] =	wrdreg s23  }
0x16: {  	s16 =	sshrl.u32 s0, $0x1;
	s21 =	sshrl.u32 s18, $0x2;
	[dreg:$0x14] =	wrdreg s24  }
0x17: {  	[dreg:$0x15] =	wrdreg s25;
	s18 =	simm.s32 $0xB80;
	s22 =	simm.s32 $0xD80  }
0x18: {  	s23 =	simm.s32 $0xE00;
	s25 =	simm.s32 $0xE80;
	s24 =	simm.s32 $0x0  }
0x19: {  	[dreg:$0x17] =	wrdreg s8;
	s0 =	ssub.s32 s0, s16;
	s16 =	simm.s32 $0xA80  }
0x1a: {  	s2 =	sadd.s32 s2, s1;
	s1 =	sadd.s32 s5, s1;
	s0 =	smax.u32 s0, $0x1  }
0x1b: {  	s5 =	sadd.s32 s21, s3;
	s21 =	simm.s32 $0x680;
	[dreg:$0x18] =	wrdreg s0  }
0x1c: {  	s2 =	sadd.s32 $0x3C00, s2;
	s1 =	sadd.s32 $0x56400, s1;
	[dreg:$0x11] =	wrdreg s21  }
0x1d: {  	s13 =	sshrl.u32 s5, $0x3;
	s21 =	simm.s32 $0xD00;
	s0 =	simm.s32 $0x1200  }
0x1e: {  	s5 =	simm.s32 $0x1300;
	[dreg:$0x4] =	wrdreg s2;
	s26 =	sadd.s32 s7, s1  }
0x1f: {  	s1 =	simm.s32 $0x1180;
	s2 =	simm.s32 $0x1280;
	[dreg:$0x19] =	wrdreg s13  }
0x20: {  	s7 =	simm.s32 $0x1380;
	[dreg:$0x1a] =	wrdreg s26;
	s26 =	simm.s32 $0xF00  }
.LBB2_1:
0x21: {  	[dreg:$0x1b] =	wrdreg s24  }
0x22: {  	s6 =	rddreg [dreg:$0x16]  }
0x23: {  	[spmem:s13], [sflag:s8] =	dma.local [hbm:s6], $0x2800  }
0x24: {  	_ =	swait.ge [sflag:s9], $0x2800  }
0x25: {  	[sflag:s9] =	ssyncset.done $0x0  }
0x26: {  	[sflag:s9] =	ssyncadd.s32 $0xFFFFD800  }
0x27: {  	s13 =	rddreg [dreg:$0x1]  }
0x28: {  	[tilespmem:s10], [sflag:$0x2] =	stream.linear.gather [hbm4b:s13+s4], $0x1000, $0x38;
	[tilespmem:$0x16400] =	vst v63  }
0x29: {  	_ =	swait.ge [sflag:s9], $0x1000  }
0x2a: {  	[sflag:s9] =	ssyncset.done $0x0  }
0x2b: {  	[sflag:s9] =	ssyncadd.s32 $0xFFFFF000  }
0x2c: {  	[bflag:$0x0] =	sbarrier.arrive $0xFFFF  }
0x2d: {  	s24 =	rddreg [dreg:$0x4]  }
0x2e: {  	s6 =	sadd.s32 $0x0, s24  }
0x2f: {  	[tilespmem:s4], [sflag:$0x2] =	stream.linear.gather [hbm4b:s6+s4], $0x1400, $0x38;
	[tilespmem:$0x16400] =	vst v63  }
0x30: {  	_ =	swait.ge [sflag:s9], $0x1400  }
0x31: {  	[sflag:s9] =	ssyncset.done $0x0  }
0x32: {  	[sflag:s9] =	ssyncadd.s32 $0xFFFFEC00  }
0x33: {  	[spmem:s3] =	stream.indirect.scatter.add.f32 [tilespmem:s10], [sflag:$0x1], $0x80, s4, s11, $0xb8;
	[tilespmem:$0x16400] =	vst v63  }
0x34: {  	s8 =	rddreg [dreg:$0x5]  }
0x35: {  	[spmem:s3] =	stream.indirect.scatter.add.f32 [tilespmem:s10], [sflag:$0x1], $0x80, s8, s11, $0xb8;
	[tilespmem:$0x16400] =	vst v63  }
0x36: {  	s13 =	rddreg [dreg:$0x6]  }
0x37: {  	[spmem:s3] =	stream.indirect.scatter.add.f32 [tilespmem:s10], [sflag:$0x1], $0x80, s13, s11, $0xb8;
	[tilespmem:$0x16400] =	vst v63  }
0x38: {  	s24 =	rddreg [dreg:$0x7]  }
0x39: {  	[spmem:s3] =	stream.indirect.scatter.add.f32 [tilespmem:s10], [sflag:$0x1], $0x80, s24, s11, $0xb8;
	[tilespmem:$0x16400] =	vst v63  }
0x3a: {  	s13 =	rddreg [dreg:$0x8]  }
0x3b: {  	[spmem:s3] =	stream.indirect.scatter.add.f32 [tilespmem:s10], [sflag:$0x1], $0x80, s13, s11, $0xb8;
	[tilespmem:$0x16400] =	vst v63  }
0x3c: {  	s24 =	rddreg [dreg:$0x9]  }
0x3d: {  	[spmem:s3] =	stream.indirect.scatter.add.f32 [tilespmem:s10], [sflag:$0x1], $0x80, s24, s11, $0xb8;
	[tilespmem:$0x16400] =	vst v63  }
0x3e: {  	s13 =	rddreg [dreg:$0xa]  }
0x3f: {  	[spmem:s3] =	stream.indirect.scatter.add.f32 [tilespmem:s10], [sflag:$0x1], $0x80, s13, s11, $0xb8;
	[tilespmem:$0x16400] =	vst v63  }
0x40: {  	s24 =	rddreg [dreg:$0xb]  }
0x41: {  	[spmem:s3] =	stream.indirect.scatter.add.f32 [tilespmem:s10], [sflag:$0x1], $0x80, s24, s11, $0xb8;
	[tilespmem:$0x16400] =	vst v63  }
0x42: {  	_ =	swait.ge [sflag:s12], $0x1000  }
0x43: {  	[sflag:s12] =	ssyncset.done $0x0  }
0x44: {  	[sflag:s12] =	ssyncadd.s32 $0xFFFFF000  }
0x45: {  	_ =	swait.ge [sflag:s12], $0x1000  }
0x46: {  	[sflag:s12] =	ssyncset.done $0x0  }
0x47: {  	[sflag:s12] =	ssyncadd.s32 $0xFFFFF000  }
0x48: {  	_ =	swait.ge [sflag:s12], $0x1000  }
0x49: {  	[sflag:s12] =	ssyncset.done $0x0  }
0x4a: {  	[sflag:s12] =	ssyncadd.s32 $0xFFFFF000  }
0x4b: {  	_ =	swait.ge [sflag:s12], $0x1000  }
0x4c: {  	[sflag:s12] =	ssyncset.done $0x0  }
0x4d: {  	[sflag:s12] =	ssyncadd.s32 $0xFFFFF000  }
0x4e: {  	_ =	swait.ge [sflag:s12], $0x1000  }
0x4f: {  	[sflag:s12] =	ssyncset.done $0x0  }
0x50: {  	[sflag:s12] =	ssyncadd.s32 $0xFFFFF000  }
0x51: {  	_ =	swait.ge [sflag:s12], $0x1000  }
0x52: {  	[sflag:s12] =	ssyncset.done $0x0  }
0x53: {  	[sflag:s12] =	ssyncadd.s32 $0xFFFFF000  }
0x54: {  	_ =	swait.ge [sflag:s12], $0x1000  }
0x55: {  	[sflag:s12] =	ssyncset.done $0x0  }
0x56: {  	[sflag:s12] =	ssyncadd.s32 $0xFFFFF000  }
0x57: {  	_ =	swait.ge [sflag:s12], $0x1000  }
0x58: {  	[sflag:s12] =	ssyncset.done $0x0  }
0x59: {  	s13 =	rddreg [dreg:$0xc];
	[sflag:s12] =	ssyncadd.s32 $0xFFFFF000  }
0x5a: {  	[spmem:s3] =	stream.indirect.scatter.add.f32 [tilespmem:s10], [sflag:$0x1], $0x80, s13, s11, $0xb8;
	[tilespmem:$0x16400] =	vst v63  }
0x5b: {  	s24 =	rddreg [dreg:$0xd]  }
0x5c: {  	[spmem:s3] =	stream.indirect.scatter.add.f32 [tilespmem:s10], [sflag:$0x1], $0x80, s24, s11, $0xb8;
	[tilespmem:$0x16400] =	vst v63  }
0x5d: {  	s13 =	rddreg [dreg:$0xe]  }
0x5e: {  	[spmem:s3] =	stream.indirect.scatter.add.f32 [tilespmem:s10], [sflag:$0x1], $0x80, s13, s11, $0xb8;
	[tilespmem:$0x16400] =	vst v63  }
0x5f: {  	s24 =	rddreg [dreg:$0xf]  }
0x60: {  	[spmem:s3] =	stream.indirect.scatter.add.f32 [tilespmem:s10], [sflag:$0x1], $0x80, s24, s11, $0xb8;
	[tilespmem:$0x16400] =	vst v63  }
0x61: {  	s13 =	rddreg [dreg:$0x10]  }
0x62: {  	[spmem:s3] =	stream.indirect.scatter.add.f32 [tilespmem:s10], [sflag:$0x1], $0x80, s13, s11, $0xb8;
	[tilespmem:$0x16400] =	vst v63  }
0x63: {  	s24 =	rddreg [dreg:$0x11]  }
0x64: {  	[spmem:s3] =	stream.indirect.scatter.add.f32 [tilespmem:s10], [sflag:$0x1], $0x80, s24, s11, $0xb8;
	[tilespmem:$0x16400] =	vst v63  }
0x65: {  	s13 =	rddreg [dreg:$0x12]  }
0x66: {  	[spmem:s3] =	stream.indirect.scatter.add.f32 [tilespmem:s10], [sflag:$0x1], $0x80, s13, s11, $0xb8;
	[tilespmem:$0x16400] =	vst v63  }
0x67: {  	s24 =	rddreg [dreg:$0x13]  }
0x68: {  	[spmem:s3] =	stream.indirect.scatter.add.f32 [tilespmem:s10], [sflag:$0x1], $0x80, s24, s11, $0xb8;
	[tilespmem:$0x16400] =	vst v63  }
0x69: {  	_ =	swait.ge [sflag:s12], $0x1000  }
0x6a: {  	[sflag:s12] =	ssyncset.done $0x0  }
0x6b: {  	[sflag:s12] =	ssyncadd.s32 $0xFFFFF000  }
0x6c: {  	_ =	swait.ge [sflag:s12], $0x1000  }
0x6d: {  	[sflag:s12] =	ssyncset.done $0x0  }
0x6e: {  	[sflag:s12] =	ssyncadd.s32 $0xFFFFF000  }
0x6f: {  	_ =	swait.ge [sflag:s12], $0x1000  }
0x70: {  	[sflag:s12] =	ssyncset.done $0x0  }
0x71: {  	[sflag:s12] =	ssyncadd.s32 $0xFFFFF000  }
0x72: {  	_ =	swait.ge [sflag:s12], $0x1000  }
0x73: {  	[sflag:s12] =	ssyncset.done $0x0  }
0x74: {  	[sflag:s12] =	ssyncadd.s32 $0xFFFFF000  }
0x75: {  	_ =	swait.ge [sflag:s12], $0x1000  }
0x76: {  	[sflag:s12] =	ssyncset.done $0x0  }
0x77: {  	[sflag:s12] =	ssyncadd.s32 $0xFFFFF000  }
0x78: {  	_ =	swait.ge [sflag:s12], $0x1000  }
0x79: {  	[sflag:s12] =	ssyncset.done $0x0  }
0x7a: {  	[sflag:s12] =	ssyncadd.s32 $0xFFFFF000  }
0x7b: {  	_ =	swait.ge [sflag:s12], $0x1000  }
0x7c: {  	[sflag:s12] =	ssyncset.done $0x0  }
0x7d: {  	[sflag:s12] =	ssyncadd.s32 $0xFFFFF000  }
0x7e: {  	_ =	swait.ge [sflag:s12], $0x1000  }
0x7f: {  	[sflag:s12] =	ssyncset.done $0x0  }
0x80: {  	s8 =	rddreg [dreg:$0x14];
	[sflag:s12] =	ssyncadd.s32 $0xFFFFF000  }
0x81: {  	[spmem:s3] =	stream.indirect.scatter.add.f32 [tilespmem:s10], [sflag:$0x1], $0x80, s8, s11, $0xb8;
	[tilespmem:$0x16400] =	vst v63  }
0x82: {  	s13 =	rddreg [dreg:$0x15]  }
0x83: {  	[spmem:s3] =	stream.indirect.scatter.add.f32 [tilespmem:s10], [sflag:$0x1], $0x80, s13, s11, $0xb8;
	[tilespmem:$0x16400] =	vst v63  }
0x84: {  	s24 =	simm.s32 $0x900  }
0x85: {  	[spmem:s3] =	stream.indirect.scatter.add.f32 [tilespmem:s10], [sflag:$0x1], $0x80, s24, s11, $0xb8;
	[tilespmem:$0x16400] =	vst v63  }
0x86: {  	_ = 	snop  }
0x87: {  	[spmem:s3] =	stream.indirect.scatter.add.f32 [tilespmem:s10], [sflag:$0x1], $0x80, s14, s11, $0xb8;
	[tilespmem:$0x16400] =	vst v63  }
0x88: {  	_ = 	snop  }
0x89: {  	[spmem:s3] =	stream.indirect.scatter.add.f32 [tilespmem:s10], [sflag:$0x1], $0x80, s15, s11, $0xb8;
	[tilespmem:$0x16400] =	vst v63  }
0x8a: {  	_ = 	snop  }
0x8b: {  	[spmem:s3] =	stream.indirect.scatter.add.f32 [tilespmem:s10], [sflag:$0x1], $0x80, s16, s11, $0xb8;
	[tilespmem:$0x16400] =	vst v63  }
0x8c: {  	_ = 	snop  }
0x8d: {  	[spmem:s3] =	stream.indirect.scatter.add.f32 [tilespmem:s10], [sflag:$0x1], $0x80, s17, s11, $0xb8;
	[tilespmem:$0x16400] =	vst v63  }
0x8e: {  	_ = 	snop  }
0x8f: {  	[spmem:s3] =	stream.indirect.scatter.add.f32 [tilespmem:s10], [sflag:$0x1], $0x80, s18, s11, $0xb8;
	[tilespmem:$0x16400] =	vst v63  }
0x90: {  	_ =	swait.ge [sflag:s12], $0x1000  }
0x91: {  	[sflag:s12] =	ssyncset.done $0x0  }
0x92: {  	[sflag:s12] =	ssyncadd.s32 $0xFFFFF000  }
0x93: {  	_ =	swait.ge [sflag:s12], $0x1000  }
0x94: {  	[sflag:s12] =	ssyncset.done $0x0  }
0x95: {  	[sflag:s12] =	ssyncadd.s32 $0xFFFFF000  }
0x96: {  	_ =	swait.ge [sflag:s12], $0x1000  }
0x97: {  	[sflag:s12] =	ssyncset.done $0x0  }
0x98: {  	[sflag:s12] =	ssyncadd.s32 $0xFFFFF000  }
0x99: {  	_ =	swait.ge [sflag:s12], $0x1000  }
0x9a: {  	[sflag:s12] =	ssyncset.done $0x0  }
0x9b: {  	[sflag:s12] =	ssyncadd.s32 $0xFFFFF000  }
0x9c: {  	_ =	swait.ge [sflag:s12], $0x1000  }
0x9d: {  	[sflag:s12] =	ssyncset.done $0x0  }
0x9e: {  	[sflag:s12] =	ssyncadd.s32 $0xFFFFF000  }
0x9f: {  	_ =	swait.ge [sflag:s12], $0x1000  }
0xa0: {  	[sflag:s12] =	ssyncset.done $0x0  }
0xa1: {  	[sflag:s12] =	ssyncadd.s32 $0xFFFFF000  }
0xa2: {  	_ =	swait.ge [sflag:s12], $0x1000  }
0xa3: {  	[sflag:s12] =	ssyncset.done $0x0  }
0xa4: {  	[sflag:s12] =	ssyncadd.s32 $0xFFFFF000  }
0xa5: {  	_ =	swait.ge [sflag:s12], $0x1000  }
0xa6: {  	[sflag:s12] =	ssyncset.done $0x0  }
0xa7: {  	[sflag:s12] =	ssyncadd.s32 $0xFFFFF000  }
0xa8: {  	[spmem:s3] =	stream.indirect.scatter.add.f32 [tilespmem:s10], [sflag:$0x1], $0x80, s19, s11, $0xb8;
	[tilespmem:$0x16400] =	vst v63  }
0xa9: {  	_ = 	snop  }
0xaa: {  	[spmem:s3] =	stream.indirect.scatter.add.f32 [tilespmem:s10], [sflag:$0x1], $0x80, s20, s11, $0xb8;
	[tilespmem:$0x16400] =	vst v63  }
0xab: {  	_ = 	snop  }
0xac: {  	[spmem:s3] =	stream.indirect.scatter.add.f32 [tilespmem:s10], [sflag:$0x1], $0x80, s21, s11, $0xb8;
	[tilespmem:$0x16400] =	vst v63  }
0xad: {  	_ = 	snop  }
0xae: {  	[spmem:s3] =	stream.indirect.scatter.add.f32 [tilespmem:s10], [sflag:$0x1], $0x80, s22, s11, $0xb8;
	[tilespmem:$0x16400] =	vst v63  }
0xaf: {  	_ = 	snop  }
0xb0: {  	[spmem:s3] =	stream.indirect.scatter.add.f32 [tilespmem:s10], [sflag:$0x1], $0x80, s23, s11, $0xb8;
	[tilespmem:$0x16400] =	vst v63  }
0xb1: {  	_ = 	snop  }
0xb2: {  	[spmem:s3] =	stream.indirect.scatter.add.f32 [tilespmem:s10], [sflag:$0x1], $0x80, s25, s11, $0xb8;
	[tilespmem:$0x16400] =	vst v63  }
0xb3: {  	_ = 	snop  }
0xb4: {  	[spmem:s3] =	stream.indirect.scatter.add.f32 [tilespmem:s10], [sflag:$0x1], $0x80, s26, s11, $0xb8;
	[tilespmem:$0x16400] =	vst v63  }
0xb5: {  	_ = 	snop  }
0xb6: {  	[spmem:s3] =	stream.indirect.scatter.add.f32 [tilespmem:s10], [sflag:$0x1], $0x80, s28, s11, $0xb8;
	[tilespmem:$0x16400] =	vst v63  }
0xb7: {  	_ =	swait.ge [sflag:s12], $0x1000  }
0xb8: {  	[sflag:s12] =	ssyncset.done $0x0  }
0xb9: {  	[sflag:s12] =	ssyncadd.s32 $0xFFFFF000  }
0xba: {  	_ =	swait.ge [sflag:s12], $0x1000  }
0xbb: {  	[sflag:s12] =	ssyncset.done $0x0  }
0xbc: {  	[sflag:s12] =	ssyncadd.s32 $0xFFFFF000  }
0xbd: {  	_ =	swait.ge [sflag:s12], $0x1000  }
0xbe: {  	[sflag:s12] =	ssyncset.done $0x0  }
0xbf: {  	[sflag:s12] =	ssyncadd.s32 $0xFFFFF000  }
0xc0: {  	_ =	swait.ge [sflag:s12], $0x1000  }
0xc1: {  	[sflag:s12] =	ssyncset.done $0x0  }
0xc2: {  	[sflag:s12] =	ssyncadd.s32 $0xFFFFF000  }
0xc3: {  	_ =	swait.ge [sflag:s12], $0x1000  }
0xc4: {  	[sflag:s12] =	ssyncset.done $0x0  }
0xc5: {  	[sflag:s12] =	ssyncadd.s32 $0xFFFFF000  }
0xc6: {  	_ =	swait.ge [sflag:s12], $0x1000  }
0xc7: {  	[sflag:s12] =	ssyncset.done $0x0  }
0xc8: {  	[sflag:s12] =	ssyncadd.s32 $0xFFFFF000  }
0xc9: {  	_ =	swait.ge [sflag:s12], $0x1000  }
0xca: {  	[sflag:s12] =	ssyncset.done $0x0  }
0xcb: {  	[sflag:s12] =	ssyncadd.s32 $0xFFFFF000  }
0xcc: {  	_ =	swait.ge [sflag:s12], $0x1000  }
0xcd: {  	[sflag:s12] =	ssyncset.done $0x0  }
0xce: {  	[sflag:s12] =	ssyncadd.s32 $0xFFFFF000  }
0xcf: {  	[spmem:s3] =	stream.indirect.scatter.add.f32 [tilespmem:s10], [sflag:$0x1], $0x80, s29, s11, $0xb8;
	[tilespmem:$0x16400] =	vst v63  }
0xd0: {  	_ = 	snop  }
0xd1: {  	[spmem:s3] =	stream.indirect.scatter.add.f32 [tilespmem:s10], [sflag:$0x1], $0x80, s30, s11, $0xb8;
	[tilespmem:$0x16400] =	vst v63  }
0xd2: {  	_ = 	snop  }
0xd3: {  	[spmem:s3] =	stream.indirect.scatter.add.f32 [tilespmem:s10], [sflag:$0x1], $0x80, s31, s11, $0xb8;
	[tilespmem:$0x16400] =	vst v63  }
0xd4: {  	_ = 	snop  }
0xd5: {  	[spmem:s3] =	stream.indirect.scatter.add.f32 [tilespmem:s10], [sflag:$0x1], $0x80, s1, s11, $0xb8;
	[tilespmem:$0x16400] =	vst v63  }
0xd6: {  	_ = 	snop  }
0xd7: {  	[spmem:s3] =	stream.indirect.scatter.add.f32 [tilespmem:s10], [sflag:$0x1], $0x80, s0, s11, $0xb8;
	[tilespmem:$0x16400] =	vst v63  }
0xd8: {  	_ = 	snop  }
0xd9: {  	[spmem:s3] =	stream.indirect.scatter.add.f32 [tilespmem:s10], [sflag:$0x1], $0x80, s2, s11, $0xb8;
	[tilespmem:$0x16400] =	vst v63  }
0xda: {  	_ = 	snop  }
0xdb: {  	[spmem:s3] =	stream.indirect.scatter.add.f32 [tilespmem:s10], [sflag:$0x1], $0x80, s5, s11, $0xb8;
	[tilespmem:$0x16400] =	vst v63  }
0xdc: {  	_ = 	snop  }
0xdd: {  	[spmem:s3] =	stream.indirect.scatter.add.f32 [tilespmem:s10], [sflag:$0x1], $0x80, s7, s11, $0xb8;
	[tilespmem:$0x16400] =	vst v63  }
0xde: {  	_ =	swait.ge [sflag:s12], $0x1000  }
0xdf: {  	[sflag:s12] =	ssyncset.done $0x0  }
0xe0: {  	[sflag:s12] =	ssyncadd.s32 $0xFFFFF000  }
0xe1: {  	_ =	swait.ge [sflag:s12], $0x1000  }
0xe2: {  	[sflag:s12] =	ssyncset.done $0x0  }
0xe3: {  	[sflag:s12] =	ssyncadd.s32 $0xFFFFF000  }
0xe4: {  	_ =	swait.ge [sflag:s12], $0x1000  }
0xe5: {  	[sflag:s12] =	ssyncset.done $0x0  }
0xe6: {  	[sflag:s12] =	ssyncadd.s32 $0xFFFFF000  }
0xe7: {  	_ =	swait.ge [sflag:s12], $0x1000  }
0xe8: {  	[sflag:s12] =	ssyncset.done $0x0  }
0xe9: {  	[sflag:s12] =	ssyncadd.s32 $0xFFFFF000  }
0xea: {  	_ =	swait.ge [sflag:s12], $0x1000  }
0xeb: {  	[sflag:s12] =	ssyncset.done $0x0  }
0xec: {  	[sflag:s12] =	ssyncadd.s32 $0xFFFFF000  }
0xed: {  	_ =	swait.ge [sflag:s12], $0x1000  }
0xee: {  	[sflag:s12] =	ssyncset.done $0x0  }
0xef: {  	[sflag:s12] =	ssyncadd.s32 $0xFFFFF000  }
0xf0: {  	_ =	swait.ge [sflag:s12], $0x1000  }
0xf1: {  	[sflag:s12] =	ssyncset.done $0x0  }
0xf2: {  	[sflag:s12] =	ssyncadd.s32 $0xFFFFF000  }
0xf3: {  	s6 =	simm.s32 $0x280;
	_ =	swait.ge [sflag:s12], $0x1000  }
0xf4: {  	s8 =	simm.s32 $0x500;
	s24 =	rddreg [dreg:$0x4];
	[sflag:s12] =	ssyncset.done $0x0  }
.LBB2_2:
0xf5: {  	[sflag:s12] =	ssyncadd.s32 $0xFFFFF000;
	s24 =	sadd.s32 s6, s24  }
0xf6: {  	[tilespmem:s4], [sflag:$0x2] =	stream.linear.gather [hbm4b:s24+s4], $0x1400, $0x38;
	[tilespmem:$0x16400] =	vst v63  }
0xf7: {  	_ =	swait.ge [sflag:s9], $0x1400  }
0xf8: {  	[sflag:s9] =	ssyncset.done $0x0  }
0xf9: {  	s13 =	smov.u32 s8;
	[sflag:s9] =	ssyncadd.s32 $0xFFFFEC00  }
0xfa: {  	[spmem:s3] =	stream.indirect.scatter.add.f32 [tilespmem:s10], [sflag:$0x1], $0x80, s4, s11, $0xb8;
	[tilespmem:$0x16400] =	vst v63  }
0xfb: {  	s6 =	smov.u32 s13;
	s13 =	rddreg [dreg:$0x5]  }
0xfc: {  	[spmem:s3] =	stream.indirect.scatter.add.f32 [tilespmem:s10], [sflag:$0x1], $0x80, s13, s11, $0xb8;
	[tilespmem:$0x16400] =	vst v63  }
0xfd: {  	s24 =	rddreg [dreg:$0x6]  }
0xfe: {  	[spmem:s3] =	stream.indirect.scatter.add.f32 [tilespmem:s10], [sflag:$0x1], $0x80, s24, s11, $0xb8;
	[tilespmem:$0x16400] =	vst v63  }
0xff: {  	s13 =	rddreg [dreg:$0x7]  }
0x100: {  	[spmem:s3] =	stream.indirect.scatter.add.f32 [tilespmem:s10], [sflag:$0x1], $0x80, s13, s11, $0xb8;
	[tilespmem:$0x16400] =	vst v63  }
0x101: {  	s24 =	rddreg [dreg:$0x8]  }
0x102: {  	[spmem:s3] =	stream.indirect.scatter.add.f32 [tilespmem:s10], [sflag:$0x1], $0x80, s24, s11, $0xb8;
	[tilespmem:$0x16400] =	vst v63  }
0x103: {  	s13 =	rddreg [dreg:$0x9]  }
0x104: {  	[spmem:s3] =	stream.indirect.scatter.add.f32 [tilespmem:s10], [sflag:$0x1], $0x80, s13, s11, $0xb8;
	[tilespmem:$0x16400] =	vst v63  }
0x105: {  	s24 =	rddreg [dreg:$0xa]  }
0x106: {  	[spmem:s3] =	stream.indirect.scatter.add.f32 [tilespmem:s10], [sflag:$0x1], $0x80, s24, s11, $0xb8;
	[tilespmem:$0x16400] =	vst v63  }
0x107: {  	s13 =	rddreg [dreg:$0xb]  }
0x108: {  	[spmem:s3] =	stream.indirect.scatter.add.f32 [tilespmem:s10], [sflag:$0x1], $0x80, s13, s11, $0xb8;
	[tilespmem:$0x16400] =	vst v63  }
0x109: {  	_ =	swait.ge [sflag:s12], $0x1000  }
0x10a: {  	[sflag:s12] =	ssyncset.done $0x0  }
0x10b: {  	[sflag:s12] =	ssyncadd.s32 $0xFFFFF000  }
0x10c: {  	_ =	swait.ge [sflag:s12], $0x1000  }
0x10d: {  	[sflag:s12] =	ssyncset.done $0x0  }
0x10e: {  	[sflag:s12] =	ssyncadd.s32 $0xFFFFF000  }
0x10f: {  	_ =	swait.ge [sflag:s12], $0x1000  }
0x110: {  	[sflag:s12] =	ssyncset.done $0x0  }
0x111: {  	[sflag:s12] =	ssyncadd.s32 $0xFFFFF000  }
0x112: {  	_ =	swait.ge [sflag:s12], $0x1000  }
0x113: {  	[sflag:s12] =	ssyncset.done $0x0  }
0x114: {  	[sflag:s12] =	ssyncadd.s32 $0xFFFFF000  }
0x115: {  	_ =	swait.ge [sflag:s12], $0x1000  }
0x116: {  	[sflag:s12] =	ssyncset.done $0x0  }
0x117: {  	[sflag:s12] =	ssyncadd.s32 $0xFFFFF000  }
0x118: {  	_ =	swait.ge [sflag:s12], $0x1000  }
0x119: {  	[sflag:s12] =	ssyncset.done $0x0  }
0x11a: {  	[sflag:s12] =	ssyncadd.s32 $0xFFFFF000  }
0x11b: {  	_ =	swait.ge [sflag:s12], $0x1000  }
0x11c: {  	[sflag:s12] =	ssyncset.done $0x0  }
0x11d: {  	[sflag:s12] =	ssyncadd.s32 $0xFFFFF000  }
0x11e: {  	_ =	swait.ge [sflag:s12], $0x1000  }
0x11f: {  	[sflag:s12] =	ssyncset.done $0x0  }
0x120: {  	s13 =	rddreg [dreg:$0xc];
	[sflag:s12] =	ssyncadd.s32 $0xFFFFF000  }
0x121: {  	[spmem:s3] =	stream.indirect.scatter.add.f32 [tilespmem:s10], [sflag:$0x1], $0x80, s13, s11, $0xb8;
	[tilespmem:$0x16400] =	vst v63  }
0x122: {  	s24 =	rddreg [dreg:$0xd]  }
0x123: {  	[spmem:s3] =	stream.indirect.scatter.add.f32 [tilespmem:s10], [sflag:$0x1], $0x80, s24, s11, $0xb8;
	[tilespmem:$0x16400] =	vst v63  }
0x124: {  	s13 =	rddreg [dreg:$0xe]  }
0x125: {  	[spmem:s3] =	stream.indirect.scatter.add.f32 [tilespmem:s10], [sflag:$0x1], $0x80, s13, s11, $0xb8;
	[tilespmem:$0x16400] =	vst v63  }
0x126: {  	s24 =	rddreg [dreg:$0xf]  }
0x127: {  	[spmem:s3] =	stream.indirect.scatter.add.f32 [tilespmem:s10], [sflag:$0x1], $0x80, s24, s11, $0xb8;
	[tilespmem:$0x16400] =	vst v63  }
0x128: {  	s13 =	rddreg [dreg:$0x10]  }
0x129: {  	[spmem:s3] =	stream.indirect.scatter.add.f32 [tilespmem:s10], [sflag:$0x1], $0x80, s13, s11, $0xb8;
	[tilespmem:$0x16400] =	vst v63  }
0x12a: {  	s24 =	rddreg [dreg:$0x11]  }
0x12b: {  	[spmem:s3] =	stream.indirect.scatter.add.f32 [tilespmem:s10], [sflag:$0x1], $0x80, s24, s11, $0xb8;
	[tilespmem:$0x16400] =	vst v63  }
0x12c: {  	s13 =	rddreg [dreg:$0x12]  }
0x12d: {  	[spmem:s3] =	stream.indirect.scatter.add.f32 [tilespmem:s10], [sflag:$0x1], $0x80, s13, s11, $0xb8;
	[tilespmem:$0x16400] =	vst v63  }
0x12e: {  	s24 =	rddreg [dreg:$0x13]  }
0x12f: {  	[spmem:s3] =	stream.indirect.scatter.add.f32 [tilespmem:s10], [sflag:$0x1], $0x80, s24, s11, $0xb8;
	[tilespmem:$0x16400] =	vst v63  }
0x130: {  	_ =	swait.ge [sflag:s12], $0x1000  }
0x131: {  	[sflag:s12] =	ssyncset.done $0x0  }
0x132: {  	[sflag:s12] =	ssyncadd.s32 $0xFFFFF000  }
0x133: {  	_ =	swait.ge [sflag:s12], $0x1000  }
0x134: {  	[sflag:s12] =	ssyncset.done $0x0  }
0x135: {  	[sflag:s12] =	ssyncadd.s32 $0xFFFFF000  }
0x136: {  	_ =	swait.ge [sflag:s12], $0x1000  }
0x137: {  	[sflag:s12] =	ssyncset.done $0x0  }
0x138: {  	[sflag:s12] =	ssyncadd.s32 $0xFFFFF000  }
0x139: {  	_ =	swait.ge [sflag:s12], $0x1000  }
0x13a: {  	[sflag:s12] =	ssyncset.done $0x0  }
0x13b: {  	[sflag:s12] =	ssyncadd.s32 $0xFFFFF000  }
0x13c: {  	_ =	swait.ge [sflag:s12], $0x1000  }
0x13d: {  	[sflag:s12] =	ssyncset.done $0x0  }
0x13e: {  	[sflag:s12] =	ssyncadd.s32 $0xFFFFF000  }
0x13f: {  	_ =	swait.ge [sflag:s12], $0x1000  }
0x140: {  	[sflag:s12] =	ssyncset.done $0x0  }
0x141: {  	[sflag:s12] =	ssyncadd.s32 $0xFFFFF000  }
0x142: {  	_ =	swait.ge [sflag:s12], $0x1000  }
0x143: {  	[sflag:s12] =	ssyncset.done $0x0  }
0x144: {  	[sflag:s12] =	ssyncadd.s32 $0xFFFFF000  }
0x145: {  	_ =	swait.ge [sflag:s12], $0x1000  }
0x146: {  	[sflag:s12] =	ssyncset.done $0x0  }
0x147: {  	s13 =	rddreg [dreg:$0x14];
	[sflag:s12] =	ssyncadd.s32 $0xFFFFF000  }
0x148: {  	[spmem:s3] =	stream.indirect.scatter.add.f32 [tilespmem:s10], [sflag:$0x1], $0x80, s13, s11, $0xb8;
	[tilespmem:$0x16400] =	vst v63  }
0x149: {  	s24 =	rddreg [dreg:$0x15]  }
0x14a: {  	[spmem:s3] =	stream.indirect.scatter.add.f32 [tilespmem:s10], [sflag:$0x1], $0x80, s24, s11, $0xb8;
	[tilespmem:$0x16400] =	vst v63  }
0x14b: {  	s24 =	simm.s32 $0x900  }
0x14c: {  	[spmem:s3] =	stream.indirect.scatter.add.f32 [tilespmem:s10], [sflag:$0x1], $0x80, s24, s11, $0xb8;
	[tilespmem:$0x16400] =	vst v63  }
0x14d: {  	_ = 	snop  }
0x14e: {  	[spmem:s3] =	stream.indirect.scatter.add.f32 [tilespmem:s10], [sflag:$0x1], $0x80, s14, s11, $0xb8;
	[tilespmem:$0x16400] =	vst v63  }
0x14f: {  	_ = 	snop  }
0x150: {  	[spmem:s3] =	stream.indirect.scatter.add.f32 [tilespmem:s10], [sflag:$0x1], $0x80, s15, s11, $0xb8;
	[tilespmem:$0x16400] =	vst v63  }
0x151: {  	_ = 	snop  }
0x152: {  	[spmem:s3] =	stream.indirect.scatter.add.f32 [tilespmem:s10], [sflag:$0x1], $0x80, s16, s11, $0xb8;
	[tilespmem:$0x16400] =	vst v63  }
0x153: {  	_ = 	snop  }
0x154: {  	[spmem:s3] =	stream.indirect.scatter.add.f32 [tilespmem:s10], [sflag:$0x1], $0x80, s17, s11, $0xb8;
	[tilespmem:$0x16400] =	vst v63  }
0x155: {  	_ = 	snop  }
0x156: {  	[spmem:s3] =	stream.indirect.scatter.add.f32 [tilespmem:s10], [sflag:$0x1], $0x80, s18, s11, $0xb8;
	[tilespmem:$0x16400] =	vst v63  }
0x157: {  	_ =	swait.ge [sflag:s12], $0x1000  }
0x158: {  	[sflag:s12] =	ssyncset.done $0x0  }
0x159: {  	[sflag:s12] =	ssyncadd.s32 $0xFFFFF000  }
0x15a: {  	_ =	swait.ge [sflag:s12], $0x1000  }
0x15b: {  	[sflag:s12] =	ssyncset.done $0x0  }
0x15c: {  	[sflag:s12] =	ssyncadd.s32 $0xFFFFF000  }
0x15d: {  	_ =	swait.ge [sflag:s12], $0x1000  }
0x15e: {  	[sflag:s12] =	ssyncset.done $0x0  }
0x15f: {  	[sflag:s12] =	ssyncadd.s32 $0xFFFFF000  }
0x160: {  	_ =	swait.ge [sflag:s12], $0x1000  }
0x161: {  	[sflag:s12] =	ssyncset.done $0x0  }
0x162: {  	[sflag:s12] =	ssyncadd.s32 $0xFFFFF000  }
0x163: {  	_ =	swait.ge [sflag:s12], $0x1000  }
0x164: {  	[sflag:s12] =	ssyncset.done $0x0  }
0x165: {  	[sflag:s12] =	ssyncadd.s32 $0xFFFFF000  }
0x166: {  	_ =	swait.ge [sflag:s12], $0x1000  }
0x167: {  	[sflag:s12] =	ssyncset.done $0x0  }
0x168: {  	[sflag:s12] =	ssyncadd.s32 $0xFFFFF000  }
0x169: {  	_ =	swait.ge [sflag:s12], $0x1000  }
0x16a: {  	[sflag:s12] =	ssyncset.done $0x0  }
0x16b: {  	[sflag:s12] =	ssyncadd.s32 $0xFFFFF000  }
0x16c: {  	_ =	swait.ge [sflag:s12], $0x1000  }
0x16d: {  	[sflag:s12] =	ssyncset.done $0x0  }
0x16e: {  	[sflag:s12] =	ssyncadd.s32 $0xFFFFF000  }
0x16f: {  	[spmem:s3] =	stream.indirect.scatter.add.f32 [tilespmem:s10], [sflag:$0x1], $0x80, s19, s11, $0xb8;
	[tilespmem:$0x16400] =	vst v63  }
0x170: {  	_ = 	snop  }
0x171: {  	[spmem:s3] =	stream.indirect.scatter.add.f32 [tilespmem:s10], [sflag:$0x1], $0x80, s20, s11, $0xb8;
	[tilespmem:$0x16400] =	vst v63  }
0x172: {  	_ = 	snop  }
0x173: {  	[spmem:s3] =	stream.indirect.scatter.add.f32 [tilespmem:s10], [sflag:$0x1], $0x80, s21, s11, $0xb8;
	[tilespmem:$0x16400] =	vst v63  }
0x174: {  	_ = 	snop  }
0x175: {  	[spmem:s3] =	stream.indirect.scatter.add.f32 [tilespmem:s10], [sflag:$0x1], $0x80, s22, s11, $0xb8;
	[tilespmem:$0x16400] =	vst v63  }
0x176: {  	_ = 	snop  }
0x177: {  	[spmem:s3] =	stream.indirect.scatter.add.f32 [tilespmem:s10], [sflag:$0x1], $0x80, s23, s11, $0xb8;
	[tilespmem:$0x16400] =	vst v63  }
0x178: {  	_ = 	snop  }
0x179: {  	[spmem:s3] =	stream.indirect.scatter.add.f32 [tilespmem:s10], [sflag:$0x1], $0x80, s25, s11, $0xb8;
	[tilespmem:$0x16400] =	vst v63  }
0x17a: {  	_ = 	snop  }
0x17b: {  	[spmem:s3] =	stream.indirect.scatter.add.f32 [tilespmem:s10], [sflag:$0x1], $0x80, s26, s11, $0xb8;
	[tilespmem:$0x16400] =	vst v63  }
0x17c: {  	_ = 	snop  }
0x17d: {  	[spmem:s3] =	stream.indirect.scatter.add.f32 [tilespmem:s10], [sflag:$0x1], $0x80, s28, s11, $0xb8;
	[tilespmem:$0x16400] =	vst v63  }
0x17e: {  	_ =	swait.ge [sflag:s12], $0x1000  }
0x17f: {  	[sflag:s12] =	ssyncset.done $0x0  }
0x180: {  	[sflag:s12] =	ssyncadd.s32 $0xFFFFF000  }
0x181: {  	_ =	swait.ge [sflag:s12], $0x1000  }
0x182: {  	[sflag:s12] =	ssyncset.done $0x0  }
0x183: {  	[sflag:s12] =	ssyncadd.s32 $0xFFFFF000  }
0x184: {  	_ =	swait.ge [sflag:s12], $0x1000  }
0x185: {  	[sflag:s12] =	ssyncset.done $0x0  }
0x186: {  	[sflag:s12] =	ssyncadd.s32 $0xFFFFF000  }
0x187: {  	_ =	swait.ge [sflag:s12], $0x1000  }
0x188: {  	[sflag:s12] =	ssyncset.done $0x0  }
0x189: {  	[sflag:s12] =	ssyncadd.s32 $0xFFFFF000  }
0x18a: {  	_ =	swait.ge [sflag:s12], $0x1000  }
0x18b: {  	[sflag:s12] =	ssyncset.done $0x0  }
0x18c: {  	[sflag:s12] =	ssyncadd.s32 $0xFFFFF000  }
0x18d: {  	_ =	swait.ge [sflag:s12], $0x1000  }
0x18e: {  	[sflag:s12] =	ssyncset.done $0x0  }
0x18f: {  	[sflag:s12] =	ssyncadd.s32 $0xFFFFF000  }
0x190: {  	_ =	swait.ge [sflag:s12], $0x1000  }
0x191: {  	[sflag:s12] =	ssyncset.done $0x0  }
0x192: {  	[sflag:s12] =	ssyncadd.s32 $0xFFFFF000  }
0x193: {  	_ =	swait.ge [sflag:s12], $0x1000  }
0x194: {  	[sflag:s12] =	ssyncset.done $0x0  }
0x195: {  	[sflag:s12] =	ssyncadd.s32 $0xFFFFF000  }
0x196: {  	[spmem:s3] =	stream.indirect.scatter.add.f32 [tilespmem:s10], [sflag:$0x1], $0x80, s29, s11, $0xb8;
	[tilespmem:$0x16400] =	vst v63  }
0x197: {  	_ = 	snop  }
0x198: {  	[spmem:s3] =	stream.indirect.scatter.add.f32 [tilespmem:s10], [sflag:$0x1], $0x80, s30, s11, $0xb8;
	[tilespmem:$0x16400] =	vst v63  }
0x199: {  	_ = 	snop  }
0x19a: {  	[spmem:s3] =	stream.indirect.scatter.add.f32 [tilespmem:s10], [sflag:$0x1], $0x80, s31, s11, $0xb8;
	[tilespmem:$0x16400] =	vst v63  }
0x19b: {  	_ = 	snop  }
0x19c: {  	[spmem:s3] =	stream.indirect.scatter.add.f32 [tilespmem:s10], [sflag:$0x1], $0x80, s1, s11, $0xb8;
	[tilespmem:$0x16400] =	vst v63  }
0x19d: {  	_ = 	snop  }
0x19e: {  	[spmem:s3] =	stream.indirect.scatter.add.f32 [tilespmem:s10], [sflag:$0x1], $0x80, s0, s11, $0xb8;
	[tilespmem:$0x16400] =	vst v63  }
0x19f: {  	_ = 	snop  }
0x1a0: {  	[spmem:s3] =	stream.indirect.scatter.add.f32 [tilespmem:s10], [sflag:$0x1], $0x80, s2, s11, $0xb8;
	[tilespmem:$0x16400] =	vst v63  }
0x1a1: {  	_ = 	snop  }
0x1a2: {  	[spmem:s3] =	stream.indirect.scatter.add.f32 [tilespmem:s10], [sflag:$0x1], $0x80, s5, s11, $0xb8;
	[tilespmem:$0x16400] =	vst v63  }
0x1a3: {  	_ = 	snop  }
0x1a4: {  	[spmem:s3] =	stream.indirect.scatter.add.f32 [tilespmem:s10], [sflag:$0x1], $0x80, s7, s11, $0xb8;
	[tilespmem:$0x16400] =	vst v63  }
0x1a5: {  	_ =	swait.ge [sflag:s12], $0x1000  }
0x1a6: {  	[sflag:s12] =	ssyncset.done $0x0  }
0x1a7: {  	[sflag:s12] =	ssyncadd.s32 $0xFFFFF000  }
0x1a8: {  	_ =	swait.ge [sflag:s12], $0x1000  }
0x1a9: {  	[sflag:s12] =	ssyncset.done $0x0  }
0x1aa: {  	[sflag:s12] =	ssyncadd.s32 $0xFFFFF000  }
0x1ab: {  	_ =	swait.ge [sflag:s12], $0x1000  }
0x1ac: {  	[sflag:s12] =	ssyncset.done $0x0  }
0x1ad: {  	[sflag:s12] =	ssyncadd.s32 $0xFFFFF000  }
0x1ae: {  	_ =	swait.ge [sflag:s12], $0x1000  }
0x1af: {  	[sflag:s12] =	ssyncset.done $0x0  }
0x1b0: {  	[sflag:s12] =	ssyncadd.s32 $0xFFFFF000  }
0x1b1: {  	_ =	swait.ge [sflag:s12], $0x1000  }
0x1b2: {  	[sflag:s12] =	ssyncset.done $0x0  }
0x1b3: {  	[sflag:s12] =	ssyncadd.s32 $0xFFFFF000  }
0x1b4: {  	_ =	swait.ge [sflag:s12], $0x1000  }
0x1b5: {  	[sflag:s12] =	ssyncset.done $0x0  }
0x1b6: {  	p0 =	sne.s32 s8, $0x2580;
	[sflag:s12] =	ssyncadd.s32 $0xFFFFF000  }
.Ltmp0:
0x1b7: {  	_ =	swait.ge [sflag:s12], $0x1000;
	(pc) =	sbr.rel @p0 .LBB2_2-.Ltmp0, $4  }
0x1b8: {  	[sflag:s12] =	ssyncset.done $0x0  }
0x1b9: {  	[sflag:s12] =	ssyncadd.s32 $0xFFFFF000  }
0x1ba: {  	_ =	swait.ge [sflag:s12], $0x1000  }
0x1bb: {  	s8 =	sadd.s32 $0x280, s8;
	s24 =	rddreg [dreg:$0x4];
	[sflag:s12] =	ssyncset.done $0x0  }
0x1bc: {  	[sflag:s12] =	ssyncadd.s32 $0xFFFFF000;
	s6 =	sadd.s32 s6, s24  }
0x1bd: {  	[tilespmem:s4], [sflag:$0x2] =	stream.linear.gather [hbm4b:s6+s4], $0x1400, $0x38;
	[tilespmem:$0x16400] =	vst v63  }
0x1be: {  	_ =	swait.ge [sflag:s9], $0x1400  }
0x1bf: {  	[sflag:s9] =	ssyncset.done $0x0  }
0x1c0: {  	[sflag:s9] =	ssyncadd.s32 $0xFFFFEC00  }
0x1c1: {  	[spmem:s3] =	stream.indirect.scatter.add.f32 [tilespmem:s10], [sflag:$0x1], $0x80, s4, s11, $0xb8;
	[tilespmem:$0x16400] =	vst v63  }
0x1c2: {  	s13 =	rddreg [dreg:$0x5]  }
0x1c3: {  	[spmem:s3] =	stream.indirect.scatter.add.f32 [tilespmem:s10], [sflag:$0x1], $0x80, s13, s11, $0xb8;
	[tilespmem:$0x16400] =	vst v63  }
0x1c4: {  	s8 =	rddreg [dreg:$0x6]  }
0x1c5: {  	[spmem:s3] =	stream.indirect.scatter.add.f32 [tilespmem:s10], [sflag:$0x1], $0x80, s8, s11, $0xb8;
	[tilespmem:$0x16400] =	vst v63  }
0x1c6: {  	s24 =	rddreg [dreg:$0x7]  }
0x1c7: {  	[spmem:s3] =	stream.indirect.scatter.add.f32 [tilespmem:s10], [sflag:$0x1], $0x80, s24, s11, $0xb8;
	[tilespmem:$0x16400] =	vst v63  }
0x1c8: {  	s13 =	rddreg [dreg:$0x8]  }
0x1c9: {  	[spmem:s3] =	stream.indirect.scatter.add.f32 [tilespmem:s10], [sflag:$0x1], $0x80, s13, s11, $0xb8;
	[tilespmem:$0x16400] =	vst v63  }
0x1ca: {  	s24 =	rddreg [dreg:$0x9]  }
0x1cb: {  	[spmem:s3] =	stream.indirect.scatter.add.f32 [tilespmem:s10], [sflag:$0x1], $0x80, s24, s11, $0xb8;
	[tilespmem:$0x16400] =	vst v63  }
0x1cc: {  	s13 =	rddreg [dreg:$0xa]  }
0x1cd: {  	[spmem:s3] =	stream.indirect.scatter.add.f32 [tilespmem:s10], [sflag:$0x1], $0x80, s13, s11, $0xb8;
	[tilespmem:$0x16400] =	vst v63  }
0x1ce: {  	s24 =	rddreg [dreg:$0xb]  }
0x1cf: {  	[spmem:s3] =	stream.indirect.scatter.add.f32 [tilespmem:s10], [sflag:$0x1], $0x80, s24, s11, $0xb8;
	[tilespmem:$0x16400] =	vst v63  }
0x1d0: {  	_ =	swait.ge [sflag:s12], $0x1000  }
0x1d1: {  	[sflag:s12] =	ssyncset.done $0x0  }
0x1d2: {  	[sflag:s12] =	ssyncadd.s32 $0xFFFFF000  }
0x1d3: {  	_ =	swait.ge [sflag:s12], $0x1000  }
0x1d4: {  	[sflag:s12] =	ssyncset.done $0x0  }
0x1d5: {  	[sflag:s12] =	ssyncadd.s32 $0xFFFFF000  }
0x1d6: {  	_ =	swait.ge [sflag:s12], $0x1000  }
0x1d7: {  	[sflag:s12] =	ssyncset.done $0x0  }
0x1d8: {  	[sflag:s12] =	ssyncadd.s32 $0xFFFFF000  }
0x1d9: {  	_ =	swait.ge [sflag:s12], $0x1000  }
0x1da: {  	[sflag:s12] =	ssyncset.done $0x0  }
0x1db: {  	[sflag:s12] =	ssyncadd.s32 $0xFFFFF000  }
0x1dc: {  	_ =	swait.ge [sflag:s12], $0x1000  }
0x1dd: {  	[sflag:s12] =	ssyncset.done $0x0  }
0x1de: {  	[sflag:s12] =	ssyncadd.s32 $0xFFFFF000  }
0x1df: {  	_ =	swait.ge [sflag:s12], $0x1000  }
0x1e0: {  	[sflag:s12] =	ssyncset.done $0x0  }
0x1e1: {  	[sflag:s12] =	ssyncadd.s32 $0xFFFFF000  }
0x1e2: {  	_ =	swait.ge [sflag:s12], $0x1000  }
0x1e3: {  	[sflag:s12] =	ssyncset.done $0x0  }
0x1e4: {  	[sflag:s12] =	ssyncadd.s32 $0xFFFFF000  }
0x1e5: {  	_ =	swait.ge [sflag:s12], $0x1000  }
0x1e6: {  	[sflag:s12] =	ssyncset.done $0x0  }
0x1e7: {  	s13 =	rddreg [dreg:$0xc];
	[sflag:s12] =	ssyncadd.s32 $0xFFFFF000  }
0x1e8: {  	[spmem:s3] =	stream.indirect.scatter.add.f32 [tilespmem:s10], [sflag:$0x1], $0x80, s13, s11, $0xb8;
	[tilespmem:$0x16400] =	vst v63  }
0x1e9: {  	s24 =	rddreg [dreg:$0xd]  }
0x1ea: {  	[spmem:s3] =	stream.indirect.scatter.add.f32 [tilespmem:s10], [sflag:$0x1], $0x80, s24, s11, $0xb8;
	[tilespmem:$0x16400] =	vst v63  }
0x1eb: {  	s13 =	rddreg [dreg:$0xe]  }
0x1ec: {  	[spmem:s3] =	stream.indirect.scatter.add.f32 [tilespmem:s10], [sflag:$0x1], $0x80, s13, s11, $0xb8;
	[tilespmem:$0x16400] =	vst v63  }
0x1ed: {  	s24 =	rddreg [dreg:$0xf]  }
0x1ee: {  	[spmem:s3] =	stream.indirect.scatter.add.f32 [tilespmem:s10], [sflag:$0x1], $0x80, s24, s11, $0xb8;
	[tilespmem:$0x16400] =	vst v63  }
0x1ef: {  	s13 =	rddreg [dreg:$0x10]  }
0x1f0: {  	[spmem:s3] =	stream.indirect.scatter.add.f32 [tilespmem:s10], [sflag:$0x1], $0x80, s13, s11, $0xb8;
	[tilespmem:$0x16400] =	vst v63  }
0x1f1: {  	s24 =	rddreg [dreg:$0x11]  }
0x1f2: {  	[spmem:s3] =	stream.indirect.scatter.add.f32 [tilespmem:s10], [sflag:$0x1], $0x80, s24, s11, $0xb8;
	[tilespmem:$0x16400] =	vst v63  }
0x1f3: {  	s13 =	rddreg [dreg:$0x12]  }
0x1f4: {  	[spmem:s3] =	stream.indirect.scatter.add.f32 [tilespmem:s10], [sflag:$0x1], $0x80, s13, s11, $0xb8;
	[tilespmem:$0x16400] =	vst v63  }
0x1f5: {  	s24 =	rddreg [dreg:$0x13]  }
0x1f6: {  	[spmem:s3] =	stream.indirect.scatter.add.f32 [tilespmem:s10], [sflag:$0x1], $0x80, s24, s11, $0xb8;
	[tilespmem:$0x16400] =	vst v63  }
0x1f7: {  	_ =	swait.ge [sflag:s12], $0x1000  }
0x1f8: {  	[sflag:s12] =	ssyncset.done $0x0  }
0x1f9: {  	[sflag:s12] =	ssyncadd.s32 $0xFFFFF000  }
0x1fa: {  	_ =	swait.ge [sflag:s12], $0x1000  }
0x1fb: {  	[sflag:s12] =	ssyncset.done $0x0  }
0x1fc: {  	[sflag:s12] =	ssyncadd.s32 $0xFFFFF000  }
0x1fd: {  	_ =	swait.ge [sflag:s12], $0x1000  }
0x1fe: {  	[sflag:s12] =	ssyncset.done $0x0  }
0x1ff: {  	[sflag:s12] =	ssyncadd.s32 $0xFFFFF000  }
0x200: {  	_ =	swait.ge [sflag:s12], $0x1000  }
0x201: {  	[sflag:s12] =	ssyncset.done $0x0  }
0x202: {  	[sflag:s12] =	ssyncadd.s32 $0xFFFFF000  }
0x203: {  	_ =	swait.ge [sflag:s12], $0x1000  }
0x204: {  	[sflag:s12] =	ssyncset.done $0x0  }
0x205: {  	[sflag:s12] =	ssyncadd.s32 $0xFFFFF000  }
0x206: {  	_ =	swait.ge [sflag:s12], $0x1000  }
0x207: {  	[sflag:s12] =	ssyncset.done $0x0  }
0x208: {  	[sflag:s12] =	ssyncadd.s32 $0xFFFFF000  }
0x209: {  	_ =	swait.ge [sflag:s12], $0x1000  }
0x20a: {  	[sflag:s12] =	ssyncset.done $0x0  }
0x20b: {  	[sflag:s12] =	ssyncadd.s32 $0xFFFFF000  }
0x20c: {  	_ =	swait.ge [sflag:s12], $0x1000  }
0x20d: {  	[sflag:s12] =	ssyncset.done $0x0  }
0x20e: {  	s13 =	rddreg [dreg:$0x14];
	[sflag:s12] =	ssyncadd.s32 $0xFFFFF000  }
0x20f: {  	[spmem:s3] =	stream.indirect.scatter.add.f32 [tilespmem:s10], [sflag:$0x1], $0x80, s13, s11, $0xb8;
	[tilespmem:$0x16400] =	vst v63  }
0x210: {  	s24 =	rddreg [dreg:$0x15]  }
0x211: {  	[spmem:s3] =	stream.indirect.scatter.add.f32 [tilespmem:s10], [sflag:$0x1], $0x80, s24, s11, $0xb8;
	[tilespmem:$0x16400] =	vst v63  }
0x212: {  	s13 =	simm.s32 $0x900  }
0x213: {  	[spmem:s3] =	stream.indirect.scatter.add.f32 [tilespmem:s10], [sflag:$0x1], $0x80, s13, s11, $0xb8;
	[tilespmem:$0x16400] =	vst v63  }
0x214: {  	_ = 	snop  }
0x215: {  	[spmem:s3] =	stream.indirect.scatter.add.f32 [tilespmem:s10], [sflag:$0x1], $0x80, s14, s11, $0xb8;
	[tilespmem:$0x16400] =	vst v63  }
0x216: {  	_ = 	snop  }
0x217: {  	[spmem:s3] =	stream.indirect.scatter.add.f32 [tilespmem:s10], [sflag:$0x1], $0x80, s15, s11, $0xb8;
	[tilespmem:$0x16400] =	vst v63  }
0x218: {  	_ = 	snop  }
0x219: {  	[spmem:s3] =	stream.indirect.scatter.add.f32 [tilespmem:s10], [sflag:$0x1], $0x80, s16, s11, $0xb8;
	[tilespmem:$0x16400] =	vst v63  }
0x21a: {  	_ = 	snop  }
0x21b: {  	[spmem:s3] =	stream.indirect.scatter.add.f32 [tilespmem:s10], [sflag:$0x1], $0x80, s17, s11, $0xb8;
	[tilespmem:$0x16400] =	vst v63  }
0x21c: {  	_ = 	snop  }
0x21d: {  	[spmem:s3] =	stream.indirect.scatter.add.f32 [tilespmem:s10], [sflag:$0x1], $0x80, s18, s11, $0xb8;
	[tilespmem:$0x16400] =	vst v63  }
0x21e: {  	_ =	swait.ge [sflag:s12], $0x1000  }
0x21f: {  	[sflag:s12] =	ssyncset.done $0x0  }
0x220: {  	[sflag:s12] =	ssyncadd.s32 $0xFFFFF000  }
0x221: {  	_ =	swait.ge [sflag:s12], $0x1000  }
0x222: {  	[sflag:s12] =	ssyncset.done $0x0  }
0x223: {  	[sflag:s12] =	ssyncadd.s32 $0xFFFFF000  }
0x224: {  	_ =	swait.ge [sflag:s12], $0x1000  }
0x225: {  	[sflag:s12] =	ssyncset.done $0x0  }
0x226: {  	[sflag:s12] =	ssyncadd.s32 $0xFFFFF000  }
0x227: {  	_ =	swait.ge [sflag:s12], $0x1000  }
0x228: {  	[sflag:s12] =	ssyncset.done $0x0  }
0x229: {  	[sflag:s12] =	ssyncadd.s32 $0xFFFFF000  }
0x22a: {  	_ =	swait.ge [sflag:s12], $0x1000  }
0x22b: {  	[sflag:s12] =	ssyncset.done $0x0  }
0x22c: {  	[sflag:s12] =	ssyncadd.s32 $0xFFFFF000  }
0x22d: {  	_ =	swait.ge [sflag:s12], $0x1000  }
0x22e: {  	[sflag:s12] =	ssyncset.done $0x0  }
0x22f: {  	[sflag:s12] =	ssyncadd.s32 $0xFFFFF000  }
0x230: {  	_ =	swait.ge [sflag:s12], $0x1000  }
0x231: {  	[sflag:s12] =	ssyncset.done $0x0  }
0x232: {  	[sflag:s12] =	ssyncadd.s32 $0xFFFFF000  }
0x233: {  	_ =	swait.ge [sflag:s12], $0x1000  }
0x234: {  	[sflag:s12] =	ssyncset.done $0x0  }
0x235: {  	[sflag:s12] =	ssyncadd.s32 $0xFFFFF000  }
0x236: {  	[spmem:s3] =	stream.indirect.scatter.add.f32 [tilespmem:s10], [sflag:$0x1], $0x80, s19, s11, $0xb8;
	[tilespmem:$0x16400] =	vst v63  }
0x237: {  	_ = 	snop  }
0x238: {  	[spmem:s3] =	stream.indirect.scatter.add.f32 [tilespmem:s10], [sflag:$0x1], $0x80, s20, s11, $0xb8;
	[tilespmem:$0x16400] =	vst v63  }
0x239: {  	_ = 	snop  }
0x23a: {  	[spmem:s3] =	stream.indirect.scatter.add.f32 [tilespmem:s10], [sflag:$0x1], $0x80, s21, s11, $0xb8;
	[tilespmem:$0x16400] =	vst v63  }
0x23b: {  	_ = 	snop  }
0x23c: {  	[spmem:s3] =	stream.indirect.scatter.add.f32 [tilespmem:s10], [sflag:$0x1], $0x80, s22, s11, $0xb8;
	[tilespmem:$0x16400] =	vst v63  }
0x23d: {  	_ = 	snop  }
0x23e: {  	[spmem:s3] =	stream.indirect.scatter.add.f32 [tilespmem:s10], [sflag:$0x1], $0x80, s23, s11, $0xb8;
	[tilespmem:$0x16400] =	vst v63  }
0x23f: {  	_ = 	snop  }
0x240: {  	[spmem:s3] =	stream.indirect.scatter.add.f32 [tilespmem:s10], [sflag:$0x1], $0x80, s25, s11, $0xb8;
	[tilespmem:$0x16400] =	vst v63  }
0x241: {  	_ = 	snop  }
0x242: {  	[spmem:s3] =	stream.indirect.scatter.add.f32 [tilespmem:s10], [sflag:$0x1], $0x80, s26, s11, $0xb8;
	[tilespmem:$0x16400] =	vst v63  }
0x243: {  	_ = 	snop  }
0x244: {  	[spmem:s3] =	stream.indirect.scatter.add.f32 [tilespmem:s10], [sflag:$0x1], $0x80, s28, s11, $0xb8;
	[tilespmem:$0x16400] =	vst v63  }
0x245: {  	_ =	swait.ge [sflag:s12], $0x1000  }
0x246: {  	[sflag:s12] =	ssyncset.done $0x0  }
0x247: {  	[sflag:s12] =	ssyncadd.s32 $0xFFFFF000  }
0x248: {  	_ =	swait.ge [sflag:s12], $0x1000  }
0x249: {  	[sflag:s12] =	ssyncset.done $0x0  }
0x24a: {  	[sflag:s12] =	ssyncadd.s32 $0xFFFFF000  }
0x24b: {  	_ =	swait.ge [sflag:s12], $0x1000  }
0x24c: {  	[sflag:s12] =	ssyncset.done $0x0  }
0x24d: {  	[sflag:s12] =	ssyncadd.s32 $0xFFFFF000  }
0x24e: {  	_ =	swait.ge [sflag:s12], $0x1000  }
0x24f: {  	[sflag:s12] =	ssyncset.done $0x0  }
0x250: {  	[sflag:s12] =	ssyncadd.s32 $0xFFFFF000  }
0x251: {  	_ =	swait.ge [sflag:s12], $0x1000  }
0x252: {  	[sflag:s12] =	ssyncset.done $0x0  }
0x253: {  	[sflag:s12] =	ssyncadd.s32 $0xFFFFF000  }
0x254: {  	_ =	swait.ge [sflag:s12], $0x1000  }
0x255: {  	[sflag:s12] =	ssyncset.done $0x0  }
0x256: {  	[sflag:s12] =	ssyncadd.s32 $0xFFFFF000  }
0x257: {  	_ =	swait.ge [sflag:s12], $0x1000  }
0x258: {  	[sflag:s12] =	ssyncset.done $0x0  }
0x259: {  	[sflag:s12] =	ssyncadd.s32 $0xFFFFF000  }
0x25a: {  	_ =	swait.ge [sflag:s12], $0x1000  }
0x25b: {  	[sflag:s12] =	ssyncset.done $0x0  }
0x25c: {  	[sflag:s12] =	ssyncadd.s32 $0xFFFFF000  }
0x25d: {  	[spmem:s3] =	stream.indirect.scatter.add.f32 [tilespmem:s10], [sflag:$0x1], $0x80, s29, s11, $0xb8;
	[tilespmem:$0x16400] =	vst v63  }
0x25e: {  	_ = 	snop  }
0x25f: {  	[spmem:s3] =	stream.indirect.scatter.add.f32 [tilespmem:s10], [sflag:$0x1], $0x80, s30, s11, $0xb8;
	[tilespmem:$0x16400] =	vst v63  }
0x260: {  	_ = 	snop  }
0x261: {  	[spmem:s3] =	stream.indirect.scatter.add.f32 [tilespmem:s10], [sflag:$0x1], $0x80, s31, s11, $0xb8;
	[tilespmem:$0x16400] =	vst v63  }
0x262: {  	_ = 	snop  }
0x263: {  	[spmem:s3] =	stream.indirect.scatter.add.f32 [tilespmem:s10], [sflag:$0x1], $0x80, s1, s11, $0xb8;
	[tilespmem:$0x16400] =	vst v63  }
0x264: {  	_ = 	snop  }
0x265: {  	[spmem:s3] =	stream.indirect.scatter.add.f32 [tilespmem:s10], [sflag:$0x1], $0x80, s0, s11, $0xb8;
	[tilespmem:$0x16400] =	vst v63  }
0x266: {  	_ = 	snop  }
0x267: {  	[spmem:s3] =	stream.indirect.scatter.add.f32 [tilespmem:s10], [sflag:$0x1], $0x80, s2, s11, $0xb8;
	[tilespmem:$0x16400] =	vst v63  }
0x268: {  	_ = 	snop  }
0x269: {  	[spmem:s3] =	stream.indirect.scatter.add.f32 [tilespmem:s10], [sflag:$0x1], $0x80, s5, s11, $0xb8;
	[tilespmem:$0x16400] =	vst v63  }
0x26a: {  	_ = 	snop  }
0x26b: {  	[spmem:s3] =	stream.indirect.scatter.add.f32 [tilespmem:s10], [sflag:$0x1], $0x80, s7, s11, $0xb8;
	[tilespmem:$0x16400] =	vst v63  }
0x26c: {  	_ =	swait.ge [sflag:s12], $0x1000  }
0x26d: {  	[sflag:s12] =	ssyncset.done $0x0  }
0x26e: {  	[sflag:s12] =	ssyncadd.s32 $0xFFFFF000  }
0x26f: {  	_ =	swait.ge [sflag:s12], $0x1000  }
0x270: {  	[sflag:s12] =	ssyncset.done $0x0  }
0x271: {  	[sflag:s12] =	ssyncadd.s32 $0xFFFFF000  }
0x272: {  	_ =	swait.ge [sflag:s12], $0x1000  }
0x273: {  	[sflag:s12] =	ssyncset.done $0x0  }
0x274: {  	[sflag:s12] =	ssyncadd.s32 $0xFFFFF000  }
0x275: {  	_ =	swait.ge [sflag:s12], $0x1000  }
0x276: {  	[sflag:s12] =	ssyncset.done $0x0  }
0x277: {  	[sflag:s12] =	ssyncadd.s32 $0xFFFFF000  }
0x278: {  	_ =	swait.ge [sflag:s12], $0x1000  }
0x279: {  	[sflag:s12] =	ssyncset.done $0x0  }
0x27a: {  	[sflag:s12] =	ssyncadd.s32 $0xFFFFF000  }
0x27b: {  	_ =	swait.ge [sflag:s12], $0x1000  }
0x27c: {  	[sflag:s12] =	ssyncset.done $0x0  }
0x27d: {  	[sflag:s12] =	ssyncadd.s32 $0xFFFFF000  }
0x27e: {  	_ =	swait.ge [sflag:s12], $0x1000  }
0x27f: {  	[sflag:s12] =	ssyncset.done $0x0  }
0x280: {  	[sflag:s12] =	ssyncadd.s32 $0xFFFFF000  }
0x281: {  	_ =	swait.ge [sflag:s12], $0x1000  }
0x282: {  	[sflag:s12] =	ssyncset.done $0x0  }
0x283: {  	[sflag:s12] =	ssyncadd.s32 $0xFFFFF000  }
0x284: {  	[bflag:$0x0] =	sbarrier.arrive $0xFFFF  }
0x285: {  	s8 =	rddreg [dreg:$0x17]  }
0x286: {  	s13 =	rddreg [dreg:$0x19]  }
0x287: {  	s24 =	rddreg [dreg:$0x1a]  }
0x288: {  	[hbm:s24], [sflag:s8] =	dma.local [spmem:s13], $0x2800  }
0x289: {  	_ =	swait.ge [sflag:s9], $0x2800  }
0x28a: {  	s6 =	rddreg [dreg:$0x1b]  }
0x28b: {  	s24 =	sadd.s32 $0x1, s6;
	s6 =	rddreg [dreg:$0x18]  }
0x28c: {  	p0 =	sne.s32 s24, s6  }
.Ltmp1:
0x28d: {  	_ = 	snop;
	(pc) =	sbr.rel @p0 .LBB2_1-.Ltmp1, $3  }
0x28e: {  	_ =	sdelay $0x1  }
0x28f: {  	[sflag:s9] =	ssyncset.done $0x0  }
0x290: {  	[sflag:s9] =	ssyncadd.s32 $0xFFFFD800  }
0x291: {  	_ =	sfence.sel $0x180000  }
0x292: {  	[bflag:$0x0] =	sbarrier.arrive $0xFFFF  }
0x293: {  	_ =	strace $0x90000047  }
0x294: {  	s0 =	stileid.u32;
	[bflag:$0x2] =	sbarrier.arrive $0xFFFF  }
0x295: {  	p0 =	sne.s32 s0, $0x0;
	s0 =	rddreg [dreg:$0x3]  }
0x296: {  	s0 =	sadd.s32 @!p0 $0x100000, s0  }
0x297: {  	[sflag:s0] =	ssyncadd.tile.s32 @!p0 $0x1;
	_ =	shalt  }
.Lfunc_end2:
_tile_overlayer_lowered:
.L_overlay_start_2:
0x298: {  	(tag) =	ssettag $0x2  }
0x299: {  	s0 =	rddreg [dreg:$0x0];
	s2 =	stileid.u32  }
0x29a: {  	s1 =	rddreg [dreg:$0x1];
	p0 =	sne.s32 s2, $0x0  }
0x29b: {  	s3 =	rddreg [dreg:$0x2];
	[bflag:$0x3] =	sbarrier.arrive $0xFFFF;
	s2 =	simm.s32 @!p0 $0x1C02  }
0x29c: {  	[timem:s3], [sflag:s2] =	dma.local @!p0 [hbm:s0], s1  }
0x29d: {  	s0 =	simm.s32 @!p0 $0x2  }
0x29e: {  	_ =	swait.ge @!p0 [sflag:s0], s1  }
0x29f: {  	s1 =	ssub.s32 @!p0 $0x0, s1;
	[sflag:s0] =	ssyncset.done @!p0 $0x0  }
0x2a0: {  	[sflag:s0] =	ssyncadd.s32 @!p0 s1  }
0x2a1: {  	[bflag:$0x3] =	sbarrier.arrive $0xFFFF  }
0x2a2: {  	_ =	shalt  }

// kernel: kernel.14.cloned.1.call-start
scs
__scs_entry_jumppad:
0x0: {  	(pc) =	sbr.rel $0x88, $3  }
0x1: {  	(tag) =	ssettag $0x0;
	lr =	simm.s32 $0x1  }
0x2: {  	[smem:$0x3F99] =	sst lr;
	_ =	strace $0xD0000000  }
0x3: {  	_ = 	snop  }
0x4: {  	_ = 	snop  }
0x5: {  	_ = 	snop  }
0x6: {  	_ = 	snop  }
0x7: {  	_ = 	snop  }
__scs_overlays_trampoline_lowered:
0x8: {  	[smem:$0x3FA8] =	sst s0  }
0x9: {  	[smem:$0x3FA9] =	sst s1  }
0xa: {  	[smem:$0x3FAA] =	sst s2  }
0xb: {  	[smem:$0x3FAB] =	sst s3  }
0xc: {  	[smem:$0x3FAC] =	sst s4  }
0xd: {  	[smem:$0x3FAD] =	sst s5  }
0xe: {  	[smem:$0x3FAE] =	sst s6  }
0xf: {  	[smem:$0x3FAF] =	sst s7  }
0x10: {  	[smem:$0x3FB0] =	sst s8  }
0x11: {  	[smem:$0x3FB1] =	sst s9;
	s0 =	simm.s32 @!p0 $0x0  }
0x12: {  	s1 =	sld [smem:$0x3F97];
	s0 =	simm.s32 @p0 $0x1  }
0x13: {  	[smem:$0x3FB2] =	sst s0;
	s0 =	simm.s32 @!p1 $0x0  }
0x14: {  	s2 =	sld [smem:$0x3F96];
	s0 =	simm.s32 @p1 $0x1  }
0x15: {  	[smem:$0x3FB3] =	sst s0;
	s0 =	simm.s32 @!p2 $0x0  }
0x16: {  	s3 =	sld [smem:$0x3FDB];
	s0 =	simm.s32 @p2 $0x1  }
0x17: {  	s4 =	simm.s32 $0x1BF5;
	[smem:$0x3FB5] =	sst s0  }
0x18: {  	s0 =	sld [smem:$0x3F98];
	_ =	swait.ge [sflag:s4], $0x0  }
0x19: {  	s7 =	sld [smem:$0x3F99]  }
0x1a: {  	s8 =	sadd.s32 $0xFFFFE003, lr  }
0x1b: {  	s9 =	sadd.s32 $0xFFFFFEF7, lr;
	s5 =	simm.s32 $0xFFFFFFFF;
	p2 =	slt.u32 s8, $0xFFFFF086  }
0x1c: {  	p1 =	slt.u32 s9, $0xF7A;
	s5 =	simm.s32 @!p2 $0x0  }
0x1d: {  	s5 =	simm.s32 @p1 $0x1;
	p0 =	seq.s32 s7, s2  }
0x1e: {  	s7 =	smul.u32 @!p0 $0xF7A, s2;
	p2 =	seq.s32 @!p0 s5, $0x0  }
0x1f: {  	s9 =	smul.u32 $0xF7A, s1;
	s8 =	simm.s32 @!p0 $0x1BF5;
	p2 =	por !p2, p0  }
0x20: {  	[sflag:s8] =	ssyncset.s32 @!p0 $0xFFFFF086;
	s6 =	sadd.s32 @!p0 s3, s7;
	s7 =	simm.s32 @!p0 $0x108  }
0x21: {  	s3 =	sadd.s32 s3, s9;
	s6 =	sadd.s32 @!p0 $0x88, s6;
	s7 =	simm.s32 @p2 $0x1082  }
0x22: {  	[simem:s7], [sflag:s8] =	dma.local @!p0 [hbm:s6], $0xF7A  }
0x23: {  	s9 =	sor.u32 $0xD0000000, s2;
	s6 =	simm.s32 $0x108;
	_ =	swait.ge @!p0 [sflag:s8], $0x0  }
0x24: {  	s3 =	sadd.s32 $0x88, s3;
	s6 =	simm.s32 @!p1 $0x1082;
	[sflag:s4] =	ssyncset.s32 $0xFFFFF086  }
0x25: {  	[simem:s6], [sflag:s4] =	dma.local [hbm:s3], $0xF7A  }
0x26: {  	[smem:$0x3F99] =	sst s1;
	(tag) =	ssettag s2;
	_ =	strace s9  }
0x27: {  	s1 =	sld [smem:$0x3FA9]  }
0x28: {  	s2 =	sld [smem:$0x3FAA]  }
0x29: {  	s4 =	sld [smem:$0x3FAC]  }
0x2a: {  	p0 =	seq.s32 s5, $0x0;
	s5 =	sld [smem:$0x3FAD]  }
0x2b: {  	s6 =	sld [smem:$0x3FAE]  }
0x2c: {  	s7 =	sld [smem:$0x3FAF]  }
0x2d: {  	s3 =	simm.s32 $0x108;
	s8 =	sld [smem:$0x3FB0]  }
0x2e: {  	s3 =	simm.s32 @!p0 $0x1082;
	s9 =	sld [smem:$0x3FB1]  }
0x2f: {  	lr =	sadd.s32 s0, s3;
	s0 =	sld [smem:$0x3FA8]  }
0x30: {  	s3 =	sld [smem:$0x3FAB]  }
0x31: {  	[smem:$0x3FB4] =	sst s10  }
0x32: {  	s10 =	sld [smem:$0x3FB2];
	_ =	sdelay $0x3  }
0x33: {  	p0 =	seq.s32 s10, $0x1;
	s10 =	sld [smem:$0x3FB4];
	_ =	sdelay $0x3  }
0x34: {  	[smem:$0x3FB4] =	sst s10  }
0x35: {  	s10 =	sld [smem:$0x3FB3];
	_ =	sdelay $0x3  }
0x36: {  	p1 =	seq.s32 s10, $0x1;
	s10 =	sld [smem:$0x3FB4];
	_ =	sdelay $0x3  }
0x37: {  	[smem:$0x3FB4] =	sst s10  }
0x38: {  	s10 =	sld [smem:$0x3FB5]  }
0x39: {  	_ = 	snop;
	(pc) =	sbr.ind lr, $3  }
0x3a: {  	_ = 	snop  }
0x3b: {  	_ = 	snop  }
0x3c: {  	p2 =	seq.s32 s10, $0x1;
	s10 =	sld [smem:$0x3FB4]  }
0x3d: {  	_ =	shalt  }
0x3e: {  	_ =	shalt  }
0x3f: {  	_ =	shalt  }
0x40: {  	_ =	shalt  }
0x41: {  	_ =	shalt  }
0x42: {  	_ =	shalt  }
0x43: {  	_ =	shalt  }
0x44: {  	_ =	shalt  }
0x45: {  	_ =	shalt  }
0x46: {  	_ =	shalt  }
0x47: {  	_ =	shalt  }
0x48: {  	_ =	shalt  }
0x49: {  	_ =	shalt  }
0x4a: {  	_ =	shalt  }
0x4b: {  	_ =	shalt  }
0x4c: {  	_ =	shalt  }
0x4d: {  	_ =	shalt  }
0x4e: {  	_ =	shalt  }
0x4f: {  	_ =	shalt  }
0x50: {  	_ =	shalt  }
0x51: {  	_ =	shalt  }
0x52: {  	_ =	shalt  }
0x53: {  	_ =	shalt  }
0x54: {  	_ =	shalt  }
0x55: {  	_ =	shalt  }
0x56: {  	_ =	shalt  }
0x57: {  	_ =	shalt  }
0x58: {  	_ =	shalt  }
0x59: {  	_ =	shalt  }
0x5a: {  	_ =	shalt  }
0x5b: {  	_ =	shalt  }
0x5c: {  	_ =	shalt  }
0x5d: {  	_ =	shalt  }
0x5e: {  	_ =	shalt  }
0x5f: {  	_ =	shalt  }
0x60: {  	_ =	shalt  }
0x61: {  	_ =	shalt  }
0x62: {  	_ =	shalt  }
0x63: {  	_ =	shalt  }
0x64: {  	_ =	shalt  }
0x65: {  	_ =	shalt  }
0x66: {  	_ =	shalt  }
0x67: {  	_ =	shalt  }
0x68: {  	_ =	shalt  }
0x69: {  	_ =	shalt  }
0x6a: {  	_ =	shalt  }
0x6b: {  	_ =	shalt  }
0x6c: {  	_ =	shalt  }
0x6d: {  	_ =	shalt  }
0x6e: {  	_ =	shalt  }
0x6f: {  	_ =	shalt  }
0x70: {  	_ =	shalt  }
0x71: {  	_ =	shalt  }
0x72: {  	_ =	shalt  }
0x73: {  	_ =	shalt  }
0x74: {  	_ =	shalt  }
0x75: {  	_ =	shalt  }
0x76: {  	_ =	shalt  }
0x77: {  	_ =	shalt  }
0x78: {  	_ =	shalt  }
0x79: {  	_ =	shalt  }
0x7a: {  	_ =	shalt  }
0x7b: {  	_ =	shalt  }
0x7c: {  	_ =	shalt  }
0x7d: {  	_ =	shalt  }
0x7e: {  	_ =	shalt  }
0x7f: {  	_ =	shalt  }
0x80: {  	_ =	shalt  }
0x81: {  	_ =	shalt  }
0x82: {  	_ =	shalt  }
0x83: {  	_ =	shalt  }
0x84: {  	_ =	shalt  }
0x85: {  	_ =	shalt  }
0x86: {  	_ =	shalt  }
0x87: {  	_ =	shalt  }
.Lfunc_end0:
.L_simem_size_0:
called_computation.1_lowered:
.L_overlay_start_0:
0x88: {  	s2 =	sld [smem:$0x3FD9]  }
0x89: {  	s3 =	sld [smem:$0x3FFE];
	_ =	sdelay $0x1  }
0x8a: {  	s1 =	srdreg.scid  }
0x8b: {  	s0 =	sand.u32 $0x1, s1  }
0x8c: {  	s17 =	sshll.u32 s0, $0xA;
	s2 =	sadd.s32 s3, s2  }
0x8d: {  	s2 =	sadd.s32 s2, s17  }
0x8e: {  	[smem:$0x3FC0] =	sst s2  }
0x8f: {  	_ = 	snop  }
0x90: {  	s18 =	sld [smem:$0x3FC9];
	(tm) =	ssettm $0x1  }
0x91: {  	s19 =	sld [smem:$0x3FFB];
	_ =	sdelay $0x3  }
0x92: {  	_ =	strace s19  }
0x93: {  	s2 =	sld [smem:$0x3FFC];
	_ =	sdelay $0x3  }
0x94: {  	_ =	strace s2  }
0x95: {  	s2 =	sld [smem:$0x3FFD];
	_ =	sdelay $0x3  }
0x96: {  	_ =	strace s2  }
0x97: {  	_ =	strace $0x8FFFFFFF  }
0x98: {  	s20 =	sld [smem:$0x3FDB];
	_ =	sdelay $0x1  }
0x99: {  	s4 =	simm.s32 $_scs_section_size  }
0x9a: {  	s5 =	simm.s32 $_size__tile_overlayer_lowered;
	s6 =	simm.s32 $_tile_overlayer_lowered  }
0x9b: {  	s7 =	simm.s32 $0x1BFF;
	s21 =	sshll.u32 s6, $0x1;
	s4 =	sadd.s32 s4, s20  }
0x9c: {  	s22 =	simm.s32 $0x0;
	s5 =	sshll.u32 s5, $0x1;
	s6 =	sadd.s32 s21, s4  }
0x9d: {  	[timem:s22], [sflag:s7] =	dma.local [hbm:s6], s5  }
0x9e: {  	_ =	swait.ge [sflag:s7], s5  }
0x9f: {  	s5 =	ssub.s32 $0x0, s5;
	[sflag:s7] =	ssyncset.done $0x0  }
0xa0: {  	[sflag:s7] =	ssyncadd.s32 s5;
	_ =	sdelay $0x1  }
0xa1: {  	s23 =	simm.s32 $0x1B8B  }
0xa2: {  	_ =	swait.ge [sflag:s23], $0x1  }
0xa3: {  	[sflag:s23] =	ssyncset.done $0x0  }
0xa4: {  	[sflag:s23] =	ssyncadd.s32 $0xFFFFFFFF  }
0xa5: {  	s5 =	sld [smem:$0x0]  }
0xa6: {  	s6 =	sand.u32 $0xFFFFFFFE, s1  }
0xa7: {  	p0 =	sne.s32 s1, s6  }
0xa8: {  	s6 =	sshll.u32 @p0 s6, $0xE  }
0xa9: {  	s6 =	sadd.s32 @p0 $0x11B8D, s6;
	s7 =	sshll.u32 @p0 s5, $0x11  }
0xaa: {  	s6 =	sor.u32 @p0 s7, s6  }
0xab: {  	[sflag:s6] =	ssyncadd.remote.s32 @p0 $0x1;
	_ =	sdelay $0x1  }
0xac: {  	s6 =	simm.s32 @p0 $0x1B8D  }
0xad: {  	_ =	swait.eq @p0 [sflag:s6], $0x1  }
0xae: {  	[sflag:s6] =	ssyncadd.s32 @p0 $0xFFFFFFFF  }
0xaf: {  	s7 =	sshll.u32 @!p0 s1, $0xE  }
0xb0: {  	s7 =	sor.u32 @!p0 $0x4000, s7;
	s6 =	simm.s32 @!p0 $0x1B8D  }
0xb1: {  	s5 =	sshll.u32 @!p0 s5, $0x11;
	s7 =	sadd.s32 @!p0 $0x11B8D, s7;
	_ =	swait.eq @!p0 [sflag:s6], $0x1  }
0xb2: {  	s5 =	sor.u32 @!p0 s5, s7;
	[sflag:s6] =	ssyncadd.s32 @!p0 $0xFFFFFFFF  }
0xb3: {  	s25 =	simm.s32 $0x1B8E;
	s24 =	sld [smem:$0x3FFE];
	[sflag:s5] =	ssyncadd.remote.s32 @!p0 $0x1  }
0xb4: {  	s26 =	simm.s32 $execute0_lowered;
	[smem:$0x3FD2] =	sst s25  }
0xb5: {  	s6 =	sshll.u32 s26, $0x1;
	_ =	strace $0x80000049;
	[dreg:$0x1] =	wrdreg $0xFFFFFFFF  }
0xb6: {  	s28 =	simm.s32 $_size_execute0_lowered;
	s4 =	sadd.s32 s4, s6;
	[dreg:$0x0] =	wrdreg $0x0  }
0xb7: {  	s6 =	sshll.u32 s28, $0x1;
	[dreg:$0x2] =	wrdreg s4  }
0xb8: {  	[dreg:$0x3] =	wrdreg s6  }
0xb9: {  	[dreg:$0x4] =	wrdreg $0xC0  }
0xba: {  	_ =	task [dreg:s22], $0x5FFFF  }
0xbb: {  	[dreg:$0x1] =	wrdreg $0xFFFFFFFF  }
0xbc: {  	[dreg:$0x0] =	wrdreg $0x60  }
0xbd: {  	[dreg:$0x2] =	wrdreg s18  }
0xbe: {  	[dreg:$0x3] =	wrdreg s24  }
0xbf: {  	[dreg:$0x4] =	wrdreg $0x11000  }
0xc0: {  	[dreg:$0x5] =	wrdreg $0x149800  }
0xc1: {  	[dreg:$0x6] =	wrdreg $0xA  }
0xc2: {  	_ =	task.clear_ibuf [dreg:s22], $0x7FFFF;
	_ =	strace $0x90000049  }
0xc3: {  	s29 =	simm.s32 $0xA;
	_ =	strace $0x8000004B  }
0xc4: {  	_ =	swait.ge [sflag:s29], $0x1  }
0xc5: {  	[sflag:s29] =	ssyncadd.s32 $0xFFFFFFFF  }
0xc6: {  	_ =	strace $0x9000004B  }
0xc7: {  	_ =	sfence  }
0xc8: {  	s30 =	sld [smem:$0x0];
	_ =	sdelay $0x2  }
0xc9: {  	s31 =	sshll.u32 s1, $0xD;
	s1 =	sshrl.u32 s1, $0x2  }
0xca: {  	s4 =	sand.u32 $0x4000, s31;
	s1 =	sadd.s32 s1, s30  }
0xcb: {  	s0 =	sor.u32 s4, s0;
	s1 =	sshll.u32 s1, $0x11  }
0xcc: {  	s0 =	sor.u32 s1, s0  }
0xcd: {  	s0 =	sadd.s32 $0x8F2B, s0  }
0xce: {  	[sflag:s0] =	ssyncadd.remote.s32 $0x1  }
0xcf: {  	_ =	sfence.sel $0xFFFF  }
0xd0: {  	[dreg:$0x0] =	wrdreg $0xFFFFFFFF;
	(pc) =	sbr.abs _section_cstart, $3  }
0xd1: {  	[dreg:$0x1] =	wrdreg $0xFFFFFFFF  }
0xd2: {  	_ =	task.clear_ibuf [dreg:s22], $0x2FFFF;
	_ =	strace $0x9FFFFFFF  }
0xd3: {  	(tm) =	ssettm $0x7FFFFFFF  }
tec
execute0_lowered:
.L_overlay_start_1:
0x0: {  	(tag) =	ssettag $0x1  }
0x1: {  	s7 =	rddreg [dreg:$0x0]  }
0x2: {  	s6 =	rddreg [dreg:$0x1];
	s0 =	stileid.u32  }
0x3: {  	s2 =	rddreg [dreg:$0x2];
	s16 =	smul.u32 $0x5000, s0  }
0x4: {  	s1 =	srdreg.scid;
	s11 =	smul.u32 $0x4F000, s0  }
0x5: {  	s3 =	rddreg [dreg:$0x3];
	s4 =	simm.s32 $0x0;
	s13 =	smul.u32 $0x2780, s0  }
0x6: {  	s19 =	simm.s32 $0x100;
	s20 =	simm.s32 $0x1;
	s15 =	smul.u32 $0x28000, s0  }
0x7: {  	s5 =	sand.u32 $0x1, s1;
	s1 =	rddreg [dreg:$0x4];
	s22 =	smul.u32 $0x1400, s0  }
0x8: {  	[smem:$0x7FF] =	sst s4;
	p0 =	seq.s32 s0, $0xF;
	s8 =	smul.u32 $0x50000, s5  }
0x9: {  	s31 =	sshll.u32 s0, $0x6;
	s9 =	smul.u32 $0x14000, s5;
	_ =	strace $0x8000004A  }
0xa: {  	s28 =	ssub.s32 $0x2, s5;
	s5 =	sadd.s32 $0x53C00, s6;
	s10 =	sadd.s32 s16, s6  }
0xb: {  	s14 =	sshrl.u32 s28, $0x1;
	s29 =	sshrl.u32 s11, $0x2;
	s30 =	sshrl.u32 s15, $0x2  }
0xc: {  	s11 =	sadd.s32 $0x128400, s2;
	s12 =	sadd.s32 s8, s6;
	s9 =	sadd.s32 s9, s6  }
0xd: {  	s14 =	ssub.s32 s28, s14;
	s17 =	sadd.s32 s29, s2;
	s6 =	sadd.s32 s7, s13  }
0xe: {  	s7 =	sadd.s32 $0x25080, s7;
	s15 =	sadd.s32 s30, s3;
	s8 =	sadd.s32 $0xA6400, s10  }
0xf: {  	s10 =	sshrl.u32 @p0 s11, $0x3;
	s11 =	sshll.u32 @!p0 s0, $0x6;
	s13 =	sor.u32 $0x1C02, s31  }
0x10: {  	s18 =	sadd.s32 $0xF6400, s12;
	s21 =	sadd.s32 $0x196400, s9;
	s9 =	smax.u32 s14, $0x1  }
0x11: {  	s11 =	sor.u32 @!p0 $0x1C02, s11;
	s12 =	sshrl.u32 @!p0 s17, $0x3;
	s14 =	sshrl.u32 s15, $0x3  }
0x12: {  	s15 =	simm.s32 $0x2;
	s17 =	simm.s32 $0x80;
	s16 =	sadd.s32 s16, s18  }
0x13: {  	s18 =	simm.s32 $0x20;
	s21 =	sadd.s32 s22, s21;
	s22 =	simm.s32 $0x0  }
.LBB2_1:
0x14: {  	s23 =	simm.s32 @p0 $0x1FC2  }
0x15: {  	[spmem:s10], [sflag:s23] =	dma.local @p0 [hbm:s7], $0x2080  }
0x16: {  	s23 =	simm.s32 @p0 $0x2  }
0x17: {  	_ =	swait.ge @p0 [sflag:s23], $0x2080  }
0x18: {  	[sflag:s23] =	ssyncset.done @p0 $0x0  }
0x19: {  	[sflag:s23] =	ssyncadd.s32 @p0 $0xFFFFDF80;
	s23 =	simm.s32 @!p0 $0x2  }
0x1a: {  	[spmem:s12], [sflag:s11] =	dma.local @!p0 [hbm:s6], $0x2780  }
0x1b: {  	_ =	swait.ge @!p0 [sflag:s23], $0x2780  }
0x1c: {  	[sflag:s23] =	ssyncset.done @!p0 $0x0  }
0x1d: {  	[sflag:s23] =	ssyncadd.s32 @!p0 $0xFFFFD880  }
0x1e: {  	[spmem:s14], [sflag:s13] =	dma.local [hbm:s5], $0x1400  }
0x1f: {  	_ =	swait.ge [sflag:s15], $0x1400  }
0x20: {  	[sflag:s15] =	ssyncset.done $0x0  }
0x21: {  	[sflag:s15] =	ssyncadd.s32 $0xFFFFEC00  }
0x22: {  	s30 =	sadd.s32 $0x0, s8;
	[bflag:$0x0] =	sbarrier.arrive $0xFFFF  }
0x23: {  	[tilespmem:s4], [sflag:$0x2] =	stream.linear.gather [hbm4b:s30+s4], $0x80, $0x38;
	[tilespmem:$0x1E980] =	vst v63  }
0x24: {  	_ =	swait.ge [sflag:s15], $0x80  }
0x25: {  	[sflag:s15] =	ssyncset.done $0x0  }
0x26: {  	s31 =	sadd.s32 $0x0, s16;
	[sflag:s15] =	ssyncadd.s32 $0xFFFFFF80  }
0x27: {  	[tilespmem:s17], [sflag:$0x2] =	stream.linear.gather [hbm4b:s31+s4], $0x80, $0x38;
	[tilespmem:$0x1E980] =	vst v63  }
0x28: {  	_ =	swait.ge [sflag:s15], $0x80  }
0x29: {  	[sflag:s15] =	ssyncset.done $0x0  }
0x2a: {  	[sflag:s15] =	ssyncadd.s32 $0xFFFFFF80  }
0x2b: {  	[tilespmem:s19], [sflag:$0x1] =	stream.indirect.gather [spmem:s2], $0x80, s4, s18, $0xb8;
	[tilespmem:$0x1E980] =	vst v63  }
0x2c: {  	_ =	swait.ge [sflag:s20], $0x1000  }
0x2d: {  	[sflag:s20] =	ssyncset.done $0x0  }
0x2e: {  	[sflag:s20] =	ssyncadd.s32 $0xFFFFF000  }
0x2f: {  	[spmem:s3] =	stream.indirect.scatter.add.f32 [tilespmem:s19], [sflag:$0x2], $0x80, s17, s18, $0xb8;
	[tilespmem:$0x1E980] =	vst v63  }
0x30: {  	_ =	swait.ge [sflag:s15], $0x1000  }
0x31: {  	s24 =	simm.s32 $0x20;
	s23 =	simm.s32 $0x10;
	[sflag:s15] =	ssyncset.done $0x0  }
.LBB2_2:
0x32: {  	s25 =	sadd.s32 s23, s8  }
0x33: {  	[sflag:s15] =	ssyncadd.s32 $0xFFFFF000;
	s26 =	smov.u32 s24;
	s28 =	sadd.s32 $0x10, s24  }
0x34: {  	[tilespmem:s4], [sflag:$0x2] =	stream.linear.gather [hbm4b:s25+s4], $0x80, $0x38;
	[tilespmem:$0x1E980] =	vst v63  }
0x35: {  	p1 =	sne.s32 s24, $0x4FF0;
	_ =	swait.ge [sflag:s15], $0x80  }
0x36: {  	[sflag:s15] =	ssyncset.done $0x0  }
0x37: {  	s24 =	sadd.s32 s23, s16;
	s23 =	smov.u32 s26;
	[sflag:s15] =	ssyncadd.s32 $0xFFFFFF80  }
0x38: {  	[tilespmem:s17], [sflag:$0x2] =	stream.linear.gather [hbm4b:s24+s4], $0x80, $0x38;
	[tilespmem:$0x1E980] =	vst v63  }
0x39: {  	_ =	swait.ge [sflag:s15], $0x80  }
0x3a: {  	[sflag:s15] =	ssyncset.done $0x0  }
0x3b: {  	[sflag:s15] =	ssyncadd.s32 $0xFFFFFF80  }
0x3c: {  	[tilespmem:s19], [sflag:$0x1] =	stream.indirect.gather [spmem:s2], $0x80, s4, s18, $0xb8;
	[tilespmem:$0x1E980] =	vst v63  }
0x3d: {  	_ =	swait.ge [sflag:s20], $0x1000  }
.Ltmp0:
0x3e: {  	[sflag:s20] =	ssyncset.done $0x0;
	(pc) =	sbr.rel @p1 .LBB2_2-.Ltmp0, $4  }
0x3f: {  	[sflag:s20] =	ssyncadd.s32 $0xFFFFF000  }
0x40: {  	[spmem:s3] =	stream.indirect.scatter.add.f32 [tilespmem:s19], [sflag:$0x2], $0x80, s17, s18, $0xb8;
	[tilespmem:$0x1E980] =	vst v63  }
0x41: {  	_ =	swait.ge [sflag:s15], $0x1000  }
0x42: {  	s24 =	smov.u32 s28;
	[sflag:s15] =	ssyncset.done $0x0  }
0x43: {  	s24 =	sadd.s32 s23, s8;
	[sflag:s15] =	ssyncadd.s32 $0xFFFFF000  }
0x44: {  	[tilespmem:s4], [sflag:$0x2] =	stream.linear.gather [hbm4b:s24+s4], $0x80, $0x38;
	[tilespmem:$0x1E980] =	vst v63  }
0x45: {  	_ =	swait.ge [sflag:s15], $0x80  }
0x46: {  	[sflag:s15] =	ssyncset.done $0x0  }
0x47: {  	s31 =	sadd.s32 s23, s16;
	[sflag:s15] =	ssyncadd.s32 $0xFFFFFF80  }
0x48: {  	[tilespmem:s17], [sflag:$0x2] =	stream.linear.gather [hbm4b:s31+s4], $0x80, $0x38;
	[tilespmem:$0x1E980] =	vst v63  }
0x49: {  	_ =	swait.ge [sflag:s15], $0x80  }
0x4a: {  	[sflag:s15] =	ssyncset.done $0x0  }
0x4b: {  	[sflag:s15] =	ssyncadd.s32 $0xFFFFFF80  }
0x4c: {  	[tilespmem:s19], [sflag:$0x1] =	stream.indirect.gather [spmem:s2], $0x80, s4, s18, $0xb8;
	[tilespmem:$0x1E980] =	vst v63  }
0x4d: {  	_ =	swait.ge [sflag:s20], $0x1000  }
0x4e: {  	[sflag:s20] =	ssyncset.done $0x0  }
0x4f: {  	[sflag:s20] =	ssyncadd.s32 $0xFFFFF000  }
0x50: {  	[spmem:s3] =	stream.indirect.scatter.add.f32 [tilespmem:s19], [sflag:$0x2], $0x80, s17, s18, $0xb8;
	[tilespmem:$0x1E980] =	vst v63  }
0x51: {  	_ =	swait.ge [sflag:s15], $0x1000  }
0x52: {  	s22 =	sadd.s32 $0x1, s22;
	[sflag:s15] =	ssyncset.done $0x0  }
0x53: {  	p1 =	sne.s32 s22, s9;
	[sflag:s15] =	ssyncadd.s32 $0xFFFFF000  }
.Ltmp1:
0x54: {  	[bflag:$0x0] =	sbarrier.arrive $0xFFFF;
	(pc) =	sbr.rel @p1 .LBB2_1-.Ltmp1, $4  }
0x55: {  	[hbm:s21], [sflag:s13] =	dma.local [spmem:s14], $0x1400  }
0x56: {  	_ =	swait.ge [sflag:s15], $0x1400  }
0x57: {  	[sflag:s15] =	ssyncset.done $0x0  }
0x58: {  	[sflag:s15] =	ssyncadd.s32 $0xFFFFEC00  }
0x59: {  	_ =	sfence.sel $0x180000  }
0x5a: {  	[bflag:$0x0] =	sbarrier.arrive $0xFFFF  }
0x5b: {  	p0 =	sne.s32 s0, $0x0;
	_ =	strace $0x9000004A  }
0x5c: {  	s0 =	sadd.s32 @!p0 $0x100000, s1;
	[bflag:$0x2] =	sbarrier.arrive $0xFFFF  }
0x5d: {  	[sflag:s0] =	ssyncadd.tile.s32 @!p0 $0x1;
	_ =	shalt  }
.Lfunc_end2:
_tile_overlayer_lowered:
.L_overlay_start_2:
0x5e: {  	(tag) =	ssettag $0x2  }
0x5f: {  	s0 =	rddreg [dreg:$0x0];
	s2 =	stileid.u32  }
0x60: {  	s1 =	rddreg [dreg:$0x1];
	p0 =	sne.s32 s2, $0x0  }
0x61: {  	s3 =	rddreg [dreg:$0x2];
	[bflag:$0x3] =	sbarrier.arrive $0xFFFF;
	s2 =	simm.s32 @!p0 $0x1C02  }
0x62: {  	[timem:s3], [sflag:s2] =	dma.local @!p0 [hbm:s0], s1  }
0x63: {  	s0 =	simm.s32 @!p0 $0x2  }
0x64: {  	_ =	swait.ge @!p0 [sflag:s0], s1  }
0x65: {  	s1 =	ssub.s32 @!p0 $0x0, s1;
	[sflag:s0] =	ssyncset.done @!p0 $0x0  }
0x66: {  	[sflag:s0] =	ssyncadd.s32 @!p0 s1  }
0x67: {  	[bflag:$0x3] =	sbarrier.arrive $0xFFFF  }
0x68: {  	_ =	shalt  }

// kernel: kernel.17.cloned.1.call-start
scs
__scs_entry_jumppad:
0x0: {  	(pc) =	sbr.rel $0x88, $3  }
0x1: {  	(tag) =	ssettag $0x0;
	lr =	simm.s32 $0x1  }
0x2: {  	[smem:$0x3F99] =	sst lr;
	_ =	strace $0xD0000000  }
0x3: {  	_ = 	snop  }
0x4: {  	_ = 	snop  }
0x5: {  	_ = 	snop  }
0x6: {  	_ = 	snop  }
0x7: {  	_ = 	snop  }
__scs_overlays_trampoline_lowered:
0x8: {  	[smem:$0x3FA8] =	sst s0  }
0x9: {  	[smem:$0x3FA9] =	sst s1  }
0xa: {  	[smem:$0x3FAA] =	sst s2  }
0xb: {  	[smem:$0x3FAB] =	sst s3  }
0xc: {  	[smem:$0x3FAC] =	sst s4  }
0xd: {  	[smem:$0x3FAD] =	sst s5  }
0xe: {  	[smem:$0x3FAE] =	sst s6  }
0xf: {  	[smem:$0x3FAF] =	sst s7  }
0x10: {  	[smem:$0x3FB0] =	sst s8  }
0x11: {  	[smem:$0x3FB1] =	sst s9;
	s0 =	simm.s32 @!p0 $0x0  }
0x12: {  	s1 =	sld [smem:$0x3F97];
	s0 =	simm.s32 @p0 $0x1  }
0x13: {  	[smem:$0x3FB2] =	sst s0;
	s0 =	simm.s32 @!p1 $0x0  }
0x14: {  	s2 =	sld [smem:$0x3F96];
	s0 =	simm.s32 @p1 $0x1  }
0x15: {  	[smem:$0x3FB3] =	sst s0;
	s0 =	simm.s32 @!p2 $0x0  }
0x16: {  	s3 =	sld [smem:$0x3FDB];
	s0 =	simm.s32 @p2 $0x1  }
0x17: {  	s4 =	simm.s32 $0x1BF5;
	[smem:$0x3FB5] =	sst s0  }
0x18: {  	s0 =	sld [smem:$0x3F98];
	_ =	swait.ge [sflag:s4], $0x0  }
0x19: {  	s7 =	sld [smem:$0x3F99]  }
0x1a: {  	s8 =	sadd.s32 $0xFFFFE003, lr  }
0x1b: {  	s9 =	sadd.s32 $0xFFFFFEF7, lr;
	s5 =	simm.s32 $0xFFFFFFFF;
	p2 =	slt.u32 s8, $0xFFFFF086  }
0x1c: {  	p1 =	slt.u32 s9, $0xF7A;
	s5 =	simm.s32 @!p2 $0x0  }
0x1d: {  	s5 =	simm.s32 @p1 $0x1;
	p0 =	seq.s32 s7, s2  }
0x1e: {  	s7 =	smul.u32 @!p0 $0xF7A, s2;
	p2 =	seq.s32 @!p0 s5, $0x0  }
0x1f: {  	s9 =	smul.u32 $0xF7A, s1;
	s8 =	simm.s32 @!p0 $0x1BF5;
	p2 =	por !p2, p0  }
0x20: {  	[sflag:s8] =	ssyncset.s32 @!p0 $0xFFFFF086;
	s6 =	sadd.s32 @!p0 s3, s7;
	s7 =	simm.s32 @!p0 $0x108  }
0x21: {  	s3 =	sadd.s32 s3, s9;
	s6 =	sadd.s32 @!p0 $0x88, s6;
	s7 =	simm.s32 @p2 $0x1082  }
0x22: {  	[simem:s7], [sflag:s8] =	dma.local @!p0 [hbm:s6], $0xF7A  }
0x23: {  	s9 =	sor.u32 $0xD0000000, s2;
	s6 =	simm.s32 $0x108;
	_ =	swait.ge @!p0 [sflag:s8], $0x0  }
0x24: {  	s3 =	sadd.s32 $0x88, s3;
	s6 =	simm.s32 @!p1 $0x1082;
	[sflag:s4] =	ssyncset.s32 $0xFFFFF086  }
0x25: {  	[simem:s6], [sflag:s4] =	dma.local [hbm:s3], $0xF7A  }
0x26: {  	[smem:$0x3F99] =	sst s1;
	(tag) =	ssettag s2;
	_ =	strace s9  }
0x27: {  	s1 =	sld [smem:$0x3FA9]  }
0x28: {  	s2 =	sld [smem:$0x3FAA]  }
0x29: {  	s4 =	sld [smem:$0x3FAC]  }
0x2a: {  	p0 =	seq.s32 s5, $0x0;
	s5 =	sld [smem:$0x3FAD]  }
0x2b: {  	s6 =	sld [smem:$0x3FAE]  }
0x2c: {  	s7 =	sld [smem:$0x3FAF]  }
0x2d: {  	s3 =	simm.s32 $0x108;
	s8 =	sld [smem:$0x3FB0]  }
0x2e: {  	s3 =	simm.s32 @!p0 $0x1082;
	s9 =	sld [smem:$0x3FB1]  }
0x2f: {  	lr =	sadd.s32 s0, s3;
	s0 =	sld [smem:$0x3FA8]  }
0x30: {  	s3 =	sld [smem:$0x3FAB]  }
0x31: {  	[smem:$0x3FB4] =	sst s10  }
0x32: {  	s10 =	sld [smem:$0x3FB2];
	_ =	sdelay $0x3  }
0x33: {  	p0 =	seq.s32 s10, $0x1;
	s10 =	sld [smem:$0x3FB4];
	_ =	sdelay $0x3  }
0x34: {  	[smem:$0x3FB4] =	sst s10  }
0x35: {  	s10 =	sld [smem:$0x3FB3];
	_ =	sdelay $0x3  }
0x36: {  	p1 =	seq.s32 s10, $0x1;
	s10 =	sld [smem:$0x3FB4];
	_ =	sdelay $0x3  }
0x37: {  	[smem:$0x3FB4] =	sst s10  }
0x38: {  	s10 =	sld [smem:$0x3FB5]  }
0x39: {  	_ = 	snop;
	(pc) =	sbr.ind lr, $3  }
0x3a: {  	_ = 	snop  }
0x3b: {  	_ = 	snop  }
0x3c: {  	p2 =	seq.s32 s10, $0x1;
	s10 =	sld [smem:$0x3FB4]  }
0x3d: {  	_ =	shalt  }
0x3e: {  	_ =	shalt  }
0x3f: {  	_ =	shalt  }
0x40: {  	_ =	shalt  }
0x41: {  	_ =	shalt  }
0x42: {  	_ =	shalt  }
0x43: {  	_ =	shalt  }
0x44: {  	_ =	shalt  }
0x45: {  	_ =	shalt  }
0x46: {  	_ =	shalt  }
0x47: {  	_ =	shalt  }
0x48: {  	_ =	shalt  }
0x49: {  	_ =	shalt  }
0x4a: {  	_ =	shalt  }
0x4b: {  	_ =	shalt  }
0x4c: {  	_ =	shalt  }
0x4d: {  	_ =	shalt  }
0x4e: {  	_ =	shalt  }
0x4f: {  	_ =	shalt  }
0x50: {  	_ =	shalt  }
0x51: {  	_ =	shalt  }
0x52: {  	_ =	shalt  }
0x53: {  	_ =	shalt  }
0x54: {  	_ =	shalt  }
0x55: {  	_ =	shalt  }
0x56: {  	_ =	shalt  }
0x57: {  	_ =	shalt  }
0x58: {  	_ =	shalt  }
0x59: {  	_ =	shalt  }
0x5a: {  	_ =	shalt  }
0x5b: {  	_ =	shalt  }
0x5c: {  	_ =	shalt  }
0x5d: {  	_ =	shalt  }
0x5e: {  	_ =	shalt  }
0x5f: {  	_ =	shalt  }
0x60: {  	_ =	shalt  }
0x61: {  	_ =	shalt  }
0x62: {  	_ =	shalt  }
0x63: {  	_ =	shalt  }
0x64: {  	_ =	shalt  }
0x65: {  	_ =	shalt  }
0x66: {  	_ =	shalt  }
0x67: {  	_ =	shalt  }
0x68: {  	_ =	shalt  }
0x69: {  	_ =	shalt  }
0x6a: {  	_ =	shalt  }
0x6b: {  	_ =	shalt  }
0x6c: {  	_ =	shalt  }
0x6d: {  	_ =	shalt  }
0x6e: {  	_ =	shalt  }
0x6f: {  	_ =	shalt  }
0x70: {  	_ =	shalt  }
0x71: {  	_ =	shalt  }
0x72: {  	_ =	shalt  }
0x73: {  	_ =	shalt  }
0x74: {  	_ =	shalt  }
0x75: {  	_ =	shalt  }
0x76: {  	_ =	shalt  }
0x77: {  	_ =	shalt  }
0x78: {  	_ =	shalt  }
0x79: {  	_ =	shalt  }
0x7a: {  	_ =	shalt  }
0x7b: {  	_ =	shalt  }
0x7c: {  	_ =	shalt  }
0x7d: {  	_ =	shalt  }
0x7e: {  	_ =	shalt  }
0x7f: {  	_ =	shalt  }
0x80: {  	_ =	shalt  }
0x81: {  	_ =	shalt  }
0x82: {  	_ =	shalt  }
0x83: {  	_ =	shalt  }
0x84: {  	_ =	shalt  }
0x85: {  	_ =	shalt  }
0x86: {  	_ =	shalt  }
0x87: {  	_ =	shalt  }
.Lfunc_end0:
.L_simem_size_0:
called_computation.2_lowered:
.L_overlay_start_0:
0x88: {  	s2 =	sld [smem:$0x3FD9]  }
0x89: {  	s3 =	sld [smem:$0x3FFE];
	_ =	sdelay $0x1  }
0x8a: {  	s1 =	srdreg.scid  }
0x8b: {  	s0 =	sand.u32 $0x1, s1  }
0x8c: {  	s14 =	sshll.u32 s0, $0xA;
	s2 =	sadd.s32 s3, s2  }
0x8d: {  	s2 =	sadd.s32 s2, s14  }
0x8e: {  	[smem:$0x3FC0] =	sst s2  }
0x8f: {  	_ = 	snop  }
0x90: {  	s2 =	sld [smem:$0x3FD0];
	_ =	sdelay $0x2  }
0x91: {  	s15 =	simm.s32 $0xB;
	s4 =	simm.s32 $0x10  }
0x92: {  	[smem:s4], [sflag:s15] =	dma.local [hbm:s2], $0x1  }
0x93: {  	_ =	swait.eq [sflag:s15], $0x1  }
0x94: {  	[sflag:s15] =	ssyncset.done $0x0  }
0x95: {  	[sflag:s15] =	ssyncadd.s32 $0xFFFFFFFF  }
0x96: {  	s16 =	sld [smem:$0x11];
	(tm) =	ssettm $0x1  }
0x97: {  	s17 =	sld [smem:$0x3FFB];
	_ =	sdelay $0x3  }
0x98: {  	_ =	strace s17  }
0x99: {  	s3 =	sld [smem:$0x3FFC];
	_ =	sdelay $0x3  }
0x9a: {  	_ =	strace s3  }
0x9b: {  	s3 =	sld [smem:$0x3FFD];
	_ =	sdelay $0x3  }
0x9c: {  	_ =	strace s3  }
0x9d: {  	_ =	strace $0x8FFFFFFF  }
0x9e: {  	s18 =	sld [smem:$0x3FDB];
	_ =	sdelay $0x1  }
0x9f: {  	s19 =	simm.s32 $_scs_section_size  }
0xa0: {  	s5 =	simm.s32 $_size__tile_overlayer_lowered;
	s6 =	simm.s32 $_tile_overlayer_lowered  }
0xa1: {  	s22 =	simm.s32 $0x1BFF;
	s21 =	sshll.u32 s6, $0x1;
	s3 =	sadd.s32 s19, s18  }
0xa2: {  	s7 =	simm.s32 $0x0;
	s20 =	sshll.u32 s5, $0x1;
	s5 =	sadd.s32 s21, s3  }
0xa3: {  	[timem:s7], [sflag:s22] =	dma.local [hbm:s5], s20  }
0xa4: {  	_ =	swait.ge [sflag:s22], s20  }
0xa5: {  	s4 =	ssub.s32 $0x0, s20;
	[sflag:s22] =	ssyncset.done $0x0  }
0xa6: {  	[sflag:s22] =	ssyncadd.s32 s4;
	_ =	sdelay $0x1  }
0xa7: {  	s23 =	simm.s32 $0x1B8B  }
0xa8: {  	_ =	swait.ge [sflag:s23], $0x1  }
0xa9: {  	[sflag:s23] =	ssyncset.done $0x0  }
0xaa: {  	s25 =	simm.s32 $0x1B8E;
	s24 =	sld [smem:$0x3FFE];
	[sflag:s23] =	ssyncadd.s32 $0xFFFFFFFF  }
0xab: {  	s26 =	simm.s32 $execute0_lowered;
	[smem:$0x3FD2] =	sst s25  }
0xac: {  	s5 =	sshll.u32 s26, $0x1;
	_ =	strace $0x8000004C;
	[dreg:$0x1] =	wrdreg $0xFFFFFFFF  }
0xad: {  	s28 =	simm.s32 $_size_execute0_lowered;
	s3 =	sadd.s32 s3, s5;
	[dreg:$0x0] =	wrdreg $0x0  }
0xae: {  	s5 =	sshll.u32 s28, $0x1;
	[dreg:$0x2] =	wrdreg s3  }
0xaf: {  	[dreg:$0x3] =	wrdreg s5  }
0xb0: {  	[dreg:$0x4] =	wrdreg $0xC0  }
0xb1: {  	_ =	task [dreg:s7], $0x5FFFF  }
0xb2: {  	[dreg:$0x1] =	wrdreg $0xFFFFFFFF  }
0xb3: {  	[dreg:$0x0] =	wrdreg $0x60  }
0xb4: {  	[dreg:$0x2] =	wrdreg s16  }
0xb5: {  	[dreg:$0x3] =	wrdreg s24  }
0xb6: {  	[dreg:$0x4] =	wrdreg $0x11000  }
0xb7: {  	[dreg:$0x5] =	wrdreg $0x149800  }
0xb8: {  	[dreg:$0x6] =	wrdreg $0x9  }
0xb9: {  	_ =	task.clear_ibuf [dreg:s7], $0x7FFFF;
	_ =	strace $0x9000004C  }
0xba: {  	s29 =	simm.s32 $0x9;
	_ =	strace $0x8000004E  }
0xbb: {  	_ =	swait.ge [sflag:s29], $0x1  }
0xbc: {  	[sflag:s29] =	ssyncadd.s32 $0xFFFFFFFF  }
0xbd: {  	_ =	strace $0x9000004E  }
0xbe: {  	_ =	sfence  }
0xbf: {  	s30 =	sld [smem:$0x0];
	_ =	sdelay $0x2  }
0xc0: {  	s31 =	sshll.u32 s1, $0xD;
	s1 =	sshrl.u32 s1, $0x2  }
0xc1: {  	s3 =	sand.u32 $0x4000, s31;
	s1 =	sadd.s32 s1, s30  }
0xc2: {  	s0 =	sor.u32 s3, s0;
	s1 =	sshll.u32 s1, $0x11  }
0xc3: {  	s0 =	sor.u32 s1, s0  }
0xc4: {  	s0 =	sadd.s32 $0x8F2B, s0  }
0xc5: {  	[sflag:s0] =	ssyncadd.remote.s32 $0x1  }
0xc6: {  	_ =	sfence.sel $0xFFFF  }
0xc7: {  	[dreg:$0x0] =	wrdreg $0xFFFFFFFF;
	(pc) =	sbr.abs _section_cstart, $3  }
0xc8: {  	[dreg:$0x1] =	wrdreg $0xFFFFFFFF  }
0xc9: {  	_ =	task.clear_ibuf [dreg:s7], $0x2FFFF;
	_ =	strace $0x9FFFFFFF  }
0xca: {  	(tm) =	ssettm $0x7FFFFFFF  }
0xcb: {  	_ =	shalt  }
tec
execute0_lowered:
.L_overlay_start_1:
0x0: {  	(tag) =	ssettag $0x1  }
0x1: {  	s7 =	rddreg [dreg:$0x0]  }
0x2: {  	s6 =	rddreg [dreg:$0x1];
	s0 =	stileid.u32  }
0x3: {  	s2 =	rddreg [dreg:$0x2];
	s16 =	smul.u32 $0x5000, s0  }
0x4: {  	s1 =	srdreg.scid;
	s11 =	smul.u32 $0x4F000, s0  }
0x5: {  	s3 =	rddreg [dreg:$0x3];
	s4 =	simm.s32 $0x0;
	s13 =	smul.u32 $0x2780, s0  }
0x6: {  	s19 =	simm.s32 $0x100;
	s20 =	simm.s32 $0x1;
	s15 =	smul.u32 $0x28000, s0  }
0x7: {  	s5 =	sand.u32 $0x1, s1;
	s1 =	rddreg [dreg:$0x4];
	s22 =	smul.u32 $0x1400, s0  }
0x8: {  	[smem:$0x7FF] =	sst s4;
	p0 =	seq.s32 s0, $0xF;
	s8 =	smul.u32 $0x50000, s5  }
0x9: {  	s31 =	sshll.u32 s0, $0x6;
	s9 =	smul.u32 $0x14000, s5;
	_ =	strace $0x8000004D  }
0xa: {  	s28 =	ssub.s32 $0x2, s5;
	s5 =	sadd.s32 $0x53C00, s6;
	s10 =	sadd.s32 s16, s6  }
0xb: {  	s14 =	sshrl.u32 s28, $0x1;
	s29 =	sshrl.u32 s11, $0x2;
	s30 =	sshrl.u32 s15, $0x2  }
0xc: {  	s11 =	sadd.s32 $0x128400, s2;
	s12 =	sadd.s32 s8, s6;
	s9 =	sadd.s32 s9, s6  }
0xd: {  	s14 =	ssub.s32 s28, s14;
	s17 =	sadd.s32 s29, s2;
	s6 =	sadd.s32 s7, s13  }
0xe: {  	s7 =	sadd.s32 $0x25080, s7;
	s15 =	sadd.s32 s30, s3;
	s8 =	sadd.s32 $0xA6400, s10  }
0xf: {  	s10 =	sshrl.u32 @p0 s11, $0x3;
	s11 =	sshll.u32 @!p0 s0, $0x6;
	s13 =	sor.u32 $0x1C02, s31  }
0x10: {  	s18 =	sadd.s32 $0xF6400, s12;
	s21 =	sadd.s32 $0x3C00, s9;
	s9 =	smax.u32 s14, $0x1  }
0x11: {  	s11 =	sor.u32 @!p0 $0x1C02, s11;
	s12 =	sshrl.u32 @!p0 s17, $0x3;
	s14 =	sshrl.u32 s15, $0x3  }
0x12: {  	s15 =	simm.s32 $0x2;
	s17 =	simm.s32 $0x80;
	s16 =	sadd.s32 s16, s18  }
0x13: {  	s18 =	simm.s32 $0x20;
	s21 =	sadd.s32 s22, s21;
	s22 =	simm.s32 $0x0  }
.LBB2_1:
0x14: {  	s23 =	simm.s32 @p0 $0x1FC2  }
0x15: {  	[spmem:s10], [sflag:s23] =	dma.local @p0 [hbm:s7], $0x2080  }
0x16: {  	s23 =	simm.s32 @p0 $0x2  }
0x17: {  	_ =	swait.ge @p0 [sflag:s23], $0x2080  }
0x18: {  	[sflag:s23] =	ssyncset.done @p0 $0x0  }
0x19: {  	[sflag:s23] =	ssyncadd.s32 @p0 $0xFFFFDF80;
	s23 =	simm.s32 @!p0 $0x2  }
0x1a: {  	[spmem:s12], [sflag:s11] =	dma.local @!p0 [hbm:s6], $0x2780  }
0x1b: {  	_ =	swait.ge @!p0 [sflag:s23], $0x2780  }
0x1c: {  	[sflag:s23] =	ssyncset.done @!p0 $0x0  }
0x1d: {  	[sflag:s23] =	ssyncadd.s32 @!p0 $0xFFFFD880  }
0x1e: {  	[spmem:s14], [sflag:s13] =	dma.local [hbm:s5], $0x1400  }
0x1f: {  	_ =	swait.ge [sflag:s15], $0x1400  }
0x20: {  	[sflag:s15] =	ssyncset.done $0x0  }
0x21: {  	[sflag:s15] =	ssyncadd.s32 $0xFFFFEC00  }
0x22: {  	s30 =	sadd.s32 $0x0, s8;
	[bflag:$0x0] =	sbarrier.arrive $0xFFFF  }
0x23: {  	[tilespmem:s4], [sflag:$0x2] =	stream.linear.gather [hbm4b:s30+s4], $0x80, $0x38;
	[tilespmem:$0x1E980] =	vst v63  }
0x24: {  	_ =	swait.ge [sflag:s15], $0x80  }
0x25: {  	[sflag:s15] =	ssyncset.done $0x0  }
0x26: {  	s31 =	sadd.s32 $0x0, s16;
	[sflag:s15] =	ssyncadd.s32 $0xFFFFFF80  }
0x27: {  	[tilespmem:s17], [sflag:$0x2] =	stream.linear.gather [hbm4b:s31+s4], $0x80, $0x38;
	[tilespmem:$0x1E980] =	vst v63  }
0x28: {  	_ =	swait.ge [sflag:s15], $0x80  }
0x29: {  	[sflag:s15] =	ssyncset.done $0x0  }
0x2a: {  	[sflag:s15] =	ssyncadd.s32 $0xFFFFFF80  }
0x2b: {  	[tilespmem:s19], [sflag:$0x1] =	stream.indirect.gather [spmem:s2], $0x80, s4, s18, $0xb8;
	[tilespmem:$0x1E980] =	vst v63  }
0x2c: {  	_ =	swait.ge [sflag:s20], $0x1000  }
0x2d: {  	[sflag:s20] =	ssyncset.done $0x0  }
0x2e: {  	[sflag:s20] =	ssyncadd.s32 $0xFFFFF000  }
0x2f: {  	[spmem:s3] =	stream.indirect.scatter.add.f32 [tilespmem:s19], [sflag:$0x2], $0x80, s17, s18, $0xb8;
	[tilespmem:$0x1E980] =	vst v63  }
0x30: {  	_ =	swait.ge [sflag:s15], $0x1000  }
0x31: {  	s24 =	simm.s32 $0x20;
	s23 =	simm.s32 $0x10;
	[sflag:s15] =	ssyncset.done $0x0  }
.LBB2_2:
0x32: {  	s25 =	sadd.s32 s23, s8  }
0x33: {  	[sflag:s15] =	ssyncadd.s32 $0xFFFFF000;
	s26 =	smov.u32 s24;
	s28 =	sadd.s32 $0x10, s24  }
0x34: {  	[tilespmem:s4], [sflag:$0x2] =	stream.linear.gather [hbm4b:s25+s4], $0x80, $0x38;
	[tilespmem:$0x1E980] =	vst v63  }
0x35: {  	p1 =	sne.s32 s24, $0x4FF0;
	_ =	swait.ge [sflag:s15], $0x80  }
0x36: {  	[sflag:s15] =	ssyncset.done $0x0  }
0x37: {  	s24 =	sadd.s32 s23, s16;
	s23 =	smov.u32 s26;
	[sflag:s15] =	ssyncadd.s32 $0xFFFFFF80  }
0x38: {  	[tilespmem:s17], [sflag:$0x2] =	stream.linear.gather [hbm4b:s24+s4], $0x80, $0x38;
	[tilespmem:$0x1E980] =	vst v63  }
0x39: {  	_ =	swait.ge [sflag:s15], $0x80  }
0x3a: {  	[sflag:s15] =	ssyncset.done $0x0  }
0x3b: {  	[sflag:s15] =	ssyncadd.s32 $0xFFFFFF80  }
0x3c: {  	[tilespmem:s19], [sflag:$0x1] =	stream.indirect.gather [spmem:s2], $0x80, s4, s18, $0xb8;
	[tilespmem:$0x1E980] =	vst v63  }
0x3d: {  	_ =	swait.ge [sflag:s20], $0x1000  }
.Ltmp0:
0x3e: {  	[sflag:s20] =	ssyncset.done $0x0;
	(pc) =	sbr.rel @p1 .LBB2_2-.Ltmp0, $4  }
0x3f: {  	[sflag:s20] =	ssyncadd.s32 $0xFFFFF000  }
0x40: {  	[spmem:s3] =	stream.indirect.scatter.add.f32 [tilespmem:s19], [sflag:$0x2], $0x80, s17, s18, $0xb8;
	[tilespmem:$0x1E980] =	vst v63  }
0x41: {  	_ =	swait.ge [sflag:s15], $0x1000  }
0x42: {  	s24 =	smov.u32 s28;
	[sflag:s15] =	ssyncset.done $0x0  }
0x43: {  	s24 =	sadd.s32 s23, s8;
	[sflag:s15] =	ssyncadd.s32 $0xFFFFF000  }
0x44: {  	[tilespmem:s4], [sflag:$0x2] =	stream.linear.gather [hbm4b:s24+s4], $0x80, $0x38;
	[tilespmem:$0x1E980] =	vst v63  }
0x45: {  	_ =	swait.ge [sflag:s15], $0x80  }
0x46: {  	[sflag:s15] =	ssyncset.done $0x0  }
0x47: {  	s31 =	sadd.s32 s23, s16;
	[sflag:s15] =	ssyncadd.s32 $0xFFFFFF80  }
0x48: {  	[tilespmem:s17], [sflag:$0x2] =	stream.linear.gather [hbm4b:s31+s4], $0x80, $0x38;
	[tilespmem:$0x1E980] =	vst v63  }
0x49: {  	_ =	swait.ge [sflag:s15], $0x80  }
0x4a: {  	[sflag:s15] =	ssyncset.done $0x0  }
0x4b: {  	[sflag:s15] =	ssyncadd.s32 $0xFFFFFF80  }
0x4c: {  	[tilespmem:s19], [sflag:$0x1] =	stream.indirect.gather [spmem:s2], $0x80, s4, s18, $0xb8;
	[tilespmem:$0x1E980] =	vst v63  }
0x4d: {  	_ =	swait.ge [sflag:s20], $0x1000  }
0x4e: {  	[sflag:s20] =	ssyncset.done $0x0  }
0x4f: {  	[sflag:s20] =	ssyncadd.s32 $0xFFFFF000  }
0x50: {  	[spmem:s3] =	stream.indirect.scatter.add.f32 [tilespmem:s19], [sflag:$0x2], $0x80, s17, s18, $0xb8;
	[tilespmem:$0x1E980] =	vst v63  }
0x51: {  	_ =	swait.ge [sflag:s15], $0x1000  }
0x52: {  	s22 =	sadd.s32 $0x1, s22;
	[sflag:s15] =	ssyncset.done $0x0  }
0x53: {  	p1 =	sne.s32 s22, s9;
	[sflag:s15] =	ssyncadd.s32 $0xFFFFF000  }
.Ltmp1:
0x54: {  	[bflag:$0x0] =	sbarrier.arrive $0xFFFF;
	(pc) =	sbr.rel @p1 .LBB2_1-.Ltmp1, $4  }
0x55: {  	[hbm:s21], [sflag:s13] =	dma.local [spmem:s14], $0x1400  }
0x56: {  	_ =	swait.ge [sflag:s15], $0x1400  }
0x57: {  	[sflag:s15] =	ssyncset.done $0x0  }
0x58: {  	[sflag:s15] =	ssyncadd.s32 $0xFFFFEC00  }
0x59: {  	_ =	sfence.sel $0x180000  }
0x5a: {  	[bflag:$0x0] =	sbarrier.arrive $0xFFFF  }
0x5b: {  	p0 =	sne.s32 s0, $0x0;
	_ =	strace $0x9000004D  }
0x5c: {  	s0 =	sadd.s32 @!p0 $0x100000, s1;
	[bflag:$0x2] =	sbarrier.arrive $0xFFFF  }
0x5d: {  	[sflag:s0] =	ssyncadd.tile.s32 @!p0 $0x1;
	_ =	shalt  }
.Lfunc_end2:
_tile_overlayer_lowered:
.L_overlay_start_2:
0x5e: {  	(tag) =	ssettag $0x2  }
0x5f: {  	s0 =	rddreg [dreg:$0x0];
	s2 =	stileid.u32  }
0x60: {  	s1 =	rddreg [dreg:$0x1];
	p0 =	sne.s32 s2, $0x0  }
0x61: {  	s3 =	rddreg [dreg:$0x2];
	[bflag:$0x3] =	sbarrier.arrive $0xFFFF;
	s2 =	simm.s32 @!p0 $0x1C02  }
0x62: {  	[timem:s3], [sflag:s2] =	dma.local @!p0 [hbm:s0], s1  }
0x63: {  	s0 =	simm.s32 @!p0 $0x2  }
0x64: {  	_ =	swait.ge @!p0 [sflag:s0], s1  }
0x65: {  	s1 =	ssub.s32 @!p0 $0x0, s1;
	[sflag:s0] =	ssyncset.done @!p0 $0x0  }
0x66: {  	[sflag:s0] =	ssyncadd.s32 @!p0 s1  }
0x67: {  	[bflag:$0x3] =	sbarrier.arrive $0xFFFF  }
0x68: {  	_ =	shalt  }

// kernel: kernel.20.cloned.1.call-start
scs
__scs_entry_jumppad:
0x0: {  	(pc) =	sbr.rel $0x88, $3  }
0x1: {  	(tag) =	ssettag $0x0;
	lr =	simm.s32 $0x1  }
0x2: {  	[smem:$0x3F99] =	sst lr;
	_ =	strace $0xD0000000  }
0x3: {  	_ = 	snop  }
0x4: {  	_ = 	snop  }
0x5: {  	_ = 	snop  }
0x6: {  	_ = 	snop  }
0x7: {  	_ = 	snop  }
__scs_overlays_trampoline_lowered:
0x8: {  	[smem:$0x3FA8] =	sst s0  }
0x9: {  	[smem:$0x3FA9] =	sst s1  }
0xa: {  	[smem:$0x3FAA] =	sst s2  }
0xb: {  	[smem:$0x3FAB] =	sst s3  }
0xc: {  	[smem:$0x3FAC] =	sst s4  }
0xd: {  	[smem:$0x3FAD] =	sst s5  }
0xe: {  	[smem:$0x3FAE] =	sst s6  }
0xf: {  	[smem:$0x3FAF] =	sst s7  }
0x10: {  	[smem:$0x3FB0] =	sst s8  }
0x11: {  	[smem:$0x3FB1] =	sst s9;
	s0 =	simm.s32 @!p0 $0x0  }
0x12: {  	s1 =	sld [smem:$0x3F97];
	s0 =	simm.s32 @p0 $0x1  }
0x13: {  	[smem:$0x3FB2] =	sst s0;
	s0 =	simm.s32 @!p1 $0x0  }
0x14: {  	s2 =	sld [smem:$0x3F96];
	s0 =	simm.s32 @p1 $0x1  }
0x15: {  	[smem:$0x3FB3] =	sst s0;
	s0 =	simm.s32 @!p2 $0x0  }
0x16: {  	s3 =	sld [smem:$0x3FDB];
	s0 =	simm.s32 @p2 $0x1  }
0x17: {  	s4 =	simm.s32 $0x1BF5;
	[smem:$0x3FB5] =	sst s0  }
0x18: {  	s0 =	sld [smem:$0x3F98];
	_ =	swait.ge [sflag:s4], $0x0  }
0x19: {  	s7 =	sld [smem:$0x3F99]  }
0x1a: {  	s8 =	sadd.s32 $0xFFFFE003, lr  }
0x1b: {  	s9 =	sadd.s32 $0xFFFFFEF7, lr;
	s5 =	simm.s32 $0xFFFFFFFF;
	p2 =	slt.u32 s8, $0xFFFFF086  }
0x1c: {  	p1 =	slt.u32 s9, $0xF7A;
	s5 =	simm.s32 @!p2 $0x0  }
0x1d: {  	s5 =	simm.s32 @p1 $0x1;
	p0 =	seq.s32 s7, s2  }
0x1e: {  	s7 =	smul.u32 @!p0 $0xF7A, s2;
	p2 =	seq.s32 @!p0 s5, $0x0  }
0x1f: {  	s9 =	smul.u32 $0xF7A, s1;
	s8 =	simm.s32 @!p0 $0x1BF5;
	p2 =	por !p2, p0  }
0x20: {  	[sflag:s8] =	ssyncset.s32 @!p0 $0xFFFFF086;
	s6 =	sadd.s32 @!p0 s3, s7;
	s7 =	simm.s32 @!p0 $0x108  }
0x21: {  	s3 =	sadd.s32 s3, s9;
	s6 =	sadd.s32 @!p0 $0x88, s6;
	s7 =	simm.s32 @p2 $0x1082  }
0x22: {  	[simem:s7], [sflag:s8] =	dma.local @!p0 [hbm:s6], $0xF7A  }
0x23: {  	s9 =	sor.u32 $0xD0000000, s2;
	s6 =	simm.s32 $0x108;
	_ =	swait.ge @!p0 [sflag:s8], $0x0  }
0x24: {  	s3 =	sadd.s32 $0x88, s3;
	s6 =	simm.s32 @!p1 $0x1082;
	[sflag:s4] =	ssyncset.s32 $0xFFFFF086  }
0x25: {  	[simem:s6], [sflag:s4] =	dma.local [hbm:s3], $0xF7A  }
0x26: {  	[smem:$0x3F99] =	sst s1;
	(tag) =	ssettag s2;
	_ =	strace s9  }
0x27: {  	s1 =	sld [smem:$0x3FA9]  }
0x28: {  	s2 =	sld [smem:$0x3FAA]  }
0x29: {  	s4 =	sld [smem:$0x3FAC]  }
0x2a: {  	p0 =	seq.s32 s5, $0x0;
	s5 =	sld [smem:$0x3FAD]  }
0x2b: {  	s6 =	sld [smem:$0x3FAE]  }
0x2c: {  	s7 =	sld [smem:$0x3FAF]  }
0x2d: {  	s3 =	simm.s32 $0x108;
	s8 =	sld [smem:$0x3FB0]  }
0x2e: {  	s3 =	simm.s32 @!p0 $0x1082;
	s9 =	sld [smem:$0x3FB1]  }
0x2f: {  	lr =	sadd.s32 s0, s3;
	s0 =	sld [smem:$0x3FA8]  }
0x30: {  	s3 =	sld [smem:$0x3FAB]  }
0x31: {  	[smem:$0x3FB4] =	sst s10  }
0x32: {  	s10 =	sld [smem:$0x3FB2];
	_ =	sdelay $0x3  }
0x33: {  	p0 =	seq.s32 s10, $0x1;
	s10 =	sld [smem:$0x3FB4];
	_ =	sdelay $0x3  }
0x34: {  	[smem:$0x3FB4] =	sst s10  }
0x35: {  	s10 =	sld [smem:$0x3FB3];
	_ =	sdelay $0x3  }
0x36: {  	p1 =	seq.s32 s10, $0x1;
	s10 =	sld [smem:$0x3FB4];
	_ =	sdelay $0x3  }
0x37: {  	[smem:$0x3FB4] =	sst s10  }
0x38: {  	s10 =	sld [smem:$0x3FB5]  }
0x39: {  	_ = 	snop;
	(pc) =	sbr.ind lr, $3  }
0x3a: {  	_ = 	snop  }
0x3b: {  	_ = 	snop  }
0x3c: {  	p2 =	seq.s32 s10, $0x1;
	s10 =	sld [smem:$0x3FB4]  }
0x3d: {  	_ =	shalt  }
0x3e: {  	_ =	shalt  }
0x3f: {  	_ =	shalt  }
0x40: {  	_ =	shalt  }
0x41: {  	_ =	shalt  }
0x42: {  	_ =	shalt  }
0x43: {  	_ =	shalt  }
0x44: {  	_ =	shalt  }
0x45: {  	_ =	shalt  }
0x46: {  	_ =	shalt  }
0x47: {  	_ =	shalt  }
0x48: {  	_ =	shalt  }
0x49: {  	_ =	shalt  }
0x4a: {  	_ =	shalt  }
0x4b: {  	_ =	shalt  }
0x4c: {  	_ =	shalt  }
0x4d: {  	_ =	shalt  }
0x4e: {  	_ =	shalt  }
0x4f: {  	_ =	shalt  }
0x50: {  	_ =	shalt  }
0x51: {  	_ =	shalt  }
0x52: {  	_ =	shalt  }
0x53: {  	_ =	shalt  }
0x54: {  	_ =	shalt  }
0x55: {  	_ =	shalt  }
0x56: {  	_ =	shalt  }
0x57: {  	_ =	shalt  }
0x58: {  	_ =	shalt  }
0x59: {  	_ =	shalt  }
0x5a: {  	_ =	shalt  }
0x5b: {  	_ =	shalt  }
0x5c: {  	_ =	shalt  }
0x5d: {  	_ =	shalt  }
0x5e: {  	_ =	shalt  }
0x5f: {  	_ =	shalt  }
0x60: {  	_ =	shalt  }
0x61: {  	_ =	shalt  }
0x62: {  	_ =	shalt  }
0x63: {  	_ =	shalt  }
0x64: {  	_ =	shalt  }
0x65: {  	_ =	shalt  }
0x66: {  	_ =	shalt  }
0x67: {  	_ =	shalt  }
0x68: {  	_ =	shalt  }
0x69: {  	_ =	shalt  }
0x6a: {  	_ =	shalt  }
0x6b: {  	_ =	shalt  }
0x6c: {  	_ =	shalt  }
0x6d: {  	_ =	shalt  }
0x6e: {  	_ =	shalt  }
0x6f: {  	_ =	shalt  }
0x70: {  	_ =	shalt  }
0x71: {  	_ =	shalt  }
0x72: {  	_ =	shalt  }
0x73: {  	_ =	shalt  }
0x74: {  	_ =	shalt  }
0x75: {  	_ =	shalt  }
0x76: {  	_ =	shalt  }
0x77: {  	_ =	shalt  }
0x78: {  	_ =	shalt  }
0x79: {  	_ =	shalt  }
0x7a: {  	_ =	shalt  }
0x7b: {  	_ =	shalt  }
0x7c: {  	_ =	shalt  }
0x7d: {  	_ =	shalt  }
0x7e: {  	_ =	shalt  }
0x7f: {  	_ =	shalt  }
0x80: {  	_ =	shalt  }
0x81: {  	_ =	shalt  }
0x82: {  	_ =	shalt  }
0x83: {  	_ =	shalt  }
0x84: {  	_ =	shalt  }
0x85: {  	_ =	shalt  }
0x86: {  	_ =	shalt  }
0x87: {  	_ =	shalt  }
.Lfunc_end0:
.L_simem_size_0:
called_computation.3_lowered:
.L_overlay_start_0:
0x88: {  	s2 =	sld [smem:$0x3FD9]  }
0x89: {  	s3 =	sld [smem:$0x3FFE];
	_ =	sdelay $0x1  }
0x8a: {  	s1 =	srdreg.scid  }
0x8b: {  	s0 =	sand.u32 $0x1, s1  }
0x8c: {  	s14 =	sshll.u32 s0, $0xA;
	s2 =	sadd.s32 s3, s2  }
0x8d: {  	s2 =	sadd.s32 s2, s14  }
0x8e: {  	[smem:$0x3FC0] =	sst s2  }
0x8f: {  	_ = 	snop  }
0x90: {  	s2 =	sld [smem:$0x3FD0];
	_ =	sdelay $0x2  }
0x91: {  	s15 =	simm.s32 $0xB;
	s4 =	simm.s32 $0x10  }
0x92: {  	[smem:s4], [sflag:s15] =	dma.local [hbm:s2], $0x1  }
0x93: {  	_ =	swait.eq [sflag:s15], $0x1  }
0x94: {  	[sflag:s15] =	ssyncset.done $0x0  }
0x95: {  	[sflag:s15] =	ssyncadd.s32 $0xFFFFFFFF  }
0x96: {  	s16 =	sld [smem:$0x11];
	(tm) =	ssettm $0x1  }
0x97: {  	s17 =	sld [smem:$0x3FFB];
	_ =	sdelay $0x3  }
0x98: {  	_ =	strace s17  }
0x99: {  	s3 =	sld [smem:$0x3FFC];
	_ =	sdelay $0x3  }
0x9a: {  	_ =	strace s3  }
0x9b: {  	s3 =	sld [smem:$0x3FFD];
	_ =	sdelay $0x3  }
0x9c: {  	_ =	strace s3  }
0x9d: {  	_ =	strace $0x8FFFFFFF  }
0x9e: {  	s18 =	sld [smem:$0x3FDB];
	_ =	sdelay $0x1  }
0x9f: {  	s19 =	simm.s32 $_scs_section_size  }
0xa0: {  	s5 =	simm.s32 $_size__tile_overlayer_lowered;
	s6 =	simm.s32 $_tile_overlayer_lowered  }
0xa1: {  	s22 =	simm.s32 $0x1BFF;
	s21 =	sshll.u32 s6, $0x1;
	s3 =	sadd.s32 s19, s18  }
0xa2: {  	s7 =	simm.s32 $0x0;
	s20 =	sshll.u32 s5, $0x1;
	s5 =	sadd.s32 s21, s3  }
0xa3: {  	[timem:s7], [sflag:s22] =	dma.local [hbm:s5], s20  }
0xa4: {  	_ =	swait.ge [sflag:s22], s20  }
0xa5: {  	s4 =	ssub.s32 $0x0, s20;
	[sflag:s22] =	ssyncset.done $0x0  }
0xa6: {  	[sflag:s22] =	ssyncadd.s32 s4;
	_ =	sdelay $0x1  }
0xa7: {  	s23 =	simm.s32 $0x1B8B  }
0xa8: {  	_ =	swait.ge [sflag:s23], $0x1  }
0xa9: {  	[sflag:s23] =	ssyncset.done $0x0  }
0xaa: {  	s25 =	simm.s32 $0x1B8E;
	s24 =	sld [smem:$0x3FFE];
	[sflag:s23] =	ssyncadd.s32 $0xFFFFFFFF  }
0xab: {  	s26 =	simm.s32 $execute0_lowered;
	[smem:$0x3FD2] =	sst s25  }
0xac: {  	s5 =	sshll.u32 s26, $0x1;
	_ =	strace $0x8000004F;
	[dreg:$0x1] =	wrdreg $0xFFFFFFFF  }
0xad: {  	s28 =	simm.s32 $_size_execute0_lowered;
	s3 =	sadd.s32 s3, s5;
	[dreg:$0x0] =	wrdreg $0x0  }
0xae: {  	s5 =	sshll.u32 s28, $0x1;
	[dreg:$0x2] =	wrdreg s3  }
0xaf: {  	[dreg:$0x3] =	wrdreg s5  }
0xb0: {  	[dreg:$0x4] =	wrdreg $0xC0  }
0xb1: {  	_ =	task [dreg:s7], $0x5FFFF  }
0xb2: {  	[dreg:$0x1] =	wrdreg $0xFFFFFFFF  }
0xb3: {  	[dreg:$0x0] =	wrdreg $0x60  }
0xb4: {  	[dreg:$0x2] =	wrdreg s16  }
0xb5: {  	[dreg:$0x3] =	wrdreg s24  }
0xb6: {  	[dreg:$0x4] =	wrdreg $0x11000  }
0xb7: {  	[dreg:$0x5] =	wrdreg $0x149800  }
0xb8: {  	[dreg:$0x6] =	wrdreg $0x9  }
0xb9: {  	_ =	task.clear_ibuf [dreg:s7], $0x7FFFF;
	_ =	strace $0x9000004F  }
0xba: {  	s29 =	simm.s32 $0x9;
	_ =	strace $0x80000051  }
0xbb: {  	_ =	swait.ge [sflag:s29], $0x1  }
0xbc: {  	[sflag:s29] =	ssyncadd.s32 $0xFFFFFFFF  }
0xbd: {  	_ =	strace $0x90000051  }
0xbe: {  	_ =	sfence  }
0xbf: {  	s30 =	sld [smem:$0x0];
	_ =	sdelay $0x2  }
0xc0: {  	s31 =	sshll.u32 s1, $0xD;
	s1 =	sshrl.u32 s1, $0x2  }
0xc1: {  	s3 =	sand.u32 $0x4000, s31;
	s1 =	sadd.s32 s1, s30  }
0xc2: {  	s0 =	sor.u32 s3, s0;
	s1 =	sshll.u32 s1, $0x11  }
0xc3: {  	s0 =	sor.u32 s1, s0  }
0xc4: {  	s0 =	sadd.s32 $0x8F2B, s0  }
0xc5: {  	[sflag:s0] =	ssyncadd.remote.s32 $0x1  }
0xc6: {  	_ =	sfence.sel $0xFFFF  }
0xc7: {  	[dreg:$0x0] =	wrdreg $0xFFFFFFFF;
	(pc) =	sbr.abs _section_cstart, $3  }
0xc8: {  	[dreg:$0x1] =	wrdreg $0xFFFFFFFF  }
0xc9: {  	_ =	task.clear_ibuf [dreg:s7], $0x2FFFF;
	_ =	strace $0x9FFFFFFF  }
0xca: {  	(tm) =	ssettm $0x7FFFFFFF  }
0xcb: {  	_ =	shalt  }
tec
execute0_lowered:
.L_overlay_start_1:
0x0: {  	(tag) =	ssettag $0x1  }
0x1: {  	s7 =	rddreg [dreg:$0x0]  }
0x2: {  	s6 =	rddreg [dreg:$0x1];
	s0 =	stileid.u32  }
0x3: {  	s2 =	rddreg [dreg:$0x2];
	s16 =	smul.u32 $0x5000, s0  }
0x4: {  	s1 =	srdreg.scid;
	s11 =	smul.u32 $0x4F000, s0  }
0x5: {  	s3 =	rddreg [dreg:$0x3];
	s4 =	simm.s32 $0x0;
	s13 =	smul.u32 $0x2780, s0  }
0x6: {  	s19 =	simm.s32 $0x100;
	s20 =	simm.s32 $0x1;
	s15 =	smul.u32 $0x28000, s0  }
0x7: {  	s5 =	sand.u32 $0x1, s1;
	s1 =	rddreg [dreg:$0x4];
	s22 =	smul.u32 $0x1400, s0  }
0x8: {  	[smem:$0x7FF] =	sst s4;
	p0 =	seq.s32 s0, $0xF;
	s8 =	smul.u32 $0x50000, s5  }
0x9: {  	s31 =	sshll.u32 s0, $0x6;
	s9 =	smul.u32 $0x14000, s5;
	_ =	strace $0x80000050  }
0xa: {  	s28 =	ssub.s32 $0x2, s5;
	s5 =	sadd.s32 $0x53C00, s6;
	s10 =	sadd.s32 s16, s6  }
0xb: {  	s14 =	sshrl.u32 s28, $0x1;
	s29 =	sshrl.u32 s11, $0x2;
	s30 =	sshrl.u32 s15, $0x2  }
0xc: {  	s11 =	sadd.s32 $0x128400, s2;
	s12 =	sadd.s32 s8, s6;
	s9 =	sadd.s32 s9, s6  }
0xd: {  	s14 =	ssub.s32 s28, s14;
	s17 =	sadd.s32 s29, s2;
	s6 =	sadd.s32 s7, s13  }
0xe: {  	s7 =	sadd.s32 $0x25080, s7;
	s15 =	sadd.s32 s30, s3;
	s8 =	sadd.s32 $0xA6400, s10  }
0xf: {  	s10 =	sshrl.u32 @p0 s11, $0x3;
	s11 =	sshll.u32 @!p0 s0, $0x6;
	s13 =	sor.u32 $0x1C02, s31  }
0x10: {  	s18 =	sadd.s32 $0xF6400, s12;
	s21 =	sadd.s32 $0x3C00, s9;
	s9 =	smax.u32 s14, $0x1  }
0x11: {  	s11 =	sor.u32 @!p0 $0x1C02, s11;
	s12 =	sshrl.u32 @!p0 s17, $0x3;
	s14 =	sshrl.u32 s15, $0x3  }
0x12: {  	s15 =	simm.s32 $0x2;
	s17 =	simm.s32 $0x80;
	s16 =	sadd.s32 s16, s18  }
0x13: {  	s18 =	simm.s32 $0x20;
	s21 =	sadd.s32 s22, s21;
	s22 =	simm.s32 $0x0  }
.LBB2_1:
0x14: {  	s23 =	simm.s32 @p0 $0x1FC2  }
0x15: {  	[spmem:s10], [sflag:s23] =	dma.local @p0 [hbm:s7], $0x2080  }
0x16: {  	s23 =	simm.s32 @p0 $0x2  }
0x17: {  	_ =	swait.ge @p0 [sflag:s23], $0x2080  }
0x18: {  	[sflag:s23] =	ssyncset.done @p0 $0x0  }
0x19: {  	[sflag:s23] =	ssyncadd.s32 @p0 $0xFFFFDF80;
	s23 =	simm.s32 @!p0 $0x2  }
0x1a: {  	[spmem:s12], [sflag:s11] =	dma.local @!p0 [hbm:s6], $0x2780  }
0x1b: {  	_ =	swait.ge @!p0 [sflag:s23], $0x2780  }
0x1c: {  	[sflag:s23] =	ssyncset.done @!p0 $0x0  }
0x1d: {  	[sflag:s23] =	ssyncadd.s32 @!p0 $0xFFFFD880  }
0x1e: {  	[spmem:s14], [sflag:s13] =	dma.local [hbm:s5], $0x1400  }
0x1f: {  	_ =	swait.ge [sflag:s15], $0x1400  }
0x20: {  	[sflag:s15] =	ssyncset.done $0x0  }
0x21: {  	[sflag:s15] =	ssyncadd.s32 $0xFFFFEC00  }
0x22: {  	s30 =	sadd.s32 $0x0, s8;
	[bflag:$0x0] =	sbarrier.arrive $0xFFFF  }
0x23: {  	[tilespmem:s4], [sflag:$0x2] =	stream.linear.gather [hbm4b:s30+s4], $0x80, $0x38;
	[tilespmem:$0x1E980] =	vst v63  }
0x24: {  	_ =	swait.ge [sflag:s15], $0x80  }
0x25: {  	[sflag:s15] =	ssyncset.done $0x0  }
0x26: {  	s31 =	sadd.s32 $0x0, s16;
	[sflag:s15] =	ssyncadd.s32 $0xFFFFFF80  }
0x27: {  	[tilespmem:s17], [sflag:$0x2] =	stream.linear.gather [hbm4b:s31+s4], $0x80, $0x38;
	[tilespmem:$0x1E980] =	vst v63  }
0x28: {  	_ =	swait.ge [sflag:s15], $0x80  }
0x29: {  	[sflag:s15] =	ssyncset.done $0x0  }
0x2a: {  	[sflag:s15] =	ssyncadd.s32 $0xFFFFFF80  }
0x2b: {  	[tilespmem:s19], [sflag:$0x1] =	stream.indirect.gather [spmem:s2], $0x80, s4, s18, $0xb8;
	[tilespmem:$0x1E980] =	vst v63  }
0x2c: {  	_ =	swait.ge [sflag:s20], $0x1000  }
0x2d: {  	[sflag:s20] =	ssyncset.done $0x0  }
0x2e: {  	[sflag:s20] =	ssyncadd.s32 $0xFFFFF000  }
0x2f: {  	[spmem:s3] =	stream.indirect.scatter.add.f32 [tilespmem:s19], [sflag:$0x2], $0x80, s17, s18, $0xb8;
	[tilespmem:$0x1E980] =	vst v63  }
0x30: {  	_ =	swait.ge [sflag:s15], $0x1000  }
0x31: {  	s24 =	simm.s32 $0x20;
	s23 =	simm.s32 $0x10;
	[sflag:s15] =	ssyncset.done $0x0  }
.LBB2_2:
0x32: {  	s25 =	sadd.s32 s23, s8  }
0x33: {  	[sflag:s15] =	ssyncadd.s32 $0xFFFFF000;
	s26 =	smov.u32 s24;
	s28 =	sadd.s32 $0x10, s24  }
0x34: {  	[tilespmem:s4], [sflag:$0x2] =	stream.linear.gather [hbm4b:s25+s4], $0x80, $0x38;
	[tilespmem:$0x1E980] =	vst v63  }
0x35: {  	p1 =	sne.s32 s24, $0x4FF0;
	_ =	swait.ge [sflag:s15], $0x80  }
0x36: {  	[sflag:s15] =	ssyncset.done $0x0  }
0x37: {  	s24 =	sadd.s32 s23, s16;
	s23 =	smov.u32 s26;
	[sflag:s15] =	ssyncadd.s32 $0xFFFFFF80  }
0x38: {  	[tilespmem:s17], [sflag:$0x2] =	stream.linear.gather [hbm4b:s24+s4], $0x80, $0x38;
	[tilespmem:$0x1E980] =	vst v63  }
0x39: {  	_ =	swait.ge [sflag:s15], $0x80  }
0x3a: {  	[sflag:s15] =	ssyncset.done $0x0  }
0x3b: {  	[sflag:s15] =	ssyncadd.s32 $0xFFFFFF80  }
0x3c: {  	[tilespmem:s19], [sflag:$0x1] =	stream.indirect.gather [spmem:s2], $0x80, s4, s18, $0xb8;
	[tilespmem:$0x1E980] =	vst v63  }
0x3d: {  	_ =	swait.ge [sflag:s20], $0x1000  }
.Ltmp0:
0x3e: {  	[sflag:s20] =	ssyncset.done $0x0;
	(pc) =	sbr.rel @p1 .LBB2_2-.Ltmp0, $4  }
0x3f: {  	[sflag:s20] =	ssyncadd.s32 $0xFFFFF000  }
0x40: {  	[spmem:s3] =	stream.indirect.scatter.add.f32 [tilespmem:s19], [sflag:$0x2], $0x80, s17, s18, $0xb8;
	[tilespmem:$0x1E980] =	vst v63  }
0x41: {  	_ =	swait.ge [sflag:s15], $0x1000  }
0x42: {  	s24 =	smov.u32 s28;
	[sflag:s15] =	ssyncset.done $0x0  }
0x43: {  	s24 =	sadd.s32 s23, s8;
	[sflag:s15] =	ssyncadd.s32 $0xFFFFF000  }
0x44: {  	[tilespmem:s4], [sflag:$0x2] =	stream.linear.gather [hbm4b:s24+s4], $0x80, $0x38;
	[tilespmem:$0x1E980] =	vst v63  }
0x45: {  	_ =	swait.ge [sflag:s15], $0x80  }
0x46: {  	[sflag:s15] =	ssyncset.done $0x0  }
0x47: {  	s31 =	sadd.s32 s23, s16;
	[sflag:s15] =	ssyncadd.s32 $0xFFFFFF80  }
0x48: {  	[tilespmem:s17], [sflag:$0x2] =	stream.linear.gather [hbm4b:s31+s4], $0x80, $0x38;
	[tilespmem:$0x1E980] =	vst v63  }
0x49: {  	_ =	swait.ge [sflag:s15], $0x80  }
0x4a: {  	[sflag:s15] =	ssyncset.done $0x0  }
0x4b: {  	[sflag:s15] =	ssyncadd.s32 $0xFFFFFF80  }
0x4c: {  	[tilespmem:s19], [sflag:$0x1] =	stream.indirect.gather [spmem:s2], $0x80, s4, s18, $0xb8;
	[tilespmem:$0x1E980] =	vst v63  }
0x4d: {  	_ =	swait.ge [sflag:s20], $0x1000  }
0x4e: {  	[sflag:s20] =	ssyncset.done $0x0  }
0x4f: {  	[sflag:s20] =	ssyncadd.s32 $0xFFFFF000  }
0x50: {  	[spmem:s3] =	stream.indirect.scatter.add.f32 [tilespmem:s19], [sflag:$0x2], $0x80, s17, s18, $0xb8;
	[tilespmem:$0x1E980] =	vst v63  }
0x51: {  	_ =	swait.ge [sflag:s15], $0x1000  }
0x52: {  	s22 =	sadd.s32 $0x1, s22;
	[sflag:s15] =	ssyncset.done $0x0  }
0x53: {  	p1 =	sne.s32 s22, s9;
	[sflag:s15] =	ssyncadd.s32 $0xFFFFF000  }
.Ltmp1:
0x54: {  	[bflag:$0x0] =	sbarrier.arrive $0xFFFF;
	(pc) =	sbr.rel @p1 .LBB2_1-.Ltmp1, $4  }
0x55: {  	[hbm:s21], [sflag:s13] =	dma.local [spmem:s14], $0x1400  }
0x56: {  	_ =	swait.ge [sflag:s15], $0x1400  }
0x57: {  	[sflag:s15] =	ssyncset.done $0x0  }
0x58: {  	[sflag:s15] =	ssyncadd.s32 $0xFFFFEC00  }
0x59: {  	_ =	sfence.sel $0x180000  }
0x5a: {  	[bflag:$0x0] =	sbarrier.arrive $0xFFFF  }
0x5b: {  	p0 =	sne.s32 s0, $0x0;
	_ =	strace $0x90000050  }
0x5c: {  	s0 =	sadd.s32 @!p0 $0x100000, s1;
	[bflag:$0x2] =	sbarrier.arrive $0xFFFF  }
0x5d: {  	[sflag:s0] =	ssyncadd.tile.s32 @!p0 $0x1;
	_ =	shalt  }
.Lfunc_end2:
_tile_overlayer_lowered:
.L_overlay_start_2:
0x5e: {  	(tag) =	ssettag $0x2  }
0x5f: {  	s0 =	rddreg [dreg:$0x0];
	s2 =	stileid.u32  }
0x60: {  	s1 =	rddreg [dreg:$0x1];
	p0 =	sne.s32 s2, $0x0  }
0x61: {  	s3 =	rddreg [dreg:$0x2];
	[bflag:$0x3] =	sbarrier.arrive $0xFFFF;
	s2 =	simm.s32 @!p0 $0x1C02  }
0x62: {  	[timem:s3], [sflag:s2] =	dma.local @!p0 [hbm:s0], s1  }
0x63: {  	s0 =	simm.s32 @!p0 $0x2  }
0x64: {  	_ =	swait.ge @!p0 [sflag:s0], s1  }
0x65: {  	s1 =	ssub.s32 @!p0 $0x0, s1;
	[sflag:s0] =	ssyncset.done @!p0 $0x0  }
0x66: {  	[sflag:s0] =	ssyncadd.s32 @!p0 s1  }
0x67: {  	[bflag:$0x3] =	sbarrier.arrive $0xFFFF  }
0x68: {  	_ =	shalt  }

</sc_bundles>
